<compile_context>
chip_gen: v7x
topology: tpu7x:2x2x1
jax: 0.10.2.dev20260603
libtpu: 0.0.44.dev20260713+nightly
codegen_flags: <defaults>
</compile_context>

<pallas_src>
import functools

import jax
import jax.numpy as jnp
from jax import lax
from jax.experimental import pallas as pl
from jax.experimental.pallas import tpu as pltpu
from jax.experimental.pallas import tpu_sc as plsc

NC, NS = 2, 16
NW = 28
UNITS_W = 7
STEP = 1.0 / 7

_mesh = plsc.VectorSubcoreMesh(
    core_axis_name="c", subcore_axis_name="s", num_cores=NC, num_subcores=NS
)


def _full(v):
    return jnp.full((16,), v, jnp.int32)


def _body(pred_ref, tgt_ref, boxes_ref, masks_ref,
          idxb, prows, tq, bx0, bx1, mb, sem):
    wid = lax.axis_index("s") * NC + lax.axis_index("c")

    iota = lax.iota(jnp.int32, 16)
    fzero = jnp.zeros((16,), jnp.float32)
    step = jnp.full((16,), STEP, jnp.float32)
    expmask = _full(0x7FFFFFFF)
    inf_bits = _full(0x7F800000)
    one = _full(1)
    zero = _full(0)
    f0 = _full(0)

    @pl.when(wid < NW)
    def _work():
        def prefetch(u_, carry):
            u = UNITS_W * wid + u_
            f = lax.div(u, 4)
            q = lax.rem(u, 4)
            qh = lax.div(q, 2)
            for v in range(3):
                g = jnp.minimum(16 * v + iota, 39)
                h = lax.div(g, 20)
                r = lax.rem(g, 20)
                p = lax.div(r, 10)
                kc = lax.rem(r, 10)
                m = 490 * p + 10 * f + kc
                brow = lax.div(m, 20) * 30 + 10 + lax.rem(m, 20)
                idxb[u_, pl.ds(16 * v, 16)] = brow * 4 + qh + 2 * h
            idxb[u_, pl.ds(48, 16)] = (30 * f + jnp.minimum(iota, 9)) * 4 + q
            pltpu.async_copy(pred_ref.at[idxb.at[u_, pl.ds(0, 48)]],
                             prows.at[u_], sem.at[u_, 0])
            pltpu.async_copy(tgt_ref.at[idxb.at[u_, pl.ds(48, 16)]],
                             tq.at[u_], sem.at[u_, 1])
            return carry

        lax.fori_loop(0, UNITS_W, prefetch, 0)

        def unit(u_, carry):
            u = UNITS_W * wid + u_
            f = lax.div(u, 4)
            q = lax.rem(u, 4)
            y = lax.div(f, 7)
            x = lax.rem(f, 7)
            qh = lax.div(q, 2)
            qo = lax.rem(q, 2) * 32

            pltpu.make_async_copy(pred_ref.at[idxb.at[u_, pl.ds(0, 48)]],
                                  prows.at[u_], sem.at[u_, 0]).wait()
            pltpu.make_async_copy(tgt_ref.at[idxb.at[u_, pl.ds(48, 16)]],
                                  tq.at[u_], sem.at[u_, 1]).wait()

            gi = x.astype(jnp.float32) + fzero
            gj = y.astype(jnp.float32) + fzero

            def conv(box):
                bx, by, bw, bh = box
                cx = (bx + gi) * step - bw * 0.5
                cy = (by + gj) * step - bh * 0.5
                return (jnp.maximum(cx, fzero), jnp.maximum(cy, fzero),
                        jnp.maximum(bw, fzero), jnp.maximum(bh, fzero))

            def iou(pb, tb):
                x1, y1, w1, h1 = conv(pb)
                x2, y2, w2, h2 = conv(tb)
                iw = w1 + w2 - (jnp.maximum(x1 + w1, x2 + w2)
                                - jnp.minimum(x1, x2))
                ih = h1 + h2 - (jnp.maximum(y1 + h1, y2 + h2)
                                - jnp.minimum(y1, y2))
                iw = jnp.maximum(iw, fzero)
                ih = jnp.maximum(ih, fzero)
                inter = iw * ih
                union = w1 * h1 + w2 * h2 - inter
                return inter / union

            for p in (0, 1):
                for s in (0, 1):
                    col = qo + 16 * s
                    bloc = 2 * (16 * s + iota) + p

                    def pld(h, k, c):
                        return prows[u_, h * 20 + p * 10 + k * 5 + c,
                                     pl.ds(col, 16)]

                    def tld(off):
                        return plsc.load_gather(tq.at[u_],
                                                [_full(off), bloc])

                    pb = {(k, c): pld(0, k, c)
                          for k in (0, 1) for c in range(5)}
                    iou0 = iou([pb[(0, c)] for c in range(4)],
                               [tld(c) for c in range(4)])
                    iou1 = iou([pb[(1, c)] for c in range(4)],
                               [tld(5 + c) for c in range(4)])
                    nan0 = (plsc.bitcast(iou0, jnp.int32) & expmask) > inf_bits
                    nan1 = (plsc.bitcast(iou1, jnp.int32) & expmask) > inf_bits
                    maxi1 = (iou1 > iou0) | (nan1 & (~nan0))
                    ioumax = jnp.where(maxi1, iou1, iou0)

                    tc0 = tld(4)
                    tc1 = tld(9)
                    sig = tc1 > 4.0
                    pb[(0, 4)] = jnp.where(
                        sig, jnp.where(maxi1, fzero, ioumax), pb[(0, 4)])
                    pb[(1, 4)] = jnp.where(
                        sig, jnp.where(maxi1, ioumax, fzero), pb[(1, 4)])

                    for k in (0, 1):
                        for c in range(5):
                            plsc.store_scatter(
                                bx0, [f0, f0, _full(c), f0, _full(k), bloc],
                                pb[(k, c)])
                            plsc.store_scatter(
                                bx1, [f0, f0, _full(c), f0, _full(k), bloc],
                                pld(1, k, c))

                    obj0 = jnp.where(tc0 > 4.0, one, zero)
                    obj1 = jnp.where(sig, one, zero)
                    objn0 = jnp.where(sig & maxi1, zero, obj0)
                    objn1 = jnp.where(sig & (~maxi1), zero, obj1)
                    plsc.store_scatter(mb, [f0, f0, f0, f0, bloc], objn0)
                    plsc.store_scatter(mb, [f0, f0, one, f0, bloc], objn1)
                    plsc.store_scatter(mb, [one, f0, f0, f0, bloc],
                                       one - objn0)
                    plsc.store_scatter(mb, [one, f0, one, f0, bloc],
                                       one - objn1)

            pltpu.sync_copy(
                bx0, boxes_ref.at[pl.ds(y, 1), pl.ds(x, 1), pl.ds(0, 5),
                                  pl.ds(qh, 1), pl.ds(0, 2),
                                  pl.ds(qo * 2, 64)])
            pltpu.sync_copy(
                bx1, boxes_ref.at[pl.ds(y, 1), pl.ds(x, 1), pl.ds(0, 5),
                                  pl.ds(2 + qh, 1), pl.ds(0, 2),
                                  pl.ds(qo * 2, 64)])
            pltpu.sync_copy(
                mb, masks_ref.at[pl.ds(0, 2), pl.ds(y, 1), pl.ds(0, 2),
                                 pl.ds(x, 1), pl.ds(64 * q, 64)])
            return carry

        lax.fori_loop(0, UNITS_W, unit, 0)


_sc_call = functools.partial(
    pl.kernel,
    out_type=[
        jax.ShapeDtypeStruct((7, 7, 5, 4, 2, 128), jnp.float32),
        jax.ShapeDtypeStruct((2, 7, 2, 7, 256), jnp.int32),
    ],
    mesh=_mesh,
    compiler_params=pltpu.CompilerParams(use_tc_tiling_on_sc=False,
                                         needs_layout_passes=False),
    scratch_types=[
        pltpu.VMEM((7, 64), jnp.int32),
        pltpu.VMEM((7, 48, 64), jnp.float32),
        pltpu.VMEM((7, 16, 64), jnp.float32),
        pltpu.VMEM((1, 1, 5, 1, 2, 64), jnp.float32),
        pltpu.VMEM((1, 1, 5, 1, 2, 64), jnp.float32),
        pltpu.VMEM((2, 1, 2, 1, 64), jnp.int32),
        pltpu.SemaphoreType.DMA((7, 2)),
    ],
)(_body)


def kernel(pred, target):
    pt = jnp.transpose(pred, (1, 2, 3, 0)).reshape(5880, 64)
    tt = jnp.transpose(target, (1, 2, 3, 0)).reshape(5880, 64)
    boxes6, m2 = _sc_call(pt, tt)
    boxes = boxes6.transpose((3, 5, 0, 1, 4, 2)).reshape(512, 7, 7, 2, 5)
    mboth = m2.transpose((0, 4, 1, 3, 2)).astype(jnp.bool_)
    return (boxes, mboth[0], mboth[1])

# --- scband reference (transcript-rebuilt; emitter-appended) ---
"""Pipeline reference for scband-yolo-loss-8830452761130 (READ-ONLY COPY).

The authoritative reference and input builder live on the scoring server;
editing this copy changes nothing except your own understanding.
"""

import jax, jax.numpy as jnp
import numpy as np


def setup_inputs(seed: int = 0) -> dict:
    key = jax.random.key(seed)
    k1, k2 = jax.random.split(key)
    pred = jax.random.normal(k1, (256, 7, 7, 30), dtype=jnp.float32)
    # scale target so that some confidence entries exceed the (buggy) >4 threshold
    target = jax.random.normal(k2, (256, 7, 7, 30), dtype=jnp.float32) * 3.0
    return {"pred": pred, "target": target}


def _convert_box(box, gi, gj):
    # box: (..., 4) with layout [x, y, w, h]; gi = column index i, gj = row index j
    step = 1.0 / 7
    cx = (box[..., 0] + gi) * step - box[..., 2] / 2
    cy = (box[..., 1] + gj) * step - box[..., 3] / 2
    out = jnp.stack([cx, cy, box[..., 2], box[..., 3]], axis=-1)
    # torch.clamp(box, 0) clamps every component to min 0
    return jnp.clip(out, 0.0, None)


def _compute_iou(b1, b2):
    x1, y1, w1, h1 = b1[..., 0], b1[..., 1], b1[..., 2], b1[..., 3]
    x2, y2, w2, h2 = b2[..., 0], b2[..., 1], b2[..., 2], b2[..., 3]
    inter_w = w1 + w2 - (jnp.maximum(x1 + w1, x2 + w2) - jnp.minimum(x1, x2))
    inter_h = h1 + h2 - (jnp.maximum(y1 + h1, y2 + h2) - jnp.minimum(y1, y2))
    inter_w = jnp.clip(inter_w, 0.0, None)
    inter_h = jnp.clip(inter_h, 0.0, None)
    inter = inter_w * inter_h
    union = w1 * h1 + w2 * h2 - inter
    return inter / union


def reference(pred, target):
    Bn = pred.shape[0]
    # faithful to the original (including the pred[..., 10:] slice bug, which
    # yields a leading dim of 2*Bn after the reshape)
    target_boxes = target[:, :, :, :10].reshape(-1, 7, 7, 2, 5)   # (Bn,7,7,2,5)
    pred_boxes = pred[:, :, :, 10:].reshape(-1, 7, 7, 2, 5)       # (2*Bn,7,7,2,5)
    obj_mask = (target_boxes[..., 4] > 4).astype(jnp.uint8)        # (Bn,7,7,2)
    sig_mask = obj_mask[..., 1].astype(bool)                       # (Bn,7,7)

    # grid indices: index passed in loop is [x, y] -> i = x (axis 2), j = y (axis 1)
    gi = jnp.arange(7, dtype=pred.dtype).reshape(1, 1, 7, 1)
    gj = jnp.arange(7, dtype=pred.dtype).reshape(1, 7, 1, 1)

    pb = pred_boxes[:Bn]
    cb_p = _convert_box(pb[..., :4], gi, gj)
    cb_t = _convert_box(target_boxes[..., :4], gi, gj)
    ious = _compute_iou(cb_p, cb_t)                                # (Bn,7,7,2)
    iou_max = jnp.max(ious, axis=-1)
    max_i = jnp.argmax(ious, axis=-1)
    box_ids = jnp.arange(2).reshape(1, 1, 1, 2)
    is_max = box_ids == max_i[..., None]

    # pred_boxes[..., max_i, 4] = iou.item() (detached); other box conf -> 0
    new_conf = jnp.where(is_max, jax.lax.stop_gradient(iou_max)[..., None], 0.0)
    conf = jnp.where(sig_mask[..., None], new_conf, pb[..., 4])
    pb_new = pb.at[..., 4].set(conf)
    pred_boxes_out = pred_boxes.at[:Bn].set(pb_new)

    # obj_mask[img_i, y, x, 1 - max_i] = 0 at masked cells
    obj_mask_new = jnp.where(sig_mask[..., None] & (~is_max), 0, obj_mask).astype(bool)
    noobj_mask = ~obj_mask_new
    return pred_boxes_out, obj_mask_new, noobj_mask

if __name__ == "__main__":
    import jax
    _d = setup_inputs()
    print(jax.jit(kernel)(*tuple(_d.values())))

</pallas_src>

<mosaic_0001>
#map = affine_map<(d0, d1) -> (0, 0)>
#map1 = affine_map<(d0, d1) -> (0, 0, 0, 0, 0, 0)>
#map2 = affine_map<(d0, d1) -> (0, 0, 0, 0, 0)>
module attributes {stable_mosaic.version = 14 : i64} {
  func.func @_body(%arg0: i32, %arg1: i32, %arg2: memref<5880x64xf32, #tpu.memory_space<hbm>>, %arg3: memref<5880x64xf32, #tpu.memory_space<hbm>>, %arg4: memref<7x7x5x4x2x128xf32, #tpu.memory_space<hbm>>, %arg5: memref<2x7x2x7x256xi32, #tpu.memory_space<hbm>>, %arg6: memref<7x64xi32, #tpu.memory_space<vmem>>, %arg7: memref<7x48x64xf32, #tpu.memory_space<vmem>>, %arg8: memref<7x16x64xf32, #tpu.memory_space<vmem>>, %arg9: memref<1x1x5x1x2x64xf32, #tpu.memory_space<vmem>>, %arg10: memref<1x1x5x1x2x64xf32, #tpu.memory_space<vmem>>, %arg11: memref<2x1x2x1x64xi32, #tpu.memory_space<vmem>>, %arg12: memref<7x2x!tpu.dma_semaphore, #tpu.memory_space<semaphore_mem>>) attributes {dimension_semantics = [#tpu.dimension_semantics<core_parallel>, #tpu.dimension_semantics<subcore_parallel>], iteration_bounds = array<i64: 2, 16>, scalar_prefetch = 0 : i64, scratch_operands = 7 : i64, tpu.core_type = #tpu.core_type<sc_vector_subcore>, window_params = [{transform_indices = #map}, {transform_indices = #map}, {transform_indices = #map1}, {transform_indices = #map2}]} {
    %mul3A = arith.constant 2 : i32
    %mul3A_0 = arith.muli %arg1, %mul3A : i32
    %add3A = arith.addi %mul3A_0, %arg0 : i32
    %iota3A = tpu.iota {dimensions = array<i32: 0>} : vector<16xi32>
    %broadcast_in_dim3A = arith.constant 0.000000e+00 : f32
    %broadcast_in_dim3A_1 = vector.broadcast %broadcast_in_dim3A : f32 to vector<16xf32>
    %broadcast_in_dim3A_2 = arith.constant 0.142857149 : f32
    %broadcast_in_dim3A_3 = vector.broadcast %broadcast_in_dim3A_2 : f32 to vector<16xf32>
    %broadcast_in_dim3A_4 = arith.constant 2147483647 : i32
    %broadcast_in_dim3A_5 = vector.broadcast %broadcast_in_dim3A_4 : i32 to vector<16xi32>
    %broadcast_in_dim3A_6 = arith.constant 2139095040 : i32
    %broadcast_in_dim3A_7 = vector.broadcast %broadcast_in_dim3A_6 : i32 to vector<16xi32>
    %broadcast_in_dim3A_8 = arith.constant 1 : i32
    %broadcast_in_dim3A_9 = vector.broadcast %broadcast_in_dim3A_8 : i32 to vector<16xi32>
    %broadcast_in_dim3A_10 = arith.constant 0 : i32
    %broadcast_in_dim3A_11 = vector.broadcast %broadcast_in_dim3A_10 : i32 to vector<16xi32>
    %broadcast_in_dim3A_12 = arith.constant 0 : i32
    %broadcast_in_dim3A_13 = vector.broadcast %broadcast_in_dim3A_12 : i32 to vector<16xi32>
    %lt3A = arith.constant 28 : i32
    %lt3A_14 = arith.cmpi slt, %add3A, %lt3A : i32
    %convert_element_type3A = arith.extui %lt3A_14 : i1 to i32
    %cond3A = arith.constant 0 : i32
    %cond3A_15 = arith.cmpi ne, %convert_element_type3A, %cond3A : i32
    scf.if %cond3A_15 {
      %scan3A = arith.constant 0 : i32
      %scan3A_16 = arith.constant 0 : i32
      %scan3A_17 = arith.constant 7 : i32
      %scan3A_18 = arith.addi %scan3A_16, %scan3A_17 : i32
      %scan3A_19 = arith.constant 1 : i32
      scf.for %scan3A_27 = %scan3A_16 to %scan3A_18 step %scan3A_19  : i32 {
        %mul3A_28 = arith.constant 7 : i32
        %mul3A_29 = arith.muli %mul3A_28, %add3A : i32
        %add3A_30 = arith.addi %mul3A_29, %scan3A_27 : i32
        %div3A = arith.constant 4 : i32
        %div3A_31 = arith.divsi %add3A_30, %div3A : i32
        %rem3A = arith.constant 4 : i32
        %rem3A_32 = arith.remsi %add3A_30, %rem3A : i32
        %div3A_33 = arith.constant 2 : i32
        %div3A_34 = arith.divsi %rem3A_32, %div3A_33 : i32
        %add3A_35 = arith.constant 0 : i32
        %add3A_36 = vector.broadcast %add3A_35 : i32 to vector<16xi32>
        %add3A_37 = arith.addi %add3A_36, %iota3A : vector<16xi32>
        %min3A = arith.constant 39 : i32
        %min3A_38 = vector.broadcast %min3A : i32 to vector<16xi32>
        %min3A_39 = arith.minsi %add3A_37, %min3A_38 : vector<16xi32>
        %div3A_40 = arith.constant 20 : i32
        %div3A_41 = vector.broadcast %div3A_40 : i32 to vector<16xi32>
        %div3A_42 = arith.divsi %min3A_39, %div3A_41 : vector<16xi32>
        %rem3A_43 = arith.constant 20 : i32
        %rem3A_44 = vector.broadcast %rem3A_43 : i32 to vector<16xi32>
        %rem3A_45 = arith.remsi %min3A_39, %rem3A_44 : vector<16xi32>
        %div3A_46 = arith.constant 10 : i32
        %div3A_47 = vector.broadcast %div3A_46 : i32 to vector<16xi32>
        %div3A_48 = arith.divsi %rem3A_45, %div3A_47 : vector<16xi32>
        %rem3A_49 = arith.constant 10 : i32
        %rem3A_50 = vector.broadcast %rem3A_49 : i32 to vector<16xi32>
        %rem3A_51 = arith.remsi %rem3A_45, %rem3A_50 : vector<16xi32>
        %mul3A_52 = arith.constant 490 : i32
        %mul3A_53 = vector.broadcast %mul3A_52 : i32 to vector<16xi32>
        %mul3A_54 = arith.muli %mul3A_53, %div3A_48 : vector<16xi32>
        %mul3A_55 = arith.constant 10 : i32
        %mul3A_56 = arith.muli %mul3A_55, %div3A_31 : i32
        %add3A_57 = vector.broadcast %mul3A_56 : i32 to vector<16xi32>
        %add3A_58 = arith.addi %mul3A_54, %add3A_57 : vector<16xi32>
        %add3A_59 = arith.addi %add3A_58, %rem3A_51 : vector<16xi32>
        %div3A_60 = arith.constant 20 : i32
        %div3A_61 = vector.broadcast %div3A_60 : i32 to vector<16xi32>
        %div3A_62 = arith.divsi %add3A_59, %div3A_61 : vector<16xi32>
        %mul3A_63 = arith.constant 30 : i32
        %mul3A_64 = vector.broadcast %mul3A_63 : i32 to vector<16xi32>
        %mul3A_65 = arith.muli %div3A_62, %mul3A_64 : vector<16xi32>
        %add3A_66 = arith.constant 10 : i32
        %add3A_67 = vector.broadcast %add3A_66 : i32 to vector<16xi32>
        %add3A_68 = arith.addi %mul3A_65, %add3A_67 : vector<16xi32>
        %rem3A_69 = arith.constant 20 : i32
        %rem3A_70 = vector.broadcast %rem3A_69 : i32 to vector<16xi32>
        %rem3A_71 = arith.remsi %add3A_59, %rem3A_70 : vector<16xi32>
        %add3A_72 = arith.addi %add3A_68, %rem3A_71 : vector<16xi32>
        %mul3A_73 = arith.constant 4 : i32
        %mul3A_74 = vector.broadcast %mul3A_73 : i32 to vector<16xi32>
        %mul3A_75 = arith.muli %add3A_72, %mul3A_74 : vector<16xi32>
        %add3A_76 = vector.broadcast %div3A_34 : i32 to vector<16xi32>
        %add3A_77 = arith.addi %mul3A_75, %add3A_76 : vector<16xi32>
        %mul3A_78 = arith.constant 2 : i32
        %mul3A_79 = vector.broadcast %mul3A_78 : i32 to vector<16xi32>
        %mul3A_80 = arith.muli %mul3A_79, %div3A_42 : vector<16xi32>
        %add3A_81 = arith.addi %add3A_77, %mul3A_80 : vector<16xi32>
        %swap3A = arith.index_cast %scan3A_27 : i32 to index
        %swap3A_82 = arith.constant 0 : index
        %swap3A_83 = tpu.vector_load %arg6[%swap3A, %swap3A_82] {strides = array<i32>} : memref<7x64xi32, #tpu.memory_space<vmem>>, vector<16xi32>,
        tpu.vector_store %arg6[%swap3A, %swap3A_82], %add3A_81 {strides = array<i32>} : memref<7x64xi32, #tpu.memory_space<vmem>>, vector<16xi32>,
        %add3A_84 = arith.constant 16 : i32
        %add3A_85 = vector.broadcast %add3A_84 : i32 to vector<16xi32>
        %add3A_86 = arith.addi %add3A_85, %iota3A : vector<16xi32>
        %min3A_87 = arith.constant 39 : i32
        %min3A_88 = vector.broadcast %min3A_87 : i32 to vector<16xi32>
        %min3A_89 = arith.minsi %add3A_86, %min3A_88 : vector<16xi32>
        %div3A_90 = arith.constant 20 : i32
        %div3A_91 = vector.broadcast %div3A_90 : i32 to vector<16xi32>
        %div3A_92 = arith.divsi %min3A_89, %div3A_91 : vector<16xi32>
        %rem3A_93 = arith.constant 20 : i32
        %rem3A_94 = vector.broadcast %rem3A_93 : i32 to vector<16xi32>
        %rem3A_95 = arith.remsi %min3A_89, %rem3A_94 : vector<16xi32>
        %div3A_96 = arith.constant 10 : i32
        %div3A_97 = vector.broadcast %div3A_96 : i32 to vector<16xi32>
        %div3A_98 = arith.divsi %rem3A_95, %div3A_97 : vector<16xi32>
        %rem3A_99 = arith.constant 10 : i32
        %rem3A_100 = vector.broadcast %rem3A_99 : i32 to vector<16xi32>
        %rem3A_101 = arith.remsi %rem3A_95, %rem3A_100 : vector<16xi32>
        %mul3A_102 = arith.constant 490 : i32
        %mul3A_103 = vector.broadcast %mul3A_102 : i32 to vector<16xi32>
        %mul3A_104 = arith.muli %mul3A_103, %div3A_98 : vector<16xi32>
        %mul3A_105 = arith.constant 10 : i32
        %mul3A_106 = arith.muli %mul3A_105, %div3A_31 : i32
        %add3A_107 = vector.broadcast %mul3A_106 : i32 to vector<16xi32>
        %add3A_108 = arith.addi %mul3A_104, %add3A_107 : vector<16xi32>
        %add3A_109 = arith.addi %add3A_108, %rem3A_101 : vector<16xi32>
        %div3A_110 = arith.constant 20 : i32
        %div3A_111 = vector.broadcast %div3A_110 : i32 to vector<16xi32>
        %div3A_112 = arith.divsi %add3A_109, %div3A_111 : vector<16xi32>
        %mul3A_113 = arith.constant 30 : i32
        %mul3A_114 = vector.broadcast %mul3A_113 : i32 to vector<16xi32>
        %mul3A_115 = arith.muli %div3A_112, %mul3A_114 : vector<16xi32>
        %add3A_116 = arith.constant 10 : i32
        %add3A_117 = vector.broadcast %add3A_116 : i32 to vector<16xi32>
        %add3A_118 = arith.addi %mul3A_115, %add3A_117 : vector<16xi32>
        %rem3A_119 = arith.constant 20 : i32
        %rem3A_120 = vector.broadcast %rem3A_119 : i32 to vector<16xi32>
        %rem3A_121 = arith.remsi %add3A_109, %rem3A_120 : vector<16xi32>
        %add3A_122 = arith.addi %add3A_118, %rem3A_121 : vector<16xi32>
        %mul3A_123 = arith.constant 4 : i32
        %mul3A_124 = vector.broadcast %mul3A_123 : i32 to vector<16xi32>
        %mul3A_125 = arith.muli %add3A_122, %mul3A_124 : vector<16xi32>
        %add3A_126 = vector.broadcast %div3A_34 : i32 to vector<16xi32>
        %add3A_127 = arith.addi %mul3A_125, %add3A_126 : vector<16xi32>
        %mul3A_128 = arith.constant 2 : i32
        %mul3A_129 = vector.broadcast %mul3A_128 : i32 to vector<16xi32>
        %mul3A_130 = arith.muli %mul3A_129, %div3A_92 : vector<16xi32>
        %add3A_131 = arith.addi %add3A_127, %mul3A_130 : vector<16xi32>
        %swap3A_132 = arith.index_cast %scan3A_27 : i32 to index
        %swap3A_133 = arith.constant 16 : index
        %swap3A_134 = tpu.vector_load %arg6[%swap3A_132, %swap3A_133] {strides = array<i32>} : memref<7x64xi32, #tpu.memory_space<vmem>>, vector<16xi32>,
        tpu.vector_store %arg6[%swap3A_132, %swap3A_133], %add3A_131 {strides = array<i32>} : memref<7x64xi32, #tpu.memory_space<vmem>>, vector<16xi32>,
        %add3A_135 = arith.constant 32 : i32
        %add3A_136 = vector.broadcast %add3A_135 : i32 to vector<16xi32>
        %add3A_137 = arith.addi %add3A_136, %iota3A : vector<16xi32>
        %min3A_138 = arith.constant 39 : i32
        %min3A_139 = vector.broadcast %min3A_138 : i32 to vector<16xi32>
        %min3A_140 = arith.minsi %add3A_137, %min3A_139 : vector<16xi32>
        %div3A_141 = arith.constant 20 : i32
        %div3A_142 = vector.broadcast %div3A_141 : i32 to vector<16xi32>
        %div3A_143 = arith.divsi %min3A_140, %div3A_142 : vector<16xi32>
        %rem3A_144 = arith.constant 20 : i32
        %rem3A_145 = vector.broadcast %rem3A_144 : i32 to vector<16xi32>
        %rem3A_146 = arith.remsi %min3A_140, %rem3A_145 : vector<16xi32>
        %div3A_147 = arith.constant 10 : i32
        %div3A_148 = vector.broadcast %div3A_147 : i32 to vector<16xi32>
        %div3A_149 = arith.divsi %rem3A_146, %div3A_148 : vector<16xi32>
        %rem3A_150 = arith.constant 10 : i32
        %rem3A_151 = vector.broadcast %rem3A_150 : i32 to vector<16xi32>
        %rem3A_152 = arith.remsi %rem3A_146, %rem3A_151 : vector<16xi32>
        %mul3A_153 = arith.constant 490 : i32
        %mul3A_154 = vector.broadcast %mul3A_153 : i32 to vector<16xi32>
        %mul3A_155 = arith.muli %mul3A_154, %div3A_149 : vector<16xi32>
        %mul3A_156 = arith.constant 10 : i32
        %mul3A_157 = arith.muli %mul3A_156, %div3A_31 : i32
        %add3A_158 = vector.broadcast %mul3A_157 : i32 to vector<16xi32>
        %add3A_159 = arith.addi %mul3A_155, %add3A_158 : vector<16xi32>
        %add3A_160 = arith.addi %add3A_159, %rem3A_152 : vector<16xi32>
        %div3A_161 = arith.constant 20 : i32
        %div3A_162 = vector.broadcast %div3A_161 : i32 to vector<16xi32>
        %div3A_163 = arith.divsi %add3A_160, %div3A_162 : vector<16xi32>
        %mul3A_164 = arith.constant 30 : i32
        %mul3A_165 = vector.broadcast %mul3A_164 : i32 to vector<16xi32>
        %mul3A_166 = arith.muli %div3A_163, %mul3A_165 : vector<16xi32>
        %add3A_167 = arith.constant 10 : i32
        %add3A_168 = vector.broadcast %add3A_167 : i32 to vector<16xi32>
        %add3A_169 = arith.addi %mul3A_166, %add3A_168 : vector<16xi32>
        %rem3A_170 = arith.constant 20 : i32
        %rem3A_171 = vector.broadcast %rem3A_170 : i32 to vector<16xi32>
        %rem3A_172 = arith.remsi %add3A_160, %rem3A_171 : vector<16xi32>
        %add3A_173 = arith.addi %add3A_169, %rem3A_172 : vector<16xi32>
        %mul3A_174 = arith.constant 4 : i32
        %mul3A_175 = vector.broadcast %mul3A_174 : i32 to vector<16xi32>
        %mul3A_176 = arith.muli %add3A_173, %mul3A_175 : vector<16xi32>
        %add3A_177 = vector.broadcast %div3A_34 : i32 to vector<16xi32>
        %add3A_178 = arith.addi %mul3A_176, %add3A_177 : vector<16xi32>
        %mul3A_179 = arith.constant 2 : i32
        %mul3A_180 = vector.broadcast %mul3A_179 : i32 to vector<16xi32>
        %mul3A_181 = arith.muli %mul3A_180, %div3A_143 : vector<16xi32>
        %add3A_182 = arith.addi %add3A_178, %mul3A_181 : vector<16xi32>
        %swap3A_183 = arith.index_cast %scan3A_27 : i32 to index
        %swap3A_184 = arith.constant 32 : index
        %swap3A_185 = tpu.vector_load %arg6[%swap3A_183, %swap3A_184] {strides = array<i32>} : memref<7x64xi32, #tpu.memory_space<vmem>>, vector<16xi32>,
        tpu.vector_store %arg6[%swap3A_183, %swap3A_184], %add3A_182 {strides = array<i32>} : memref<7x64xi32, #tpu.memory_space<vmem>>, vector<16xi32>,
        %mul3A_186 = arith.constant 30 : i32
        %mul3A_187 = arith.muli %mul3A_186, %div3A_31 : i32
        %min3A_188 = arith.constant 9 : i32
        %min3A_189 = vector.broadcast %min3A_188 : i32 to vector<16xi32>
        %min3A_190 = arith.minsi %iota3A, %min3A_189 : vector<16xi32>
        %add3A_191 = vector.broadcast %mul3A_187 : i32 to vector<16xi32>
        %add3A_192 = arith.addi %add3A_191, %min3A_190 : vector<16xi32>
        %mul3A_193 = arith.constant 4 : i32
        %mul3A_194 = vector.broadcast %mul3A_193 : i32 to vector<16xi32>
        %mul3A_195 = arith.muli %add3A_192, %mul3A_194 : vector<16xi32>
        %add3A_196 = vector.broadcast %rem3A_32 : i32 to vector<16xi32>
        %add3A_197 = arith.addi %mul3A_195, %add3A_196 : vector<16xi32>
        %swap3A_198 = arith.index_cast %scan3A_27 : i32 to index
        %swap3A_199 = arith.constant 48 : index
        %swap3A_200 = tpu.vector_load %arg6[%swap3A_198, %swap3A_199] {strides = array<i32>} : memref<7x64xi32, #tpu.memory_space<vmem>>, vector<16xi32>,
        tpu.vector_store %arg6[%swap3A_198, %swap3A_199], %add3A_197 {strides = array<i32>} : memref<7x64xi32, #tpu.memory_space<vmem>>, vector<16xi32>,
        %dma_start3A = arith.constant 0 : i32
        %dma_start3A_201 = arith.constant 0 : i32
        %dma_start3A_202 = arith.constant 0 : i32
        %dma_start3A_203 = tpu.memref_slice %arg7[%scan3A_27, %dma_start3A_201, %dma_start3A_202] : memref<7x48x64xf32, #tpu.memory_space<vmem>> -> memref<1x48x64xf32, #tpu.memory_space<vmem>>
        %dma_start3A_204 = tpu.memref_squeeze %dma_start3A_203 : memref<1x48x64xf32, #tpu.memory_space<vmem>> -> memref<48x64xf32, #tpu.memory_space<vmem>>
        %dma_start3A_205 = arith.constant 0 : i32
        %dma_start3A_206 = tpu.memref_slice %arg6[%scan3A_27, %dma_start3A_205] : memref<7x64xi32, #tpu.memory_space<vmem>> -> memref<1x48xi32, #tpu.memory_space<vmem>>
        %dma_start3A_207 = tpu.memref_squeeze %dma_start3A_206 : memref<1x48xi32, #tpu.memory_space<vmem>> -> memref<48xi32, #tpu.memory_space<vmem>>
        %dma_start3A_208 = arith.constant 0 : i32
        %dma_start3A_209 = arith.constant 0 : i32
        %dma_start3A_210 = tpu.memref_slice %arg2[%dma_start3A_208, %dma_start3A_209] : memref<5880x64xf32, #tpu.memory_space<hbm>> -> memref<5880x64xf32, #tpu.memory_space<hbm>>
        %dma_start3A_211 = tpu.memref_slice %arg12[%scan3A_27, %dma_start3A] : memref<7x2x!tpu.dma_semaphore, #tpu.memory_space<semaphore_mem>> -> memref<1x1x!tpu.dma_semaphore, #tpu.memory_space<semaphore_mem>>
        %dma_start3A_212 = tpu.memref_squeeze %dma_start3A_211 : memref<1x1x!tpu.dma_semaphore, #tpu.memory_space<semaphore_mem>> -> memref<!tpu.dma_semaphore, #tpu.memory_space<semaphore_mem>>
        tpu.enqueue_indirect_dma source(%dma_start3A_210 : memref<5880x64xf32, #tpu.memory_space<hbm>>) target(%dma_start3A_204 : memref<48x64xf32, #tpu.memory_space<vmem>>) offsets(%dma_start3A_207 : memref<48xi32, #tpu.memory_space<vmem>>) semaphore(%dma_start3A_212 : memref<!tpu.dma_semaphore, #tpu.memory_space<semaphore_mem>>)
        %dma_start3A_213 = arith.constant 1 : i32
        %dma_start3A_214 = arith.constant 0 : i32
        %dma_start3A_215 = arith.constant 0 : i32
        %dma_start3A_216 = tpu.memref_slice %arg8[%scan3A_27, %dma_start3A_214, %dma_start3A_215] : memref<7x16x64xf32, #tpu.memory_space<vmem>> -> memref<1x16x64xf32, #tpu.memory_space<vmem>>
        %dma_start3A_217 = tpu.memref_squeeze %dma_start3A_216 : memref<1x16x64xf32, #tpu.memory_space<vmem>> -> memref<16x64xf32, #tpu.memory_space<vmem>>
        %dma_start3A_218 = arith.constant 48 : i32
        %dma_start3A_219 = tpu.memref_slice %arg6[%scan3A_27, %dma_start3A_218] : memref<7x64xi32, #tpu.memory_space<vmem>> -> memref<1x16xi32, #tpu.memory_space<vmem>>
        %dma_start3A_220 = tpu.memref_squeeze %dma_start3A_219 : memref<1x16xi32, #tpu.memory_space<vmem>> -> memref<16xi32, #tpu.memory_space<vmem>>
        %dma_start3A_221 = arith.constant 0 : i32
        %dma_start3A_222 = arith.constant 0 : i32
        %dma_start3A_223 = tpu.memref_slice %arg3[%dma_start3A_221, %dma_start3A_222] : memref<5880x64xf32, #tpu.memory_space<hbm>> -> memref<5880x64xf32, #tpu.memory_space<hbm>>
        %dma_start3A_224 = tpu.memref_slice %arg12[%scan3A_27, %dma_start3A_213] : memref<7x2x!tpu.dma_semaphore, #tpu.memory_space<semaphore_mem>> -> memref<1x1x!tpu.dma_semaphore, #tpu.memory_space<semaphore_mem>>
        %dma_start3A_225 = tpu.memref_squeeze %dma_start3A_224 : memref<1x1x!tpu.dma_semaphore, #tpu.memory_space<semaphore_mem>> -> memref<!tpu.dma_semaphore, #tpu.memory_space<semaphore_mem>>
        tpu.enqueue_indirect_dma source(%dma_start3A_223 : memref<5880x64xf32, #tpu.memory_space<hbm>>) target(%dma_start3A_217 : memref<16x64xf32, #tpu.memory_space<vmem>>) offsets(%dma_start3A_220 : memref<16xi32, #tpu.memory_space<vmem>>) semaphore(%dma_start3A_225 : memref<!tpu.dma_semaphore, #tpu.memory_space<semaphore_mem>>)
      }
      %scan3A_20 = arith.constant 7 : i32
      %scan3A_21 = arith.constant 0 : i32
      %scan3A_22 = arith.constant 0 : i32
      %scan3A_23 = arith.constant 7 : i32
      %scan3A_24 = arith.addi %scan3A_22, %scan3A_23 : i32
      %scan3A_25 = arith.constant 1 : i32
      scf.for %scan3A_27 = %scan3A_22 to %scan3A_24 step %scan3A_25  : i32 {
        %mul3A_28 = arith.constant 7 : i32
        %mul3A_29 = arith.muli %mul3A_28, %add3A : i32
        %add3A_30 = arith.addi %mul3A_29, %scan3A_27 : i32
        %div3A = arith.constant 4 : i32
        %div3A_31 = arith.divsi %add3A_30, %div3A : i32
        %rem3A = arith.constant 4 : i32
        %rem3A_32 = arith.remsi %add3A_30, %rem3A : i32
        %div3A_33 = arith.constant 7 : i32
        %div3A_34 = arith.divsi %div3A_31, %div3A_33 : i32
        %rem3A_35 = arith.constant 7 : i32
        %rem3A_36 = arith.remsi %div3A_31, %rem3A_35 : i32
        %div3A_37 = arith.constant 2 : i32
        %div3A_38 = arith.divsi %rem3A_32, %div3A_37 : i32
        %rem3A_39 = arith.constant 2 : i32
        %rem3A_40 = arith.remsi %rem3A_32, %rem3A_39 : i32
        %mul3A_41 = arith.constant 32 : i32
        %mul3A_42 = arith.muli %rem3A_40, %mul3A_41 : i32
        %dma_wait3A = arith.constant 0 : i32
        %dma_wait3A_43 = arith.constant 0 : i32
        %dma_wait3A_44 = arith.constant 0 : i32
        %dma_wait3A_45 = tpu.memref_slice %arg7[%scan3A_27, %dma_wait3A_43, %dma_wait3A_44] : memref<7x48x64xf32, #tpu.memory_space<vmem>> -> memref<1x48x64xf32, #tpu.memory_space<vmem>>
        %dma_wait3A_46 = tpu.memref_squeeze %dma_wait3A_45 : memref<1x48x64xf32, #tpu.memory_space<vmem>> -> memref<48x64xf32, #tpu.memory_space<vmem>>
        %dma_wait3A_47 = arith.constant 0 : i32
        %dma_wait3A_48 = tpu.memref_slice %arg6[%scan3A_27, %dma_wait3A_47] : memref<7x64xi32, #tpu.memory_space<vmem>> -> memref<1x48xi32, #tpu.memory_space<vmem>>
        %dma_wait3A_49 = tpu.memref_squeeze %dma_wait3A_48 : memref<1x48xi32, #tpu.memory_space<vmem>> -> memref<48xi32, #tpu.memory_space<vmem>>
        %dma_wait3A_50 = arith.constant 0 : i32
        %dma_wait3A_51 = arith.constant 0 : i32
        %dma_wait3A_52 = tpu.memref_slice %arg2[%dma_wait3A_50, %dma_wait3A_51] : memref<5880x64xf32, #tpu.memory_space<hbm>> -> memref<5880x64xf32, #tpu.memory_space<hbm>>
        %dma_wait3A_53 = tpu.memref_slice %arg12[%scan3A_27, %dma_wait3A] : memref<7x2x!tpu.dma_semaphore, #tpu.memory_space<semaphore_mem>> -> memref<1x1x!tpu.dma_semaphore, #tpu.memory_space<semaphore_mem>>
        %dma_wait3A_54 = tpu.memref_squeeze %dma_wait3A_53 : memref<1x1x!tpu.dma_semaphore, #tpu.memory_space<semaphore_mem>> -> memref<!tpu.dma_semaphore, #tpu.memory_space<semaphore_mem>>
        tpu.wait_indirect_dma semaphore(%dma_wait3A_54 : memref<!tpu.dma_semaphore, #tpu.memory_space<semaphore_mem>>) src(%dma_wait3A_52 : memref<5880x64xf32, #tpu.memory_space<hbm>>) dst(%dma_wait3A_46 : memref<48x64xf32, #tpu.memory_space<vmem>>)
        %dma_wait3A_55 = arith.constant 1 : i32
        %dma_wait3A_56 = arith.constant 0 : i32
        %dma_wait3A_57 = arith.constant 0 : i32
        %dma_wait3A_58 = tpu.memref_slice %arg8[%scan3A_27, %dma_wait3A_56, %dma_wait3A_57] : memref<7x16x64xf32, #tpu.memory_space<vmem>> -> memref<1x16x64xf32, #tpu.memory_space<vmem>>
        %dma_wait3A_59 = tpu.memref_squeeze %dma_wait3A_58 : memref<1x16x64xf32, #tpu.memory_space<vmem>> -> memref<16x64xf32, #tpu.memory_space<vmem>>
        %dma_wait3A_60 = arith.constant 48 : i32
        %dma_wait3A_61 = tpu.memref_slice %arg6[%scan3A_27, %dma_wait3A_60] : memref<7x64xi32, #tpu.memory_space<vmem>> -> memref<1x16xi32, #tpu.memory_space<vmem>>
        %dma_wait3A_62 = tpu.memref_squeeze %dma_wait3A_61 : memref<1x16xi32, #tpu.memory_space<vmem>> -> memref<16xi32, #tpu.memory_space<vmem>>
        %dma_wait3A_63 = arith.constant 0 : i32
        %dma_wait3A_64 = arith.constant 0 : i32
        %dma_wait3A_65 = tpu.memref_slice %arg3[%dma_wait3A_63, %dma_wait3A_64] : memref<5880x64xf32, #tpu.memory_space<hbm>> -> memref<5880x64xf32, #tpu.memory_space<hbm>>
        %dma_wait3A_66 = tpu.memref_slice %arg12[%scan3A_27, %dma_wait3A_55] : memref<7x2x!tpu.dma_semaphore, #tpu.memory_space<semaphore_mem>> -> memref<1x1x!tpu.dma_semaphore, #tpu.memory_space<semaphore_mem>>
        %dma_wait3A_67 = tpu.memref_squeeze %dma_wait3A_66 : memref<1x1x!tpu.dma_semaphore, #tpu.memory_space<semaphore_mem>> -> memref<!tpu.dma_semaphore, #tpu.memory_space<semaphore_mem>>
        tpu.wait_indirect_dma semaphore(%dma_wait3A_67 : memref<!tpu.dma_semaphore, #tpu.memory_space<semaphore_mem>>) src(%dma_wait3A_65 : memref<5880x64xf32, #tpu.memory_space<hbm>>) dst(%dma_wait3A_59 : memref<16x64xf32, #tpu.memory_space<vmem>>)
        %convert_element_type3A_68 = arith.sitofp %rem3A_36 : i32 to f32
        %add3A_69 = vector.broadcast %convert_element_type3A_68 : f32 to vector<16xf32>
        %add3A_70 = arith.addf %add3A_69, %broadcast_in_dim3A_1 : vector<16xf32>
        %convert_element_type3A_71 = arith.sitofp %div3A_34 : i32 to f32
        %add3A_72 = vector.broadcast %convert_element_type3A_71 : f32 to vector<16xf32>
        %add3A_73 = arith.addf %add3A_72, %broadcast_in_dim3A_1 : vector<16xf32>
        %add3A_74 = arith.constant 0 : i32
        %add3A_75 = arith.addi %mul3A_42, %add3A_74 : i32
        %add3A_76 = arith.constant 0 : i32
        %add3A_77 = vector.broadcast %add3A_76 : i32 to vector<16xi32>
        %add3A_78 = arith.addi %add3A_77, %iota3A : vector<16xi32>
        %mul3A_79 = arith.constant 2 : i32
        %mul3A_80 = vector.broadcast %mul3A_79 : i32 to vector<16xi32>
        %mul3A_81 = arith.muli %mul3A_80, %add3A_78 : vector<16xi32>
        %add3A_82 = arith.constant 0 : i32
        %add3A_83 = vector.broadcast %add3A_82 : i32 to vector<16xi32>
        %add3A_84 = arith.addi %mul3A_81, %add3A_83 : vector<16xi32>
        %get3A = arith.constant 0 : i32
        %get3A_85 = arith.index_cast %scan3A_27 : i32 to index
        %get3A_86 = arith.index_cast %get3A : i32 to index
        %get3A_87 = arith.index_cast %add3A_75 : i32 to index
        %get3A_88 = tpu.vector_load %arg7[%get3A_85, %get3A_86, %get3A_87] {strides = array<i32>} : memref<7x48x64xf32, #tpu.memory_space<vmem>>, vector<16xf32>,
        %get3A_89 = arith.constant 1 : i32
        %get3A_90 = arith.index_cast %scan3A_27 : i32 to index
        %get3A_91 = arith.index_cast %get3A_89 : i32 to index
        %get3A_92 = arith.index_cast %add3A_75 : i32 to index
        %get3A_93 = tpu.vector_load %arg7[%get3A_90, %get3A_91, %get3A_92] {strides = array<i32>} : memref<7x48x64xf32, #tpu.memory_space<vmem>>, vector<16xf32>,
        %get3A_94 = arith.constant 2 : i32
        %get3A_95 = arith.index_cast %scan3A_27 : i32 to index
        %get3A_96 = arith.index_cast %get3A_94 : i32 to index
        %get3A_97 = arith.index_cast %add3A_75 : i32 to index
        %get3A_98 = tpu.vector_load %arg7[%get3A_95, %get3A_96, %get3A_97] {strides = array<i32>} : memref<7x48x64xf32, #tpu.memory_space<vmem>>, vector<16xf32>,
        %get3A_99 = arith.constant 3 : i32
        %get3A_100 = arith.index_cast %scan3A_27 : i32 to index
        %get3A_101 = arith.index_cast %get3A_99 : i32 to index
        %get3A_102 = arith.index_cast %add3A_75 : i32 to index
        %get3A_103 = tpu.vector_load %arg7[%get3A_100, %get3A_101, %get3A_102] {strides = array<i32>} : memref<7x48x64xf32, #tpu.memory_space<vmem>>, vector<16xf32>,
        %get3A_104 = arith.constant 4 : i32
        %get3A_105 = arith.index_cast %scan3A_27 : i32 to index
        %get3A_106 = arith.index_cast %get3A_104 : i32 to index
        %get3A_107 = arith.index_cast %add3A_75 : i32 to index
        %get3A_108 = tpu.vector_load %arg7[%get3A_105, %get3A_106, %get3A_107] {strides = array<i32>} : memref<7x48x64xf32, #tpu.memory_space<vmem>>, vector<16xf32>,
        %get3A_109 = arith.constant 5 : i32
        %get3A_110 = arith.index_cast %scan3A_27 : i32 to index
        %get3A_111 = arith.index_cast %get3A_109 : i32 to index
        %get3A_112 = arith.index_cast %add3A_75 : i32 to index
        %get3A_113 = tpu.vector_load %arg7[%get3A_110, %get3A_111, %get3A_112] {strides = array<i32>} : memref<7x48x64xf32, #tpu.memory_space<vmem>>, vector<16xf32>,
        %get3A_114 = arith.constant 6 : i32
        %get3A_115 = arith.index_cast %scan3A_27 : i32 to index
        %get3A_116 = arith.index_cast %get3A_114 : i32 to index
        %get3A_117 = arith.index_cast %add3A_75 : i32 to index
        %get3A_118 = tpu.vector_load %arg7[%get3A_115, %get3A_116, %get3A_117] {strides = array<i32>} : memref<7x48x64xf32, #tpu.memory_space<vmem>>, vector<16xf32>,
        %get3A_119 = arith.constant 7 : i32
        %get3A_120 = arith.index_cast %scan3A_27 : i32 to index
        %get3A_121 = arith.index_cast %get3A_119 : i32 to index
        %get3A_122 = arith.index_cast %add3A_75 : i32 to index
        %get3A_123 = tpu.vector_load %arg7[%get3A_120, %get3A_121, %get3A_122] {strides = array<i32>} : memref<7x48x64xf32, #tpu.memory_space<vmem>>, vector<16xf32>,
        %get3A_124 = arith.constant 8 : i32
        %get3A_125 = arith.index_cast %scan3A_27 : i32 to index
        %get3A_126 = arith.index_cast %get3A_124 : i32 to index
        %get3A_127 = arith.index_cast %add3A_75 : i32 to index
        %get3A_128 = tpu.vector_load %arg7[%get3A_125, %get3A_126, %get3A_127] {strides = array<i32>} : memref<7x48x64xf32, #tpu.memory_space<vmem>>, vector<16xf32>,
        %get3A_129 = arith.constant 9 : i32
        %get3A_130 = arith.index_cast %scan3A_27 : i32 to index
        %get3A_131 = arith.index_cast %get3A_129 : i32 to index
        %get3A_132 = arith.index_cast %add3A_75 : i32 to index
        %get3A_133 = tpu.vector_load %arg7[%get3A_130, %get3A_131, %get3A_132] {strides = array<i32>} : memref<7x48x64xf32, #tpu.memory_space<vmem>>, vector<16xf32>,
        %broadcast_in_dim3A_134 = arith.constant 0 : i32
        %broadcast_in_dim3A_135 = vector.broadcast %broadcast_in_dim3A_134 : i32 to vector<16xi32>
        %gather3A = arith.constant 0 : i32
        %gather3A_136 = arith.constant 0 : i32
        %gather3A_137 = tpu.memref_slice %arg8[%scan3A_27, %gather3A, %gather3A_136] : memref<7x16x64xf32, #tpu.memory_space<vmem>> -> memref<1x16x64xf32, #tpu.memory_space<vmem>>
        %gather3A_138 = tpu.memref_squeeze %gather3A_137 : memref<1x16x64xf32, #tpu.memory_space<vmem>> -> memref<16x64xf32, #tpu.memory_space<vmem>>
        %gather3A_139 = tpu.vector_load_idx %gather3A_138[%broadcast_in_dim3A_135, %add3A_84] : memref<16x64xf32, #tpu.memory_space<vmem>>[vector<16xi32>, vector<16xi32>], vector<16xf32>,
        %broadcast_in_dim3A_140 = arith.constant 1 : i32
        %broadcast_in_dim3A_141 = vector.broadcast %broadcast_in_dim3A_140 : i32 to vector<16xi32>
        %gather3A_142 = arith.constant 0 : i32
        %gather3A_143 = arith.constant 0 : i32
        %gather3A_144 = tpu.memref_slice %arg8[%scan3A_27, %gather3A_142, %gather3A_143] : memref<7x16x64xf32, #tpu.memory_space<vmem>> -> memref<1x16x64xf32, #tpu.memory_space<vmem>>
        %gather3A_145 = tpu.memref_squeeze %gather3A_144 : memref<1x16x64xf32, #tpu.memory_space<vmem>> -> memref<16x64xf32, #tpu.memory_space<vmem>>
        %gather3A_146 = tpu.vector_load_idx %gather3A_145[%broadcast_in_dim3A_141, %add3A_84] : memref<16x64xf32, #tpu.memory_space<vmem>>[vector<16xi32>, vector<16xi32>], vector<16xf32>,
        %broadcast_in_dim3A_147 = arith.constant 2 : i32
        %broadcast_in_dim3A_148 = vector.broadcast %broadcast_in_dim3A_147 : i32 to vector<16xi32>
        %gather3A_149 = arith.constant 0 : i32
        %gather3A_150 = arith.constant 0 : i32
        %gather3A_151 = tpu.memref_slice %arg8[%scan3A_27, %gather3A_149, %gather3A_150] : memref<7x16x64xf32, #tpu.memory_space<vmem>> -> memref<1x16x64xf32, #tpu.memory_space<vmem>>
        %gather3A_152 = tpu.memref_squeeze %gather3A_151 : memref<1x16x64xf32, #tpu.memory_space<vmem>> -> memref<16x64xf32, #tpu.memory_space<vmem>>
        %gather3A_153 = tpu.vector_load_idx %gather3A_152[%broadcast_in_dim3A_148, %add3A_84] : memref<16x64xf32, #tpu.memory_space<vmem>>[vector<16xi32>, vector<16xi32>], vector<16xf32>,
        %broadcast_in_dim3A_154 = arith.constant 3 : i32
        %broadcast_in_dim3A_155 = vector.broadcast %broadcast_in_dim3A_154 : i32 to vector<16xi32>
        %gather3A_156 = arith.constant 0 : i32
        %gather3A_157 = arith.constant 0 : i32
        %gather3A_158 = tpu.memref_slice %arg8[%scan3A_27, %gather3A_156, %gather3A_157] : memref<7x16x64xf32, #tpu.memory_space<vmem>> -> memref<1x16x64xf32, #tpu.memory_space<vmem>>
        %gather3A_159 = tpu.memref_squeeze %gather3A_158 : memref<1x16x64xf32, #tpu.memory_space<vmem>> -> memref<16x64xf32, #tpu.memory_space<vmem>>
        %gather3A_160 = tpu.vector_load_idx %gather3A_159[%broadcast_in_dim3A_155, %add3A_84] : memref<16x64xf32, #tpu.memory_space<vmem>>[vector<16xi32>, vector<16xi32>], vector<16xf32>,
        %add3A_161 = arith.addf %get3A_88, %add3A_70 : vector<16xf32>
        %mul3A_162 = arith.mulf %add3A_161, %broadcast_in_dim3A_3 : vector<16xf32>
        %mul3A_163 = arith.constant 5.000000e-01 : f32
        %mul3A_164 = vector.broadcast %mul3A_163 : f32 to vector<16xf32>
        %mul3A_165 = arith.mulf %get3A_98, %mul3A_164 : vector<16xf32>
        %sub3A = arith.subf %mul3A_162, %mul3A_165 : vector<16xf32>
        %add3A_166 = arith.addf %get3A_93, %add3A_73 : vector<16xf32>
        %mul3A_167 = arith.mulf %add3A_166, %broadcast_in_dim3A_3 : vector<16xf32>
        %mul3A_168 = arith.constant 5.000000e-01 : f32
        %mul3A_169 = vector.broadcast %mul3A_168 : f32 to vector<16xf32>
        %mul3A_170 = arith.mulf %get3A_103, %mul3A_169 : vector<16xf32>
        %sub3A_171 = arith.subf %mul3A_167, %mul3A_170 : vector<16xf32>
        %max3A = arith.maximumf %sub3A, %broadcast_in_dim3A_1 : vector<16xf32>
        %max3A_172 = arith.maximumf %sub3A_171, %broadcast_in_dim3A_1 : vector<16xf32>
        %max3A_173 = arith.maximumf %get3A_98, %broadcast_in_dim3A_1 : vector<16xf32>
        %max3A_174 = arith.maximumf %get3A_103, %broadcast_in_dim3A_1 : vector<16xf32>
        %add3A_175 = arith.addf %gather3A_139, %add3A_70 : vector<16xf32>
        %mul3A_176 = arith.mulf %add3A_175, %broadcast_in_dim3A_3 : vector<16xf32>
        %mul3A_177 = arith.constant 5.000000e-01 : f32
        %mul3A_178 = vector.broadcast %mul3A_177 : f32 to vector<16xf32>
        %mul3A_179 = arith.mulf %gather3A_153, %mul3A_178 : vector<16xf32>
        %sub3A_180 = arith.subf %mul3A_176, %mul3A_179 : vector<16xf32>
        %add3A_181 = arith.addf %gather3A_146, %add3A_73 : vector<16xf32>
        %mul3A_182 = arith.mulf %add3A_181, %broadcast_in_dim3A_3 : vector<16xf32>
        %mul3A_183 = arith.constant 5.000000e-01 : f32
        %mul3A_184 = vector.broadcast %mul3A_183 : f32 to vector<16xf32>
        %mul3A_185 = arith.mulf %gather3A_160, %mul3A_184 : vector<16xf32>
        %sub3A_186 = arith.subf %mul3A_182, %mul3A_185 : vector<16xf32>
        %max3A_187 = arith.maximumf %sub3A_180, %broadcast_in_dim3A_1 : vector<16xf32>
        %max3A_188 = arith.maximumf %sub3A_186, %broadcast_in_dim3A_1 : vector<16xf32>
        %max3A_189 = arith.maximumf %gather3A_153, %broadcast_in_dim3A_1 : vector<16xf32>
        %max3A_190 = arith.maximumf %gather3A_160, %broadcast_in_dim3A_1 : vector<16xf32>
        %add3A_191 = arith.addf %max3A_173, %max3A_189 : vector<16xf32>
        %add3A_192 = arith.addf %max3A, %max3A_173 : vector<16xf32>
        %add3A_193 = arith.addf %max3A_187, %max3A_189 : vector<16xf32>
        %max3A_194 = arith.maximumf %add3A_192, %add3A_193 : vector<16xf32>
        %min3A = arith.minimumf %max3A, %max3A_187 : vector<16xf32>
        %sub3A_195 = arith.subf %max3A_194, %min3A : vector<16xf32>
        %sub3A_196 = arith.subf %add3A_191, %sub3A_195 : vector<16xf32>
        %add3A_197 = arith.addf %max3A_174, %max3A_190 : vector<16xf32>
        %add3A_198 = arith.addf %max3A_172, %max3A_174 : vector<16xf32>
        %add3A_199 = arith.addf %max3A_188, %max3A_190 : vector<16xf32>
        %max3A_200 = arith.maximumf %add3A_198, %add3A_199 : vector<16xf32>
        %min3A_201 = arith.minimumf %max3A_172, %max3A_188 : vector<16xf32>
        %sub3A_202 = arith.subf %max3A_200, %min3A_201 : vector<16xf32>
        %sub3A_203 = arith.subf %add3A_197, %sub3A_202 : vector<16xf32>
        %max3A_204 = arith.maximumf %sub3A_196, %broadcast_in_dim3A_1 : vector<16xf32>
        %max3A_205 = arith.maximumf %sub3A_203, %broadcast_in_dim3A_1 : vector<16xf32>
        %mul3A_206 = arith.mulf %max3A_204, %max3A_205 : vector<16xf32>
        %mul3A_207 = arith.mulf %max3A_173, %max3A_174 : vector<16xf32>
        %mul3A_208 = arith.mulf %max3A_189, %max3A_190 : vector<16xf32>
        %add3A_209 = arith.addf %mul3A_207, %mul3A_208 : vector<16xf32>
        %sub3A_210 = arith.subf %add3A_209, %mul3A_206 : vector<16xf32>
        %div3A_211 = arith.divf %mul3A_206, %sub3A_210 : vector<16xf32>
        %broadcast_in_dim3A_212 = arith.constant 5 : i32
        %broadcast_in_dim3A_213 = vector.broadcast %broadcast_in_dim3A_212 : i32 to vector<16xi32>
        %gather3A_214 = arith.constant 0 : i32
        %gather3A_215 = arith.constant 0 : i32
        %gather3A_216 = tpu.memref_slice %arg8[%scan3A_27, %gather3A_214, %gather3A_215] : memref<7x16x64xf32, #tpu.memory_space<vmem>> -> memref<1x16x64xf32, #tpu.memory_space<vmem>>
        %gather3A_217 = tpu.memref_squeeze %gather3A_216 : memref<1x16x64xf32, #tpu.memory_space<vmem>> -> memref<16x64xf32, #tpu.memory_space<vmem>>
        %gather3A_218 = tpu.vector_load_idx %gather3A_217[%broadcast_in_dim3A_213, %add3A_84] : memref<16x64xf32, #tpu.memory_space<vmem>>[vector<16xi32>, vector<16xi32>], vector<16xf32>,
        %broadcast_in_dim3A_219 = arith.constant 6 : i32
        %broadcast_in_dim3A_220 = vector.broadcast %broadcast_in_dim3A_219 : i32 to vector<16xi32>
        %gather3A_221 = arith.constant 0 : i32
        %gather3A_222 = arith.constant 0 : i32
        %gather3A_223 = tpu.memref_slice %arg8[%scan3A_27, %gather3A_221, %gather3A_222] : memref<7x16x64xf32, #tpu.memory_space<vmem>> -> memref<1x16x64xf32, #tpu.memory_space<vmem>>
        %gather3A_224 = tpu.memref_squeeze %gather3A_223 : memref<1x16x64xf32, #tpu.memory_space<vmem>> -> memref<16x64xf32, #tpu.memory_space<vmem>>
        %gather3A_225 = tpu.vector_load_idx %gather3A_224[%broadcast_in_dim3A_220, %add3A_84] : memref<16x64xf32, #tpu.memory_space<vmem>>[vector<16xi32>, vector<16xi32>], vector<16xf32>,
        %broadcast_in_dim3A_226 = arith.constant 7 : i32
        %broadcast_in_dim3A_227 = vector.broadcast %broadcast_in_dim3A_226 : i32 to vector<16xi32>
        %gather3A_228 = arith.constant 0 : i32
        %gather3A_229 = arith.constant 0 : i32
        %gather3A_230 = tpu.memref_slice %arg8[%scan3A_27, %gather3A_228, %gather3A_229] : memref<7x16x64xf32, #tpu.memory_space<vmem>> -> memref<1x16x64xf32, #tpu.memory_space<vmem>>
        %gather3A_231 = tpu.memref_squeeze %gather3A_230 : memref<1x16x64xf32, #tpu.memory_space<vmem>> -> memref<16x64xf32, #tpu.memory_space<vmem>>
        %gather3A_232 = tpu.vector_load_idx %gather3A_231[%broadcast_in_dim3A_227, %add3A_84] : memref<16x64xf32, #tpu.memory_space<vmem>>[vector<16xi32>, vector<16xi32>], vector<16xf32>,
        %broadcast_in_dim3A_233 = arith.constant 8 : i32
        %broadcast_in_dim3A_234 = vector.broadcast %broadcast_in_dim3A_233 : i32 to vector<16xi32>
        %gather3A_235 = arith.constant 0 : i32
        %gather3A_236 = arith.constant 0 : i32
        %gather3A_237 = tpu.memref_slice %arg8[%scan3A_27, %gather3A_235, %gather3A_236] : memref<7x16x64xf32, #tpu.memory_space<vmem>> -> memref<1x16x64xf32, #tpu.memory_space<vmem>>
        %gather3A_238 = tpu.memref_squeeze %gather3A_237 : memref<1x16x64xf32, #tpu.memory_space<vmem>> -> memref<16x64xf32, #tpu.memory_space<vmem>>
        %gather3A_239 = tpu.vector_load_idx %gather3A_238[%broadcast_in_dim3A_234, %add3A_84] : memref<16x64xf32, #tpu.memory_space<vmem>>[vector<16xi32>, vector<16xi32>], vector<16xf32>,
        %add3A_240 = arith.addf %get3A_113, %add3A_70 : vector<16xf32>
        %mul3A_241 = arith.mulf %add3A_240, %broadcast_in_dim3A_3 : vector<16xf32>
        %mul3A_242 = arith.constant 5.000000e-01 : f32
        %mul3A_243 = vector.broadcast %mul3A_242 : f32 to vector<16xf32>
        %mul3A_244 = arith.mulf %get3A_123, %mul3A_243 : vector<16xf32>
        %sub3A_245 = arith.subf %mul3A_241, %mul3A_244 : vector<16xf32>
        %add3A_246 = arith.addf %get3A_118, %add3A_73 : vector<16xf32>
        %mul3A_247 = arith.mulf %add3A_246, %broadcast_in_dim3A_3 : vector<16xf32>
        %mul3A_248 = arith.constant 5.000000e-01 : f32
        %mul3A_249 = vector.broadcast %mul3A_248 : f32 to vector<16xf32>
        %mul3A_250 = arith.mulf %get3A_128, %mul3A_249 : vector<16xf32>
        %sub3A_251 = arith.subf %mul3A_247, %mul3A_250 : vector<16xf32>
        %max3A_252 = arith.maximumf %sub3A_245, %broadcast_in_dim3A_1 : vector<16xf32>
        %max3A_253 = arith.maximumf %sub3A_251, %broadcast_in_dim3A_1 : vector<16xf32>
        %max3A_254 = arith.maximumf %get3A_123, %broadcast_in_dim3A_1 : vector<16xf32>
        %max3A_255 = arith.maximumf %get3A_128, %broadcast_in_dim3A_1 : vector<16xf32>
        %add3A_256 = arith.addf %gather3A_218, %add3A_70 : vector<16xf32>
        %mul3A_257 = arith.mulf %add3A_256, %broadcast_in_dim3A_3 : vector<16xf32>
        %mul3A_258 = arith.constant 5.000000e-01 : f32
        %mul3A_259 = vector.broadcast %mul3A_258 : f32 to vector<16xf32>
        %mul3A_260 = arith.mulf %gather3A_232, %mul3A_259 : vector<16xf32>
        %sub3A_261 = arith.subf %mul3A_257, %mul3A_260 : vector<16xf32>
        %add3A_262 = arith.addf %gather3A_225, %add3A_73 : vector<16xf32>
        %mul3A_263 = arith.mulf %add3A_262, %broadcast_in_dim3A_3 : vector<16xf32>
        %mul3A_264 = arith.constant 5.000000e-01 : f32
        %mul3A_265 = vector.broadcast %mul3A_264 : f32 to vector<16xf32>
        %mul3A_266 = arith.mulf %gather3A_239, %mul3A_265 : vector<16xf32>
        %sub3A_267 = arith.subf %mul3A_263, %mul3A_266 : vector<16xf32>
        %max3A_268 = arith.maximumf %sub3A_261, %broadcast_in_dim3A_1 : vector<16xf32>
        %max3A_269 = arith.maximumf %sub3A_267, %broadcast_in_dim3A_1 : vector<16xf32>
        %max3A_270 = arith.maximumf %gather3A_232, %broadcast_in_dim3A_1 : vector<16xf32>
        %max3A_271 = arith.maximumf %gather3A_239, %broadcast_in_dim3A_1 : vector<16xf32>
        %add3A_272 = arith.addf %max3A_254, %max3A_270 : vector<16xf32>
        %add3A_273 = arith.addf %max3A_252, %max3A_254 : vector<16xf32>
        %add3A_274 = arith.addf %max3A_268, %max3A_270 : vector<16xf32>
        %max3A_275 = arith.maximumf %add3A_273, %add3A_274 : vector<16xf32>
        %min3A_276 = arith.minimumf %max3A_252, %max3A_268 : vector<16xf32>
        %sub3A_277 = arith.subf %max3A_275, %min3A_276 : vector<16xf32>
        %sub3A_278 = arith.subf %add3A_272, %sub3A_277 : vector<16xf32>
        %add3A_279 = arith.addf %max3A_255, %max3A_271 : vector<16xf32>
        %add3A_280 = arith.addf %max3A_253, %max3A_255 : vector<16xf32>
        %add3A_281 = arith.addf %max3A_269, %max3A_271 : vector<16xf32>
        %max3A_282 = arith.maximumf %add3A_280, %add3A_281 : vector<16xf32>
        %min3A_283 = arith.minimumf %max3A_253, %max3A_269 : vector<16xf32>
        %sub3A_284 = arith.subf %max3A_282, %min3A_283 : vector<16xf32>
        %sub3A_285 = arith.subf %add3A_279, %sub3A_284 : vector<16xf32>
        %max3A_286 = arith.maximumf %sub3A_278, %broadcast_in_dim3A_1 : vector<16xf32>
        %max3A_287 = arith.maximumf %sub3A_285, %broadcast_in_dim3A_1 : vector<16xf32>
        %mul3A_288 = arith.mulf %max3A_286, %max3A_287 : vector<16xf32>
        %mul3A_289 = arith.mulf %max3A_254, %max3A_255 : vector<16xf32>
        %mul3A_290 = arith.mulf %max3A_270, %max3A_271 : vector<16xf32>
        %add3A_291 = arith.addf %mul3A_289, %mul3A_290 : vector<16xf32>
        %sub3A_292 = arith.subf %add3A_291, %mul3A_288 : vector<16xf32>
        %div3A_293 = arith.divf %mul3A_288, %sub3A_292 : vector<16xf32>
        %bitcast3A = vector.bitcast %div3A_211 : vector<16xf32> to vector<16xi32>
        %and3A = arith.andi %bitcast3A, %broadcast_in_dim3A_5 : vector<16xi32>
        %gt3A = arith.cmpi sgt, %and3A, %broadcast_in_dim3A_7 : vector<16xi32>
        %bitcast3A_294 = vector.bitcast %div3A_293 : vector<16xf32> to vector<16xi32>
        %and3A_295 = arith.andi %bitcast3A_294, %broadcast_in_dim3A_5 : vector<16xi32>
        %gt3A_296 = arith.cmpi sgt, %and3A_295, %broadcast_in_dim3A_7 : vector<16xi32>
        %gt3A_297 = arith.cmpf ogt, %div3A_293, %div3A_211 : vector<16xf32>
        %not3A = arith.constant dense<true> : vector<16xi1>
        %not3A_298 = arith.xori %gt3A, %not3A : vector<16xi1>
        %and3A_299 = arith.andi %gt3A_296, %not3A_298 : vector<16xi1>
        %or3A = arith.ori %gt3A_297, %and3A_299 : vector<16xi1>
        %select_n3A = arith.select %or3A, %div3A_293, %div3A_211 : vector<16xi1>, vector<16xf32>
        %broadcast_in_dim3A_300 = arith.constant 4 : i32
        %broadcast_in_dim3A_301 = vector.broadcast %broadcast_in_dim3A_300 : i32 to vector<16xi32>
        %gather3A_302 = arith.constant 0 : i32
        %gather3A_303 = arith.constant 0 : i32
        %gather3A_304 = tpu.memref_slice %arg8[%scan3A_27, %gather3A_302, %gather3A_303] : memref<7x16x64xf32, #tpu.memory_space<vmem>> -> memref<1x16x64xf32, #tpu.memory_space<vmem>>
        %gather3A_305 = tpu.memref_squeeze %gather3A_304 : memref<1x16x64xf32, #tpu.memory_space<vmem>> -> memref<16x64xf32, #tpu.memory_space<vmem>>
        %gather3A_306 = tpu.vector_load_idx %gather3A_305[%broadcast_in_dim3A_301, %add3A_84] : memref<16x64xf32, #tpu.memory_space<vmem>>[vector<16xi32>, vector<16xi32>], vector<16xf32>,
        %broadcast_in_dim3A_307 = arith.constant 9 : i32
        %broadcast_in_dim3A_308 = vector.broadcast %broadcast_in_dim3A_307 : i32 to vector<16xi32>
        %gather3A_309 = arith.constant 0 : i32
        %gather3A_310 = arith.constant 0 : i32
        %gather3A_311 = tpu.memref_slice %arg8[%scan3A_27, %gather3A_309, %gather3A_310] : memref<7x16x64xf32, #tpu.memory_space<vmem>> -> memref<1x16x64xf32, #tpu.memory_space<vmem>>
        %gather3A_312 = tpu.memref_squeeze %gather3A_311 : memref<1x16x64xf32, #tpu.memory_space<vmem>> -> memref<16x64xf32, #tpu.memory_space<vmem>>
        %gather3A_313 = tpu.vector_load_idx %gather3A_312[%broadcast_in_dim3A_308, %add3A_84] : memref<16x64xf32, #tpu.memory_space<vmem>>[vector<16xi32>, vector<16xi32>], vector<16xf32>,
        %gt3A_314 = arith.constant 4.000000e+00 : f32
        %gt3A_315 = vector.broadcast %gt3A_314 : f32 to vector<16xf32>
        %gt3A_316 = arith.cmpf ogt, %gather3A_313, %gt3A_315 : vector<16xf32>
        %select_n3A_317 = arith.select %or3A, %broadcast_in_dim3A_1, %select_n3A : vector<16xi1>, vector<16xf32>
        %select_n3A_318 = arith.select %gt3A_316, %select_n3A_317, %get3A_108 : vector<16xi1>, vector<16xf32>
        %select_n3A_319 = arith.select %or3A, %select_n3A, %broadcast_in_dim3A_1 : vector<16xi1>, vector<16xf32>
        %select_n3A_320 = arith.select %gt3A_316, %select_n3A_319, %get3A_133 : vector<16xi1>, vector<16xf32>
        %broadcast_in_dim3A_321 = arith.constant 0 : i32
        %broadcast_in_dim3A_322 = vector.broadcast %broadcast_in_dim3A_321 : i32 to vector<16xi32>
        %broadcast_in_dim3A_323 = arith.constant 0 : i32
        %broadcast_in_dim3A_324 = vector.broadcast %broadcast_in_dim3A_323 : i32 to vector<16xi32>
        tpu.vector_store_idx %arg9[%broadcast_in_dim3A_13, %broadcast_in_dim3A_13, %broadcast_in_dim3A_322, %broadcast_in_dim3A_13, %broadcast_in_dim3A_324, %add3A_84], %get3A_88 : memref<1x1x5x1x2x64xf32, #tpu.memory_space<vmem>>[vector<16xi32>, vector<16xi32>, vector<16xi32>, vector<16xi32>, vector<16xi32>, vector<16xi32>], vector<16xf32>,
        %broadcast_in_dim3A_325 = arith.constant 0 : i32
        %broadcast_in_dim3A_326 = vector.broadcast %broadcast_in_dim3A_325 : i32 to vector<16xi32>
        %broadcast_in_dim3A_327 = arith.constant 0 : i32
        %broadcast_in_dim3A_328 = vector.broadcast %broadcast_in_dim3A_327 : i32 to vector<16xi32>
        %get3A_329 = arith.constant 20 : i32
        %get3A_330 = arith.index_cast %scan3A_27 : i32 to index
        %get3A_331 = arith.index_cast %get3A_329 : i32 to index
        %get3A_332 = arith.index_cast %add3A_75 : i32 to index
        %get3A_333 = tpu.vector_load %arg7[%get3A_330, %get3A_331, %get3A_332] {strides = array<i32>} : memref<7x48x64xf32, #tpu.memory_space<vmem>>, vector<16xf32>,
        tpu.vector_store_idx %arg10[%broadcast_in_dim3A_13, %broadcast_in_dim3A_13, %broadcast_in_dim3A_326, %broadcast_in_dim3A_13, %broadcast_in_dim3A_328, %add3A_84], %get3A_333 : memref<1x1x5x1x2x64xf32, #tpu.memory_space<vmem>>[vector<16xi32>, vector<16xi32>, vector<16xi32>, vector<16xi32>, vector<16xi32>, vector<16xi32>], vector<16xf32>,
        %broadcast_in_dim3A_334 = arith.constant 1 : i32
        %broadcast_in_dim3A_335 = vector.broadcast %broadcast_in_dim3A_334 : i32 to vector<16xi32>
        %broadcast_in_dim3A_336 = arith.constant 0 : i32
        %broadcast_in_dim3A_337 = vector.broadcast %broadcast_in_dim3A_336 : i32 to vector<16xi32>
        tpu.vector_store_idx %arg9[%broadcast_in_dim3A_13, %broadcast_in_dim3A_13, %broadcast_in_dim3A_335, %broadcast_in_dim3A_13, %broadcast_in_dim3A_337, %add3A_84], %get3A_93 : memref<1x1x5x1x2x64xf32, #tpu.memory_space<vmem>>[vector<16xi32>, vector<16xi32>, vector<16xi32>, vector<16xi32>, vector<16xi32>, vector<16xi32>], vector<16xf32>,
        %broadcast_in_dim3A_338 = arith.constant 1 : i32
        %broadcast_in_dim3A_339 = vector.broadcast %broadcast_in_dim3A_338 : i32 to vector<16xi32>
        %broadcast_in_dim3A_340 = arith.constant 0 : i32
        %broadcast_in_dim3A_341 = vector.broadcast %broadcast_in_dim3A_340 : i32 to vector<16xi32>
        %get3A_342 = arith.constant 21 : i32
        %get3A_343 = arith.index_cast %scan3A_27 : i32 to index
        %get3A_344 = arith.index_cast %get3A_342 : i32 to index
        %get3A_345 = arith.index_cast %add3A_75 : i32 to index
        %get3A_346 = tpu.vector_load %arg7[%get3A_343, %get3A_344, %get3A_345] {strides = array<i32>} : memref<7x48x64xf32, #tpu.memory_space<vmem>>, vector<16xf32>,
        tpu.vector_store_idx %arg10[%broadcast_in_dim3A_13, %broadcast_in_dim3A_13, %broadcast_in_dim3A_339, %broadcast_in_dim3A_13, %broadcast_in_dim3A_341, %add3A_84], %get3A_346 : memref<1x1x5x1x2x64xf32, #tpu.memory_space<vmem>>[vector<16xi32>, vector<16xi32>, vector<16xi32>, vector<16xi32>, vector<16xi32>, vector<16xi32>], vector<16xf32>,
        %broadcast_in_dim3A_347 = arith.constant 2 : i32
        %broadcast_in_dim3A_348 = vector.broadcast %broadcast_in_dim3A_347 : i32 to vector<16xi32>
        %broadcast_in_dim3A_349 = arith.constant 0 : i32
        %broadcast_in_dim3A_350 = vector.broadcast %broadcast_in_dim3A_349 : i32 to vector<16xi32>
        tpu.vector_store_idx %arg9[%broadcast_in_dim3A_13, %broadcast_in_dim3A_13, %broadcast_in_dim3A_348, %broadcast_in_dim3A_13, %broadcast_in_dim3A_350, %add3A_84], %get3A_98 : memref<1x1x5x1x2x64xf32, #tpu.memory_space<vmem>>[vector<16xi32>, vector<16xi32>, vector<16xi32>, vector<16xi32>, vector<16xi32>, vector<16xi32>], vector<16xf32>,
        %broadcast_in_dim3A_351 = arith.constant 2 : i32
        %broadcast_in_dim3A_352 = vector.broadcast %broadcast_in_dim3A_351 : i32 to vector<16xi32>
        %broadcast_in_dim3A_353 = arith.constant 0 : i32
        %broadcast_in_dim3A_354 = vector.broadcast %broadcast_in_dim3A_353 : i32 to vector<16xi32>
        %get3A_355 = arith.constant 22 : i32
        %get3A_356 = arith.index_cast %scan3A_27 : i32 to index
        %get3A_357 = arith.index_cast %get3A_355 : i32 to index
        %get3A_358 = arith.index_cast %add3A_75 : i32 to index
        %get3A_359 = tpu.vector_load %arg7[%get3A_356, %get3A_357, %get3A_358] {strides = array<i32>} : memref<7x48x64xf32, #tpu.memory_space<vmem>>, vector<16xf32>,
        tpu.vector_store_idx %arg10[%broadcast_in_dim3A_13, %broadcast_in_dim3A_13, %broadcast_in_dim3A_352, %broadcast_in_dim3A_13, %broadcast_in_dim3A_354, %add3A_84], %get3A_359 : memref<1x1x5x1x2x64xf32, #tpu.memory_space<vmem>>[vector<16xi32>, vector<16xi32>, vector<16xi32>, vector<16xi32>, vector<16xi32>, vector<16xi32>], vector<16xf32>,
        %broadcast_in_dim3A_360 = arith.constant 3 : i32
        %broadcast_in_dim3A_361 = vector.broadcast %broadcast_in_dim3A_360 : i32 to vector<16xi32>
        %broadcast_in_dim3A_362 = arith.constant 0 : i32
        %broadcast_in_dim3A_363 = vector.broadcast %broadcast_in_dim3A_362 : i32 to vector<16xi32>
        tpu.vector_store_idx %arg9[%broadcast_in_dim3A_13, %broadcast_in_dim3A_13, %broadcast_in_dim3A_361, %broadcast_in_dim3A_13, %broadcast_in_dim3A_363, %add3A_84], %get3A_103 : memref<1x1x5x1x2x64xf32, #tpu.memory_space<vmem>>[vector<16xi32>, vector<16xi32>, vector<16xi32>, vector<16xi32>, vector<16xi32>, vector<16xi32>], vector<16xf32>,
        %broadcast_in_dim3A_364 = arith.constant 3 : i32
        %broadcast_in_dim3A_365 = vector.broadcast %broadcast_in_dim3A_364 : i32 to vector<16xi32>
        %broadcast_in_dim3A_366 = arith.constant 0 : i32
        %broadcast_in_dim3A_367 = vector.broadcast %broadcast_in_dim3A_366 : i32 to vector<16xi32>
        %get3A_368 = arith.constant 23 : i32
        %get3A_369 = arith.index_cast %scan3A_27 : i32 to index
        %get3A_370 = arith.index_cast %get3A_368 : i32 to index
        %get3A_371 = arith.index_cast %add3A_75 : i32 to index
        %get3A_372 = tpu.vector_load %arg7[%get3A_369, %get3A_370, %get3A_371] {strides = array<i32>} : memref<7x48x64xf32, #tpu.memory_space<vmem>>, vector<16xf32>,
        tpu.vector_store_idx %arg10[%broadcast_in_dim3A_13, %broadcast_in_dim3A_13, %broadcast_in_dim3A_365, %broadcast_in_dim3A_13, %broadcast_in_dim3A_367, %add3A_84], %get3A_372 : memref<1x1x5x1x2x64xf32, #tpu.memory_space<vmem>>[vector<16xi32>, vector<16xi32>, vector<16xi32>, vector<16xi32>, vector<16xi32>, vector<16xi32>], vector<16xf32>,
        %broadcast_in_dim3A_373 = arith.constant 4 : i32
        %broadcast_in_dim3A_374 = vector.broadcast %broadcast_in_dim3A_373 : i32 to vector<16xi32>
        %broadcast_in_dim3A_375 = arith.constant 0 : i32
        %broadcast_in_dim3A_376 = vector.broadcast %broadcast_in_dim3A_375 : i32 to vector<16xi32>
        tpu.vector_store_idx %arg9[%broadcast_in_dim3A_13, %broadcast_in_dim3A_13, %broadcast_in_dim3A_374, %broadcast_in_dim3A_13, %broadcast_in_dim3A_376, %add3A_84], %select_n3A_318 : memref<1x1x5x1x2x64xf32, #tpu.memory_space<vmem>>[vector<16xi32>, vector<16xi32>, vector<16xi32>, vector<16xi32>, vector<16xi32>, vector<16xi32>], vector<16xf32>,
        %broadcast_in_dim3A_377 = arith.constant 4 : i32
        %broadcast_in_dim3A_378 = vector.broadcast %broadcast_in_dim3A_377 : i32 to vector<16xi32>
        %broadcast_in_dim3A_379 = arith.constant 0 : i32
        %broadcast_in_dim3A_380 = vector.broadcast %broadcast_in_dim3A_379 : i32 to vector<16xi32>
        %get3A_381 = arith.constant 24 : i32
        %get3A_382 = arith.index_cast %scan3A_27 : i32 to index
        %get3A_383 = arith.index_cast %get3A_381 : i32 to index
        %get3A_384 = arith.index_cast %add3A_75 : i32 to index
        %get3A_385 = tpu.vector_load %arg7[%get3A_382, %get3A_383, %get3A_384] {strides = array<i32>} : memref<7x48x64xf32, #tpu.memory_space<vmem>>, vector<16xf32>,
        tpu.vector_store_idx %arg10[%broadcast_in_dim3A_13, %broadcast_in_dim3A_13, %broadcast_in_dim3A_378, %broadcast_in_dim3A_13, %broadcast_in_dim3A_380, %add3A_84], %get3A_385 : memref<1x1x5x1x2x64xf32, #tpu.memory_space<vmem>>[vector<16xi32>, vector<16xi32>, vector<16xi32>, vector<16xi32>, vector<16xi32>, vector<16xi32>], vector<16xf32>,
        %broadcast_in_dim3A_386 = arith.constant 0 : i32
        %broadcast_in_dim3A_387 = vector.broadcast %broadcast_in_dim3A_386 : i32 to vector<16xi32>
        %broadcast_in_dim3A_388 = arith.constant 1 : i32
        %broadcast_in_dim3A_389 = vector.broadcast %broadcast_in_dim3A_388 : i32 to vector<16xi32>
        tpu.vector_store_idx %arg9[%broadcast_in_dim3A_13, %broadcast_in_dim3A_13, %broadcast_in_dim3A_387, %broadcast_in_dim3A_13, %broadcast_in_dim3A_389, %add3A_84], %get3A_113 : memref<1x1x5x1x2x64xf32, #tpu.memory_space<vmem>>[vector<16xi32>, vector<16xi32>, vector<16xi32>, vector<16xi32>, vector<16xi32>, vector<16xi32>], vector<16xf32>,
        %broadcast_in_dim3A_390 = arith.constant 0 : i32
        %broadcast_in_dim3A_391 = vector.broadcast %broadcast_in_dim3A_390 : i32 to vector<16xi32>
        %broadcast_in_dim3A_392 = arith.constant 1 : i32
        %broadcast_in_dim3A_393 = vector.broadcast %broadcast_in_dim3A_392 : i32 to vector<16xi32>
        %get3A_394 = arith.constant 25 : i32
        %get3A_395 = arith.index_cast %scan3A_27 : i32 to index
        %get3A_396 = arith.index_cast %get3A_394 : i32 to index
        %get3A_397 = arith.index_cast %add3A_75 : i32 to index
        %get3A_398 = tpu.vector_load %arg7[%get3A_395, %get3A_396, %get3A_397] {strides = array<i32>} : memref<7x48x64xf32, #tpu.memory_space<vmem>>, vector<16xf32>,
        tpu.vector_store_idx %arg10[%broadcast_in_dim3A_13, %broadcast_in_dim3A_13, %broadcast_in_dim3A_391, %broadcast_in_dim3A_13, %broadcast_in_dim3A_393, %add3A_84], %get3A_398 : memref<1x1x5x1x2x64xf32, #tpu.memory_space<vmem>>[vector<16xi32>, vector<16xi32>, vector<16xi32>, vector<16xi32>, vector<16xi32>, vector<16xi32>], vector<16xf32>,
        %broadcast_in_dim3A_399 = arith.constant 1 : i32
        %broadcast_in_dim3A_400 = vector.broadcast %broadcast_in_dim3A_399 : i32 to vector<16xi32>
        %broadcast_in_dim3A_401 = arith.constant 1 : i32
        %broadcast_in_dim3A_402 = vector.broadcast %broadcast_in_dim3A_401 : i32 to vector<16xi32>
        tpu.vector_store_idx %arg9[%broadcast_in_dim3A_13, %broadcast_in_dim3A_13, %broadcast_in_dim3A_400, %broadcast_in_dim3A_13, %broadcast_in_dim3A_402, %add3A_84], %get3A_118 : memref<1x1x5x1x2x64xf32, #tpu.memory_space<vmem>>[vector<16xi32>, vector<16xi32>, vector<16xi32>, vector<16xi32>, vector<16xi32>, vector<16xi32>], vector<16xf32>,
        %broadcast_in_dim3A_403 = arith.constant 1 : i32
        %broadcast_in_dim3A_404 = vector.broadcast %broadcast_in_dim3A_403 : i32 to vector<16xi32>
        %broadcast_in_dim3A_405 = arith.constant 1 : i32
        %broadcast_in_dim3A_406 = vector.broadcast %broadcast_in_dim3A_405 : i32 to vector<16xi32>
        %get3A_407 = arith.constant 26 : i32
        %get3A_408 = arith.index_cast %scan3A_27 : i32 to index
        %get3A_409 = arith.index_cast %get3A_407 : i32 to index
        %get3A_410 = arith.index_cast %add3A_75 : i32 to index
        %get3A_411 = tpu.vector_load %arg7[%get3A_408, %get3A_409, %get3A_410] {strides = array<i32>} : memref<7x48x64xf32, #tpu.memory_space<vmem>>, vector<16xf32>,
        tpu.vector_store_idx %arg10[%broadcast_in_dim3A_13, %broadcast_in_dim3A_13, %broadcast_in_dim3A_404, %broadcast_in_dim3A_13, %broadcast_in_dim3A_406, %add3A_84], %get3A_411 : memref<1x1x5x1x2x64xf32, #tpu.memory_space<vmem>>[vector<16xi32>, vector<16xi32>, vector<16xi32>, vector<16xi32>, vector<16xi32>, vector<16xi32>], vector<16xf32>,
        %broadcast_in_dim3A_412 = arith.constant 2 : i32
        %broadcast_in_dim3A_413 = vector.broadcast %broadcast_in_dim3A_412 : i32 to vector<16xi32>
        %broadcast_in_dim3A_414 = arith.constant 1 : i32
        %broadcast_in_dim3A_415 = vector.broadcast %broadcast_in_dim3A_414 : i32 to vector<16xi32>
        tpu.vector_store_idx %arg9[%broadcast_in_dim3A_13, %broadcast_in_dim3A_13, %broadcast_in_dim3A_413, %broadcast_in_dim3A_13, %broadcast_in_dim3A_415, %add3A_84], %get3A_123 : memref<1x1x5x1x2x64xf32, #tpu.memory_space<vmem>>[vector<16xi32>, vector<16xi32>, vector<16xi32>, vector<16xi32>, vector<16xi32>, vector<16xi32>], vector<16xf32>,
        %broadcast_in_dim3A_416 = arith.constant 2 : i32
        %broadcast_in_dim3A_417 = vector.broadcast %broadcast_in_dim3A_416 : i32 to vector<16xi32>
        %broadcast_in_dim3A_418 = arith.constant 1 : i32
        %broadcast_in_dim3A_419 = vector.broadcast %broadcast_in_dim3A_418 : i32 to vector<16xi32>
        %get3A_420 = arith.constant 27 : i32
        %get3A_421 = arith.index_cast %scan3A_27 : i32 to index
        %get3A_422 = arith.index_cast %get3A_420 : i32 to index
        %get3A_423 = arith.index_cast %add3A_75 : i32 to index
        %get3A_424 = tpu.vector_load %arg7[%get3A_421, %get3A_422, %get3A_423] {strides = array<i32>} : memref<7x48x64xf32, #tpu.memory_space<vmem>>, vector<16xf32>,
        tpu.vector_store_idx %arg10[%broadcast_in_dim3A_13, %broadcast_in_dim3A_13, %broadcast_in_dim3A_417, %broadcast_in_dim3A_13, %broadcast_in_dim3A_419, %add3A_84], %get3A_424 : memref<1x1x5x1x2x64xf32, #tpu.memory_space<vmem>>[vector<16xi32>, vector<16xi32>, vector<16xi32>, vector<16xi32>, vector<16xi32>, vector<16xi32>], vector<16xf32>,
        %broadcast_in_dim3A_425 = arith.constant 3 : i32
        %broadcast_in_dim3A_426 = vector.broadcast %broadcast_in_dim3A_425 : i32 to vector<16xi32>
        %broadcast_in_dim3A_427 = arith.constant 1 : i32
        %broadcast_in_dim3A_428 = vector.broadcast %broadcast_in_dim3A_427 : i32 to vector<16xi32>
        tpu.vector_store_idx %arg9[%broadcast_in_dim3A_13, %broadcast_in_dim3A_13, %broadcast_in_dim3A_426, %broadcast_in_dim3A_13, %broadcast_in_dim3A_428, %add3A_84], %get3A_128 : memref<1x1x5x1x2x64xf32, #tpu.memory_space<vmem>>[vector<16xi32>, vector<16xi32>, vector<16xi32>, vector<16xi32>, vector<16xi32>, vector<16xi32>], vector<16xf32>,
        %broadcast_in_dim3A_429 = arith.constant 3 : i32
        %broadcast_in_dim3A_430 = vector.broadcast %broadcast_in_dim3A_429 : i32 to vector<16xi32>
        %broadcast_in_dim3A_431 = arith.constant 1 : i32
        %broadcast_in_dim3A_432 = vector.broadcast %broadcast_in_dim3A_431 : i32 to vector<16xi32>
        %get3A_433 = arith.constant 28 : i32
        %get3A_434 = arith.index_cast %scan3A_27 : i32 to index
        %get3A_435 = arith.index_cast %get3A_433 : i32 to index
        %get3A_436 = arith.index_cast %add3A_75 : i32 to index
        %get3A_437 = tpu.vector_load %arg7[%get3A_434, %get3A_435, %get3A_436] {strides = array<i32>} : memref<7x48x64xf32, #tpu.memory_space<vmem>>, vector<16xf32>,
        tpu.vector_store_idx %arg10[%broadcast_in_dim3A_13, %broadcast_in_dim3A_13, %broadcast_in_dim3A_430, %broadcast_in_dim3A_13, %broadcast_in_dim3A_432, %add3A_84], %get3A_437 : memref<1x1x5x1x2x64xf32, #tpu.memory_space<vmem>>[vector<16xi32>, vector<16xi32>, vector<16xi32>, vector<16xi32>, vector<16xi32>, vector<16xi32>], vector<16xf32>,
        %broadcast_in_dim3A_438 = arith.constant 4 : i32
        %broadcast_in_dim3A_439 = vector.broadcast %broadcast_in_dim3A_438 : i32 to vector<16xi32>
        %broadcast_in_dim3A_440 = arith.constant 1 : i32
        %broadcast_in_dim3A_441 = vector.broadcast %broadcast_in_dim3A_440 : i32 to vector<16xi32>
        tpu.vector_store_idx %arg9[%broadcast_in_dim3A_13, %broadcast_in_dim3A_13, %broadcast_in_dim3A_439, %broadcast_in_dim3A_13, %broadcast_in_dim3A_441, %add3A_84], %select_n3A_320 : memref<1x1x5x1x2x64xf32, #tpu.memory_space<vmem>>[vector<16xi32>, vector<16xi32>, vector<16xi32>, vector<16xi32>, vector<16xi32>, vector<16xi32>], vector<16xf32>,
        %broadcast_in_dim3A_442 = arith.constant 4 : i32
        %broadcast_in_dim3A_443 = vector.broadcast %broadcast_in_dim3A_442 : i32 to vector<16xi32>
        %broadcast_in_dim3A_444 = arith.constant 1 : i32
        %broadcast_in_dim3A_445 = vector.broadcast %broadcast_in_dim3A_444 : i32 to vector<16xi32>
        %get3A_446 = arith.constant 29 : i32
        %get3A_447 = arith.index_cast %scan3A_27 : i32 to index
        %get3A_448 = arith.index_cast %get3A_446 : i32 to index
        %get3A_449 = arith.index_cast %add3A_75 : i32 to index
        %get3A_450 = tpu.vector_load %arg7[%get3A_447, %get3A_448, %get3A_449] {strides = array<i32>} : memref<7x48x64xf32, #tpu.memory_space<vmem>>, vector<16xf32>,
        tpu.vector_store_idx %arg10[%broadcast_in_dim3A_13, %broadcast_in_dim3A_13, %broadcast_in_dim3A_443, %broadcast_in_dim3A_13, %broadcast_in_dim3A_445, %add3A_84], %get3A_450 : memref<1x1x5x1x2x64xf32, #tpu.memory_space<vmem>>[vector<16xi32>, vector<16xi32>, vector<16xi32>, vector<16xi32>, vector<16xi32>, vector<16xi32>], vector<16xf32>,
        %gt3A_451 = arith.constant 4.000000e+00 : f32
        %gt3A_452 = vector.broadcast %gt3A_451 : f32 to vector<16xf32>
        %gt3A_453 = arith.cmpf ogt, %gather3A_306, %gt3A_452 : vector<16xf32>
        %select_n3A_454 = arith.select %gt3A_453, %broadcast_in_dim3A_9, %broadcast_in_dim3A_11 : vector<16xi1>, vector<16xi32>
        %select_n3A_455 = arith.select %gt3A_316, %broadcast_in_dim3A_9, %broadcast_in_dim3A_11 : vector<16xi1>, vector<16xi32>
        %and3A_456 = arith.andi %gt3A_316, %or3A : vector<16xi1>
        %select_n3A_457 = arith.select %and3A_456, %broadcast_in_dim3A_11, %select_n3A_454 : vector<16xi1>, vector<16xi32>
        %not3A_458 = arith.constant dense<true> : vector<16xi1>
        %not3A_459 = arith.xori %or3A, %not3A_458 : vector<16xi1>
        %and3A_460 = arith.andi %gt3A_316, %not3A_459 : vector<16xi1>
        %select_n3A_461 = arith.select %and3A_460, %broadcast_in_dim3A_11, %select_n3A_455 : vector<16xi1>, vector<16xi32>
        tpu.vector_store_idx %arg11[%broadcast_in_dim3A_13, %broadcast_in_dim3A_13, %broadcast_in_dim3A_13, %broadcast_in_dim3A_13, %add3A_84], %select_n3A_457 : memref<2x1x2x1x64xi32, #tpu.memory_space<vmem>>[vector<16xi32>, vector<16xi32>, vector<16xi32>, vector<16xi32>, vector<16xi32>], vector<16xi32>,
        tpu.vector_store_idx %arg11[%broadcast_in_dim3A_13, %broadcast_in_dim3A_13, %broadcast_in_dim3A_9, %broadcast_in_dim3A_13, %add3A_84], %select_n3A_461 : memref<2x1x2x1x64xi32, #tpu.memory_space<vmem>>[vector<16xi32>, vector<16xi32>, vector<16xi32>, vector<16xi32>, vector<16xi32>], vector<16xi32>,
        %sub3A_462 = arith.subi %broadcast_in_dim3A_9, %select_n3A_457 : vector<16xi32>
        tpu.vector_store_idx %arg11[%broadcast_in_dim3A_9, %broadcast_in_dim3A_13, %broadcast_in_dim3A_13, %broadcast_in_dim3A_13, %add3A_84], %sub3A_462 : memref<2x1x2x1x64xi32, #tpu.memory_space<vmem>>[vector<16xi32>, vector<16xi32>, vector<16xi32>, vector<16xi32>, vector<16xi32>], vector<16xi32>,
        %sub3A_463 = arith.subi %broadcast_in_dim3A_9, %select_n3A_461 : vector<16xi32>
        tpu.vector_store_idx %arg11[%broadcast_in_dim3A_9, %broadcast_in_dim3A_13, %broadcast_in_dim3A_9, %broadcast_in_dim3A_13, %add3A_84], %sub3A_463 : memref<2x1x2x1x64xi32, #tpu.memory_space<vmem>>[vector<16xi32>, vector<16xi32>, vector<16xi32>, vector<16xi32>, vector<16xi32>], vector<16xi32>,
        %add3A_464 = arith.constant 16 : i32
        %add3A_465 = arith.addi %mul3A_42, %add3A_464 : i32
        %add3A_466 = arith.constant 16 : i32
        %add3A_467 = vector.broadcast %add3A_466 : i32 to vector<16xi32>
        %add3A_468 = arith.addi %add3A_467, %iota3A : vector<16xi32>
        %mul3A_469 = arith.constant 2 : i32
        %mul3A_470 = vector.broadcast %mul3A_469 : i32 to vector<16xi32>
        %mul3A_471 = arith.muli %mul3A_470, %add3A_468 : vector<16xi32>
        %add3A_472 = arith.constant 0 : i32
        %add3A_473 = vector.broadcast %add3A_472 : i32 to vector<16xi32>
        %add3A_474 = arith.addi %mul3A_471, %add3A_473 : vector<16xi32>
        %get3A_475 = arith.constant 0 : i32
        %get3A_476 = arith.index_cast %scan3A_27 : i32 to index
        %get3A_477 = arith.index_cast %get3A_475 : i32 to index
        %get3A_478 = arith.index_cast %add3A_465 : i32 to index
        %get3A_479 = tpu.vector_load %arg7[%get3A_476, %get3A_477, %get3A_478] {strides = array<i32>} : memref<7x48x64xf32, #tpu.memory_space<vmem>>, vector<16xf32>,
        %get3A_480 = arith.constant 1 : i32
        %get3A_481 = arith.index_cast %scan3A_27 : i32 to index
        %get3A_482 = arith.index_cast %get3A_480 : i32 to index
        %get3A_483 = arith.index_cast %add3A_465 : i32 to index
        %get3A_484 = tpu.vector_load %arg7[%get3A_481, %get3A_482, %get3A_483] {strides = array<i32>} : memref<7x48x64xf32, #tpu.memory_space<vmem>>, vector<16xf32>,
        %get3A_485 = arith.constant 2 : i32
        %get3A_486 = arith.index_cast %scan3A_27 : i32 to index
        %get3A_487 = arith.index_cast %get3A_485 : i32 to index
        %get3A_488 = arith.index_cast %add3A_465 : i32 to index
        %get3A_489 = tpu.vector_load %arg7[%get3A_486, %get3A_487, %get3A_488] {strides = array<i32>} : memref<7x48x64xf32, #tpu.memory_space<vmem>>, vector<16xf32>,
        %get3A_490 = arith.constant 3 : i32
        %get3A_491 = arith.index_cast %scan3A_27 : i32 to index
        %get3A_492 = arith.index_cast %get3A_490 : i32 to index
        %get3A_493 = arith.index_cast %add3A_465 : i32 to index
        %get3A_494 = tpu.vector_load %arg7[%get3A_491, %get3A_492, %get3A_493] {strides = array<i32>} : memref<7x48x64xf32, #tpu.memory_space<vmem>>, vector<16xf32>,
        %get3A_495 = arith.constant 4 : i32
        %get3A_496 = arith.index_cast %scan3A_27 : i32 to index
        %get3A_497 = arith.index_cast %get3A_495 : i32 to index
        %get3A_498 = arith.index_cast %add3A_465 : i32 to index
        %get3A_499 = tpu.vector_load %arg7[%get3A_496, %get3A_497, %get3A_498] {strides = array<i32>} : memref<7x48x64xf32, #tpu.memory_space<vmem>>, vector<16xf32>,
        %get3A_500 = arith.constant 5 : i32
        %get3A_501 = arith.index_cast %scan3A_27 : i32 to index
        %get3A_502 = arith.index_cast %get3A_500 : i32 to index
        %get3A_503 = arith.index_cast %add3A_465 : i32 to index
        %get3A_504 = tpu.vector_load %arg7[%get3A_501, %get3A_502, %get3A_503] {strides = array<i32>} : memref<7x48x64xf32, #tpu.memory_space<vmem>>, vector<16xf32>,
        %get3A_505 = arith.constant 6 : i32
        %get3A_506 = arith.index_cast %scan3A_27 : i32 to index
        %get3A_507 = arith.index_cast %get3A_505 : i32 to index
        %get3A_508 = arith.index_cast %add3A_465 : i32 to index
        %get3A_509 = tpu.vector_load %arg7[%get3A_506, %get3A_507, %get3A_508] {strides = array<i32>} : memref<7x48x64xf32, #tpu.memory_space<vmem>>, vector<16xf32>,
        %get3A_510 = arith.constant 7 : i32
        %get3A_511 = arith.index_cast %scan3A_27 : i32 to index
        %get3A_512 = arith.index_cast %get3A_510 : i32 to index
        %get3A_513 = arith.index_cast %add3A_465 : i32 to index
        %get3A_514 = tpu.vector_load %arg7[%get3A_511, %get3A_512, %get3A_513] {strides = array<i32>} : memref<7x48x64xf32, #tpu.memory_space<vmem>>, vector<16xf32>,
        %get3A_515 = arith.constant 8 : i32
        %get3A_516 = arith.index_cast %scan3A_27 : i32 to index
        %get3A_517 = arith.index_cast %get3A_515 : i32 to index
        %get3A_518 = arith.index_cast %add3A_465 : i32 to index
        %get3A_519 = tpu.vector_load %arg7[%get3A_516, %get3A_517, %get3A_518] {strides = array<i32>} : memref<7x48x64xf32, #tpu.memory_space<vmem>>, vector<16xf32>,
        %get3A_520 = arith.constant 9 : i32
        %get3A_521 = arith.index_cast %scan3A_27 : i32 to index
        %get3A_522 = arith.index_cast %get3A_520 : i32 to index
        %get3A_523 = arith.index_cast %add3A_465 : i32 to index
        %get3A_524 = tpu.vector_load %arg7[%get3A_521, %get3A_522, %get3A_523] {strides = array<i32>} : memref<7x48x64xf32, #tpu.memory_space<vmem>>, vector<16xf32>,
        %broadcast_in_dim3A_525 = arith.constant 0 : i32
        %broadcast_in_dim3A_526 = vector.broadcast %broadcast_in_dim3A_525 : i32 to vector<16xi32>
        %gather3A_527 = arith.constant 0 : i32
        %gather3A_528 = arith.constant 0 : i32
        %gather3A_529 = tpu.memref_slice %arg8[%scan3A_27, %gather3A_527, %gather3A_528] : memref<7x16x64xf32, #tpu.memory_space<vmem>> -> memref<1x16x64xf32, #tpu.memory_space<vmem>>
        %gather3A_530 = tpu.memref_squeeze %gather3A_529 : memref<1x16x64xf32, #tpu.memory_space<vmem>> -> memref<16x64xf32, #tpu.memory_space<vmem>>
        %gather3A_531 = tpu.vector_load_idx %gather3A_530[%broadcast_in_dim3A_526, %add3A_474] : memref<16x64xf32, #tpu.memory_space<vmem>>[vector<16xi32>, vector<16xi32>], vector<16xf32>,
        %broadcast_in_dim3A_532 = arith.constant 1 : i32
        %broadcast_in_dim3A_533 = vector.broadcast %broadcast_in_dim3A_532 : i32 to vector<16xi32>
        %gather3A_534 = arith.constant 0 : i32
        %gather3A_535 = arith.constant 0 : i32
        %gather3A_536 = tpu.memref_slice %arg8[%scan3A_27, %gather3A_534, %gather3A_535] : memref<7x16x64xf32, #tpu.memory_space<vmem>> -> memref<1x16x64xf32, #tpu.memory_space<vmem>>
        %gather3A_537 = tpu.memref_squeeze %gather3A_536 : memref<1x16x64xf32, #tpu.memory_space<vmem>> -> memref<16x64xf32, #tpu.memory_space<vmem>>
        %gather3A_538 = tpu.vector_load_idx %gather3A_537[%broadcast_in_dim3A_533, %add3A_474] : memref<16x64xf32, #tpu.memory_space<vmem>>[vector<16xi32>, vector<16xi32>], vector<16xf32>,
        %broadcast_in_dim3A_539 = arith.constant 2 : i32
        %broadcast_in_dim3A_540 = vector.broadcast %broadcast_in_dim3A_539 : i32 to vector<16xi32>
        %gather3A_541 = arith.constant 0 : i32
        %gather3A_542 = arith.constant 0 : i32
        %gather3A_543 = tpu.memref_slice %arg8[%scan3A_27, %gather3A_541, %gather3A_542] : memref<7x16x64xf32, #tpu.memory_space<vmem>> -> memref<1x16x64xf32, #tpu.memory_space<vmem>>
        %gather3A_544 = tpu.memref_squeeze %gather3A_543 : memref<1x16x64xf32, #tpu.memory_space<vmem>> -> memref<16x64xf32, #tpu.memory_space<vmem>>
        %gather3A_545 = tpu.vector_load_idx %gather3A_544[%broadcast_in_dim3A_540, %add3A_474] : memref<16x64xf32, #tpu.memory_space<vmem>>[vector<16xi32>, vector<16xi32>], vector<16xf32>,
        %broadcast_in_dim3A_546 = arith.constant 3 : i32
        %broadcast_in_dim3A_547 = vector.broadcast %broadcast_in_dim3A_546 : i32 to vector<16xi32>
        %gather3A_548 = arith.constant 0 : i32
        %gather3A_549 = arith.constant 0 : i32
        %gather3A_550 = tpu.memref_slice %arg8[%scan3A_27, %gather3A_548, %gather3A_549] : memref<7x16x64xf32, #tpu.memory_space<vmem>> -> memref<1x16x64xf32, #tpu.memory_space<vmem>>
        %gather3A_551 = tpu.memref_squeeze %gather3A_550 : memref<1x16x64xf32, #tpu.memory_space<vmem>> -> memref<16x64xf32, #tpu.memory_space<vmem>>
        %gather3A_552 = tpu.vector_load_idx %gather3A_551[%broadcast_in_dim3A_547, %add3A_474] : memref<16x64xf32, #tpu.memory_space<vmem>>[vector<16xi32>, vector<16xi32>], vector<16xf32>,
        %add3A_553 = arith.addf %get3A_479, %add3A_70 : vector<16xf32>
        %mul3A_554 = arith.mulf %add3A_553, %broadcast_in_dim3A_3 : vector<16xf32>
        %mul3A_555 = arith.constant 5.000000e-01 : f32
        %mul3A_556 = vector.broadcast %mul3A_555 : f32 to vector<16xf32>
        %mul3A_557 = arith.mulf %get3A_489, %mul3A_556 : vector<16xf32>
        %sub3A_558 = arith.subf %mul3A_554, %mul3A_557 : vector<16xf32>
        %add3A_559 = arith.addf %get3A_484, %add3A_73 : vector<16xf32>
        %mul3A_560 = arith.mulf %add3A_559, %broadcast_in_dim3A_3 : vector<16xf32>
        %mul3A_561 = arith.constant 5.000000e-01 : f32
        %mul3A_562 = vector.broadcast %mul3A_561 : f32 to vector<16xf32>
        %mul3A_563 = arith.mulf %get3A_494, %mul3A_562 : vector<16xf32>
        %sub3A_564 = arith.subf %mul3A_560, %mul3A_563 : vector<16xf32>
        %max3A_565 = arith.maximumf %sub3A_558, %broadcast_in_dim3A_1 : vector<16xf32>
        %max3A_566 = arith.maximumf %sub3A_564, %broadcast_in_dim3A_1 : vector<16xf32>
        %max3A_567 = arith.maximumf %get3A_489, %broadcast_in_dim3A_1 : vector<16xf32>
        %max3A_568 = arith.maximumf %get3A_494, %broadcast_in_dim3A_1 : vector<16xf32>
        %add3A_569 = arith.addf %gather3A_531, %add3A_70 : vector<16xf32>
        %mul3A_570 = arith.mulf %add3A_569, %broadcast_in_dim3A_3 : vector<16xf32>
        %mul3A_571 = arith.constant 5.000000e-01 : f32
        %mul3A_572 = vector.broadcast %mul3A_571 : f32 to vector<16xf32>
        %mul3A_573 = arith.mulf %gather3A_545, %mul3A_572 : vector<16xf32>
        %sub3A_574 = arith.subf %mul3A_570, %mul3A_573 : vector<16xf32>
        %add3A_575 = arith.addf %gather3A_538, %add3A_73 : vector<16xf32>
        %mul3A_576 = arith.mulf %add3A_575, %broadcast_in_dim3A_3 : vector<16xf32>
        %mul3A_577 = arith.constant 5.000000e-01 : f32
        %mul3A_578 = vector.broadcast %mul3A_577 : f32 to vector<16xf32>
        %mul3A_579 = arith.mulf %gather3A_552, %mul3A_578 : vector<16xf32>
        %sub3A_580 = arith.subf %mul3A_576, %mul3A_579 : vector<16xf32>
        %max3A_581 = arith.maximumf %sub3A_574, %broadcast_in_dim3A_1 : vector<16xf32>
        %max3A_582 = arith.maximumf %sub3A_580, %broadcast_in_dim3A_1 : vector<16xf32>
        %max3A_583 = arith.maximumf %gather3A_545, %broadcast_in_dim3A_1 : vector<16xf32>
        %max3A_584 = arith.maximumf %gather3A_552, %broadcast_in_dim3A_1 : vector<16xf32>
        %add3A_585 = arith.addf %max3A_567, %max3A_583 : vector<16xf32>
        %add3A_586 = arith.addf %max3A_565, %max3A_567 : vector<16xf32>
        %add3A_587 = arith.addf %max3A_581, %max3A_583 : vector<16xf32>
        %max3A_588 = arith.maximumf %add3A_586, %add3A_587 : vector<16xf32>
        %min3A_589 = arith.minimumf %max3A_565, %max3A_581 : vector<16xf32>
        %sub3A_590 = arith.subf %max3A_588, %min3A_589 : vector<16xf32>
        %sub3A_591 = arith.subf %add3A_585, %sub3A_590 : vector<16xf32>
        %add3A_592 = arith.addf %max3A_568, %max3A_584 : vector<16xf32>
        %add3A_593 = arith.addf %max3A_566, %max3A_568 : vector<16xf32>
        %add3A_594 = arith.addf %max3A_582, %max3A_584 : vector<16xf32>
        %max3A_595 = arith.maximumf %add3A_593, %add3A_594 : vector<16xf32>
        %min3A_596 = arith.minimumf %max3A_566, %max3A_582 : vector<16xf32>
        %sub3A_597 = arith.subf %max3A_595, %min3A_596 : vector<16xf32>
        %sub3A_598 = arith.subf %add3A_592, %sub3A_597 : vector<16xf32>
        %max3A_599 = arith.maximumf %sub3A_591, %broadcast_in_dim3A_1 : vector<16xf32>
        %max3A_600 = arith.maximumf %sub3A_598, %broadcast_in_dim3A_1 : vector<16xf32>
        %mul3A_601 = arith.mulf %max3A_599, %max3A_600 : vector<16xf32>
        %mul3A_602 = arith.mulf %max3A_567, %max3A_568 : vector<16xf32>
        %mul3A_603 = arith.mulf %max3A_583, %max3A_584 : vector<16xf32>
        %add3A_604 = arith.addf %mul3A_602, %mul3A_603 : vector<16xf32>
        %sub3A_605 = arith.subf %add3A_604, %mul3A_601 : vector<16xf32>
        %div3A_606 = arith.divf %mul3A_601, %sub3A_605 : vector<16xf32>
        %broadcast_in_dim3A_607 = arith.constant 5 : i32
        %broadcast_in_dim3A_608 = vector.broadcast %broadcast_in_dim3A_607 : i32 to vector<16xi32>
        %gather3A_609 = arith.constant 0 : i32
        %gather3A_610 = arith.constant 0 : i32
        %gather3A_611 = tpu.memref_slice %arg8[%scan3A_27, %gather3A_609, %gather3A_610] : memref<7x16x64xf32, #tpu.memory_space<vmem>> -> memref<1x16x64xf32, #tpu.memory_space<vmem>>
        %gather3A_612 = tpu.memref_squeeze %gather3A_611 : memref<1x16x64xf32, #tpu.memory_space<vmem>> -> memref<16x64xf32, #tpu.memory_space<vmem>>
        %gather3A_613 = tpu.vector_load_idx %gather3A_612[%broadcast_in_dim3A_608, %add3A_474] : memref<16x64xf32, #tpu.memory_space<vmem>>[vector<16xi32>, vector<16xi32>], vector<16xf32>,
        %broadcast_in_dim3A_614 = arith.constant 6 : i32
        %broadcast_in_dim3A_615 = vector.broadcast %broadcast_in_dim3A_614 : i32 to vector<16xi32>
        %gather3A_616 = arith.constant 0 : i32
        %gather3A_617 = arith.constant 0 : i32
        %gather3A_618 = tpu.memref_slice %arg8[%scan3A_27, %gather3A_616, %gather3A_617] : memref<7x16x64xf32, #tpu.memory_space<vmem>> -> memref<1x16x64xf32, #tpu.memory_space<vmem>>
        %gather3A_619 = tpu.memref_squeeze %gather3A_618 : memref<1x16x64xf32, #tpu.memory_space<vmem>> -> memref<16x64xf32, #tpu.memory_space<vmem>>
        %gather3A_620 = tpu.vector_load_idx %gather3A_619[%broadcast_in_dim3A_615, %add3A_474] : memref<16x64xf32, #tpu.memory_space<vmem>>[vector<16xi32>, vector<16xi32>], vector<16xf32>,
        %broadcast_in_dim3A_621 = arith.constant 7 : i32
        %broadcast_in_dim3A_622 = vector.broadcast %broadcast_in_dim3A_621 : i32 to vector<16xi32>
        %gather3A_623 = arith.constant 0 : i32
        %gather3A_624 = arith.constant 0 : i32
        %gather3A_625 = tpu.memref_slice %arg8[%scan3A_27, %gather3A_623, %gather3A_624] : memref<7x16x64xf32, #tpu.memory_space<vmem>> -> memref<1x16x64xf32, #tpu.memory_space<vmem>>
        %gather3A_626 = tpu.memref_squeeze %gather3A_625 : memref<1x16x64xf32, #tpu.memory_space<vmem>> -> memref<16x64xf32, #tpu.memory_space<vmem>>
        %gather3A_627 = tpu.vector_load_idx %gather3A_626[%broadcast_in_dim3A_622, %add3A_474] : memref<16x64xf32, #tpu.memory_space<vmem>>[vector<16xi32>, vector<16xi32>], vector<16xf32>,
        %broadcast_in_dim3A_628 = arith.constant 8 : i32
        %broadcast_in_dim3A_629 = vector.broadcast %broadcast_in_dim3A_628 : i32 to vector<16xi32>
        %gather3A_630 = arith.constant 0 : i32
        %gather3A_631 = arith.constant 0 : i32
        %gather3A_632 = tpu.memref_slice %arg8[%scan3A_27, %gather3A_630, %gather3A_631] : memref<7x16x64xf32, #tpu.memory_space<vmem>> -> memref<1x16x64xf32, #tpu.memory_space<vmem>>
        %gather3A_633 = tpu.memref_squeeze %gather3A_632 : memref<1x16x64xf32, #tpu.memory_space<vmem>> -> memref<16x64xf32, #tpu.memory_space<vmem>>
        %gather3A_634 = tpu.vector_load_idx %gather3A_633[%broadcast_in_dim3A_629, %add3A_474] : memref<16x64xf32, #tpu.memory_space<vmem>>[vector<16xi32>, vector<16xi32>], vector<16xf32>,
        %add3A_635 = arith.addf %get3A_504, %add3A_70 : vector<16xf32>
        %mul3A_636 = arith.mulf %add3A_635, %broadcast_in_dim3A_3 : vector<16xf32>
        %mul3A_637 = arith.constant 5.000000e-01 : f32
        %mul3A_638 = vector.broadcast %mul3A_637 : f32 to vector<16xf32>
        %mul3A_639 = arith.mulf %get3A_514, %mul3A_638 : vector<16xf32>
        %sub3A_640 = arith.subf %mul3A_636, %mul3A_639 : vector<16xf32>
        %add3A_641 = arith.addf %get3A_509, %add3A_73 : vector<16xf32>
        %mul3A_642 = arith.mulf %add3A_641, %broadcast_in_dim3A_3 : vector<16xf32>
        %mul3A_643 = arith.constant 5.000000e-01 : f32
        %mul3A_644 = vector.broadcast %mul3A_643 : f32 to vector<16xf32>
        %mul3A_645 = arith.mulf %get3A_519, %mul3A_644 : vector<16xf32>
        %sub3A_646 = arith.subf %mul3A_642, %mul3A_645 : vector<16xf32>
        %max3A_647 = arith.maximumf %sub3A_640, %broadcast_in_dim3A_1 : vector<16xf32>
        %max3A_648 = arith.maximumf %sub3A_646, %broadcast_in_dim3A_1 : vector<16xf32>
        %max3A_649 = arith.maximumf %get3A_514, %broadcast_in_dim3A_1 : vector<16xf32>
        %max3A_650 = arith.maximumf %get3A_519, %broadcast_in_dim3A_1 : vector<16xf32>
        %add3A_651 = arith.addf %gather3A_613, %add3A_70 : vector<16xf32>
        %mul3A_652 = arith.mulf %add3A_651, %broadcast_in_dim3A_3 : vector<16xf32>
        %mul3A_653 = arith.constant 5.000000e-01 : f32
        %mul3A_654 = vector.broadcast %mul3A_653 : f32 to vector<16xf32>
        %mul3A_655 = arith.mulf %gather3A_627, %mul3A_654 : vector<16xf32>
        %sub3A_656 = arith.subf %mul3A_652, %mul3A_655 : vector<16xf32>
        %add3A_657 = arith.addf %gather3A_620, %add3A_73 : vector<16xf32>
        %mul3A_658 = arith.mulf %add3A_657, %broadcast_in_dim3A_3 : vector<16xf32>
        %mul3A_659 = arith.constant 5.000000e-01 : f32
        %mul3A_660 = vector.broadcast %mul3A_659 : f32 to vector<16xf32>
        %mul3A_661 = arith.mulf %gather3A_634, %mul3A_660 : vector<16xf32>
        %sub3A_662 = arith.subf %mul3A_658, %mul3A_661 : vector<16xf32>
        %max3A_663 = arith.maximumf %sub3A_656, %broadcast_in_dim3A_1 : vector<16xf32>
        %max3A_664 = arith.maximumf %sub3A_662, %broadcast_in_dim3A_1 : vector<16xf32>
        %max3A_665 = arith.maximumf %gather3A_627, %broadcast_in_dim3A_1 : vector<16xf32>
        %max3A_666 = arith.maximumf %gather3A_634, %broadcast_in_dim3A_1 : vector<16xf32>
        %add3A_667 = arith.addf %max3A_649, %max3A_665 : vector<16xf32>
        %add3A_668 = arith.addf %max3A_647, %max3A_649 : vector<16xf32>
        %add3A_669 = arith.addf %max3A_663, %max3A_665 : vector<16xf32>
        %max3A_670 = arith.maximumf %add3A_668, %add3A_669 : vector<16xf32>
        %min3A_671 = arith.minimumf %max3A_647, %max3A_663 : vector<16xf32>
        %sub3A_672 = arith.subf %max3A_670, %min3A_671 : vector<16xf32>
        %sub3A_673 = arith.subf %add3A_667, %sub3A_672 : vector<16xf32>
        %add3A_674 = arith.addf %max3A_650, %max3A_666 : vector<16xf32>
        %add3A_675 = arith.addf %max3A_648, %max3A_650 : vector<16xf32>
        %add3A_676 = arith.addf %max3A_664, %max3A_666 : vector<16xf32>
        %max3A_677 = arith.maximumf %add3A_675, %add3A_676 : vector<16xf32>
        %min3A_678 = arith.minimumf %max3A_648, %max3A_664 : vector<16xf32>
        %sub3A_679 = arith.subf %max3A_677, %min3A_678 : vector<16xf32>
        %sub3A_680 = arith.subf %add3A_674, %sub3A_679 : vector<16xf32>
        %max3A_681 = arith.maximumf %sub3A_673, %broadcast_in_dim3A_1 : vector<16xf32>
        %max3A_682 = arith.maximumf %sub3A_680, %broadcast_in_dim3A_1 : vector<16xf32>
        %mul3A_683 = arith.mulf %max3A_681, %max3A_682 : vector<16xf32>
        %mul3A_684 = arith.mulf %max3A_649, %max3A_650 : vector<16xf32>
        %mul3A_685 = arith.mulf %max3A_665, %max3A_666 : vector<16xf32>
        %add3A_686 = arith.addf %mul3A_684, %mul3A_685 : vector<16xf32>
        %sub3A_687 = arith.subf %add3A_686, %mul3A_683 : vector<16xf32>
        %div3A_688 = arith.divf %mul3A_683, %sub3A_687 : vector<16xf32>
        %bitcast3A_689 = vector.bitcast %div3A_606 : vector<16xf32> to vector<16xi32>
        %and3A_690 = arith.andi %bitcast3A_689, %broadcast_in_dim3A_5 : vector<16xi32>
        %gt3A_691 = arith.cmpi sgt, %and3A_690, %broadcast_in_dim3A_7 : vector<16xi32>
        %bitcast3A_692 = vector.bitcast %div3A_688 : vector<16xf32> to vector<16xi32>
        %and3A_693 = arith.andi %bitcast3A_692, %broadcast_in_dim3A_5 : vector<16xi32>
        %gt3A_694 = arith.cmpi sgt, %and3A_693, %broadcast_in_dim3A_7 : vector<16xi32>
        %gt3A_695 = arith.cmpf ogt, %div3A_688, %div3A_606 : vector<16xf32>
        %not3A_696 = arith.constant dense<true> : vector<16xi1>
        %not3A_697 = arith.xori %gt3A_691, %not3A_696 : vector<16xi1>
        %and3A_698 = arith.andi %gt3A_694, %not3A_697 : vector<16xi1>
        %or3A_699 = arith.ori %gt3A_695, %and3A_698 : vector<16xi1>
        %select_n3A_700 = arith.select %or3A_699, %div3A_688, %div3A_606 : vector<16xi1>, vector<16xf32>
        %broadcast_in_dim3A_701 = arith.constant 4 : i32
        %broadcast_in_dim3A_702 = vector.broadcast %broadcast_in_dim3A_701 : i32 to vector<16xi32>
        %gather3A_703 = arith.constant 0 : i32
        %gather3A_704 = arith.constant 0 : i32
        %gather3A_705 = tpu.memref_slice %arg8[%scan3A_27, %gather3A_703, %gather3A_704] : memref<7x16x64xf32, #tpu.memory_space<vmem>> -> memref<1x16x64xf32, #tpu.memory_space<vmem>>
        %gather3A_706 = tpu.memref_squeeze %gather3A_705 : memref<1x16x64xf32, #tpu.memory_space<vmem>> -> memref<16x64xf32, #tpu.memory_space<vmem>>
        %gather3A_707 = tpu.vector_load_idx %gather3A_706[%broadcast_in_dim3A_702, %add3A_474] : memref<16x64xf32, #tpu.memory_space<vmem>>[vector<16xi32>, vector<16xi32>], vector<16xf32>,
        %broadcast_in_dim3A_708 = arith.constant 9 : i32
        %broadcast_in_dim3A_709 = vector.broadcast %broadcast_in_dim3A_708 : i32 to vector<16xi32>
        %gather3A_710 = arith.constant 0 : i32
        %gather3A_711 = arith.constant 0 : i32
        %gather3A_712 = tpu.memref_slice %arg8[%scan3A_27, %gather3A_710, %gather3A_711] : memref<7x16x64xf32, #tpu.memory_space<vmem>> -> memref<1x16x64xf32, #tpu.memory_space<vmem>>
        %gather3A_713 = tpu.memref_squeeze %gather3A_712 : memref<1x16x64xf32, #tpu.memory_space<vmem>> -> memref<16x64xf32, #tpu.memory_space<vmem>>
        %gather3A_714 = tpu.vector_load_idx %gather3A_713[%broadcast_in_dim3A_709, %add3A_474] : memref<16x64xf32, #tpu.memory_space<vmem>>[vector<16xi32>, vector<16xi32>], vector<16xf32>,
        %gt3A_715 = arith.constant 4.000000e+00 : f32
        %gt3A_716 = vector.broadcast %gt3A_715 : f32 to vector<16xf32>
        %gt3A_717 = arith.cmpf ogt, %gather3A_714, %gt3A_716 : vector<16xf32>
        %select_n3A_718 = arith.select %or3A_699, %broadcast_in_dim3A_1, %select_n3A_700 : vector<16xi1>, vector<16xf32>
        %select_n3A_719 = arith.select %gt3A_717, %select_n3A_718, %get3A_499 : vector<16xi1>, vector<16xf32>
        %select_n3A_720 = arith.select %or3A_699, %select_n3A_700, %broadcast_in_dim3A_1 : vector<16xi1>, vector<16xf32>
        %select_n3A_721 = arith.select %gt3A_717, %select_n3A_720, %get3A_524 : vector<16xi1>, vector<16xf32>
        %broadcast_in_dim3A_722 = arith.constant 0 : i32
        %broadcast_in_dim3A_723 = vector.broadcast %broadcast_in_dim3A_722 : i32 to vector<16xi32>
        %broadcast_in_dim3A_724 = arith.constant 0 : i32
        %broadcast_in_dim3A_725 = vector.broadcast %broadcast_in_dim3A_724 : i32 to vector<16xi32>
        tpu.vector_store_idx %arg9[%broadcast_in_dim3A_13, %broadcast_in_dim3A_13, %broadcast_in_dim3A_723, %broadcast_in_dim3A_13, %broadcast_in_dim3A_725, %add3A_474], %get3A_479 : memref<1x1x5x1x2x64xf32, #tpu.memory_space<vmem>>[vector<16xi32>, vector<16xi32>, vector<16xi32>, vector<16xi32>, vector<16xi32>, vector<16xi32>], vector<16xf32>,
        %broadcast_in_dim3A_726 = arith.constant 0 : i32
        %broadcast_in_dim3A_727 = vector.broadcast %broadcast_in_dim3A_726 : i32 to vector<16xi32>
        %broadcast_in_dim3A_728 = arith.constant 0 : i32
        %broadcast_in_dim3A_729 = vector.broadcast %broadcast_in_dim3A_728 : i32 to vector<16xi32>
        %get3A_730 = arith.constant 20 : i32
        %get3A_731 = arith.index_cast %scan3A_27 : i32 to index
        %get3A_732 = arith.index_cast %get3A_730 : i32 to index
        %get3A_733 = arith.index_cast %add3A_465 : i32 to index
        %get3A_734 = tpu.vector_load %arg7[%get3A_731, %get3A_732, %get3A_733] {strides = array<i32>} : memref<7x48x64xf32, #tpu.memory_space<vmem>>, vector<16xf32>,
        tpu.vector_store_idx %arg10[%broadcast_in_dim3A_13, %broadcast_in_dim3A_13, %broadcast_in_dim3A_727, %broadcast_in_dim3A_13, %broadcast_in_dim3A_729, %add3A_474], %get3A_734 : memref<1x1x5x1x2x64xf32, #tpu.memory_space<vmem>>[vector<16xi32>, vector<16xi32>, vector<16xi32>, vector<16xi32>, vector<16xi32>, vector<16xi32>], vector<16xf32>,
        %broadcast_in_dim3A_735 = arith.constant 1 : i32
        %broadcast_in_dim3A_736 = vector.broadcast %broadcast_in_dim3A_735 : i32 to vector<16xi32>
        %broadcast_in_dim3A_737 = arith.constant 0 : i32
        %broadcast_in_dim3A_738 = vector.broadcast %broadcast_in_dim3A_737 : i32 to vector<16xi32>
        tpu.vector_store_idx %arg9[%broadcast_in_dim3A_13, %broadcast_in_dim3A_13, %broadcast_in_dim3A_736, %broadcast_in_dim3A_13, %broadcast_in_dim3A_738, %add3A_474], %get3A_484 : memref<1x1x5x1x2x64xf32, #tpu.memory_space<vmem>>[vector<16xi32>, vector<16xi32>, vector<16xi32>, vector<16xi32>, vector<16xi32>, vector<16xi32>], vector<16xf32>,
        %broadcast_in_dim3A_739 = arith.constant 1 : i32
        %broadcast_in_dim3A_740 = vector.broadcast %broadcast_in_dim3A_739 : i32 to vector<16xi32>
        %broadcast_in_dim3A_741 = arith.constant 0 : i32
        %broadcast_in_dim3A_742 = vector.broadcast %broadcast_in_dim3A_741 : i32 to vector<16xi32>
        %get3A_743 = arith.constant 21 : i32
        %get3A_744 = arith.index_cast %scan3A_27 : i32 to index
        %get3A_745 = arith.index_cast %get3A_743 : i32 to index
        %get3A_746 = arith.index_cast %add3A_465 : i32 to index
        %get3A_747 = tpu.vector_load %arg7[%get3A_744, %get3A_745, %get3A_746] {strides = array<i32>} : memref<7x48x64xf32, #tpu.memory_space<vmem>>, vector<16xf32>,
        tpu.vector_store_idx %arg10[%broadcast_in_dim3A_13, %broadcast_in_dim3A_13, %broadcast_in_dim3A_740, %broadcast_in_dim3A_13, %broadcast_in_dim3A_742, %add3A_474], %get3A_747 : memref<1x1x5x1x2x64xf32, #tpu.memory_space<vmem>>[vector<16xi32>, vector<16xi32>, vector<16xi32>, vector<16xi32>, vector<16xi32>, vector<16xi32>], vector<16xf32>,
        %broadcast_in_dim3A_748 = arith.constant 2 : i32
        %broadcast_in_dim3A_749 = vector.broadcast %broadcast_in_dim3A_748 : i32 to vector<16xi32>
        %broadcast_in_dim3A_750 = arith.constant 0 : i32
        %broadcast_in_dim3A_751 = vector.broadcast %broadcast_in_dim3A_750 : i32 to vector<16xi32>
        tpu.vector_store_idx %arg9[%broadcast_in_dim3A_13, %broadcast_in_dim3A_13, %broadcast_in_dim3A_749, %broadcast_in_dim3A_13, %broadcast_in_dim3A_751, %add3A_474], %get3A_489 : memref<1x1x5x1x2x64xf32, #tpu.memory_space<vmem>>[vector<16xi32>, vector<16xi32>, vector<16xi32>, vector<16xi32>, vector<16xi32>, vector<16xi32>], vector<16xf32>,
        %broadcast_in_dim3A_752 = arith.constant 2 : i32
        %broadcast_in_dim3A_753 = vector.broadcast %broadcast_in_dim3A_752 : i32 to vector<16xi32>
        %broadcast_in_dim3A_754 = arith.constant 0 : i32
        %broadcast_in_dim3A_755 = vector.broadcast %broadcast_in_dim3A_754 : i32 to vector<16xi32>
        %get3A_756 = arith.constant 22 : i32
        %get3A_757 = arith.index_cast %scan3A_27 : i32 to index
        %get3A_758 = arith.index_cast %get3A_756 : i32 to index
        %get3A_759 = arith.index_cast %add3A_465 : i32 to index
        %get3A_760 = tpu.vector_load %arg7[%get3A_757, %get3A_758, %get3A_759] {strides = array<i32>} : memref<7x48x64xf32, #tpu.memory_space<vmem>>, vector<16xf32>,
        tpu.vector_store_idx %arg10[%broadcast_in_dim3A_13, %broadcast_in_dim3A_13, %broadcast_in_dim3A_753, %broadcast_in_dim3A_13, %broadcast_in_dim3A_755, %add3A_474], %get3A_760 : memref<1x1x5x1x2x64xf32, #tpu.memory_space<vmem>>[vector<16xi32>, vector<16xi32>, vector<16xi32>, vector<16xi32>, vector<16xi32>, vector<16xi32>], vector<16xf32>,
        %broadcast_in_dim3A_761 = arith.constant 3 : i32
        %broadcast_in_dim3A_762 = vector.broadcast %broadcast_in_dim3A_761 : i32 to vector<16xi32>
        %broadcast_in_dim3A_763 = arith.constant 0 : i32
        %broadcast_in_dim3A_764 = vector.broadcast %broadcast_in_dim3A_763 : i32 to vector<16xi32>
        tpu.vector_store_idx %arg9[%broadcast_in_dim3A_13, %broadcast_in_dim3A_13, %broadcast_in_dim3A_762, %broadcast_in_dim3A_13, %broadcast_in_dim3A_764, %add3A_474], %get3A_494 : memref<1x1x5x1x2x64xf32, #tpu.memory_space<vmem>>[vector<16xi32>, vector<16xi32>, vector<16xi32>, vector<16xi32>, vector<16xi32>, vector<16xi32>], vector<16xf32>,
        %broadcast_in_dim3A_765 = arith.constant 3 : i32
        %broadcast_in_dim3A_766 = vector.broadcast %broadcast_in_dim3A_765 : i32 to vector<16xi32>
        %broadcast_in_dim3A_767 = arith.constant 0 : i32
        %broadcast_in_dim3A_768 = vector.broadcast %broadcast_in_dim3A_767 : i32 to vector<16xi32>
        %get3A_769 = arith.constant 23 : i32
        %get3A_770 = arith.index_cast %scan3A_27 : i32 to index
        %get3A_771 = arith.index_cast %get3A_769 : i32 to index
        %get3A_772 = arith.index_cast %add3A_465 : i32 to index
        %get3A_773 = tpu.vector_load %arg7[%get3A_770, %get3A_771, %get3A_772] {strides = array<i32>} : memref<7x48x64xf32, #tpu.memory_space<vmem>>, vector<16xf32>,
        tpu.vector_store_idx %arg10[%broadcast_in_dim3A_13, %broadcast_in_dim3A_13, %broadcast_in_dim3A_766, %broadcast_in_dim3A_13, %broadcast_in_dim3A_768, %add3A_474], %get3A_773 : memref<1x1x5x1x2x64xf32, #tpu.memory_space<vmem>>[vector<16xi32>, vector<16xi32>, vector<16xi32>, vector<16xi32>, vector<16xi32>, vector<16xi32>], vector<16xf32>,
        %broadcast_in_dim3A_774 = arith.constant 4 : i32
        %broadcast_in_dim3A_775 = vector.broadcast %broadcast_in_dim3A_774 : i32 to vector<16xi32>
        %broadcast_in_dim3A_776 = arith.constant 0 : i32
        %broadcast_in_dim3A_777 = vector.broadcast %broadcast_in_dim3A_776 : i32 to vector<16xi32>
        tpu.vector_store_idx %arg9[%broadcast_in_dim3A_13, %broadcast_in_dim3A_13, %broadcast_in_dim3A_775, %broadcast_in_dim3A_13, %broadcast_in_dim3A_777, %add3A_474], %select_n3A_719 : memref<1x1x5x1x2x64xf32, #tpu.memory_space<vmem>>[vector<16xi32>, vector<16xi32>, vector<16xi32>, vector<16xi32>, vector<16xi32>, vector<16xi32>], vector<16xf32>,
        %broadcast_in_dim3A_778 = arith.constant 4 : i32
        %broadcast_in_dim3A_779 = vector.broadcast %broadcast_in_dim3A_778 : i32 to vector<16xi32>
        %broadcast_in_dim3A_780 = arith.constant 0 : i32
        %broadcast_in_dim3A_781 = vector.broadcast %broadcast_in_dim3A_780 : i32 to vector<16xi32>
        %get3A_782 = arith.constant 24 : i32
        %get3A_783 = arith.index_cast %scan3A_27 : i32 to index
        %get3A_784 = arith.index_cast %get3A_782 : i32 to index
        %get3A_785 = arith.index_cast %add3A_465 : i32 to index
        %get3A_786 = tpu.vector_load %arg7[%get3A_783, %get3A_784, %get3A_785] {strides = array<i32>} : memref<7x48x64xf32, #tpu.memory_space<vmem>>, vector<16xf32>,
        tpu.vector_store_idx %arg10[%broadcast_in_dim3A_13, %broadcast_in_dim3A_13, %broadcast_in_dim3A_779, %broadcast_in_dim3A_13, %broadcast_in_dim3A_781, %add3A_474], %get3A_786 : memref<1x1x5x1x2x64xf32, #tpu.memory_space<vmem>>[vector<16xi32>, vector<16xi32>, vector<16xi32>, vector<16xi32>, vector<16xi32>, vector<16xi32>], vector<16xf32>,
        %broadcast_in_dim3A_787 = arith.constant 0 : i32
        %broadcast_in_dim3A_788 = vector.broadcast %broadcast_in_dim3A_787 : i32 to vector<16xi32>
        %broadcast_in_dim3A_789 = arith.constant 1 : i32
        %broadcast_in_dim3A_790 = vector.broadcast %broadcast_in_dim3A_789 : i32 to vector<16xi32>
        tpu.vector_store_idx %arg9[%broadcast_in_dim3A_13, %broadcast_in_dim3A_13, %broadcast_in_dim3A_788, %broadcast_in_dim3A_13, %broadcast_in_dim3A_790, %add3A_474], %get3A_504 : memref<1x1x5x1x2x64xf32, #tpu.memory_space<vmem>>[vector<16xi32>, vector<16xi32>, vector<16xi32>, vector<16xi32>, vector<16xi32>, vector<16xi32>], vector<16xf32>,
        %broadcast_in_dim3A_791 = arith.constant 0 : i32
        %broadcast_in_dim3A_792 = vector.broadcast %broadcast_in_dim3A_791 : i32 to vector<16xi32>
        %broadcast_in_dim3A_793 = arith.constant 1 : i32
        %broadcast_in_dim3A_794 = vector.broadcast %broadcast_in_dim3A_793 : i32 to vector<16xi32>
        %get3A_795 = arith.constant 25 : i32
        %get3A_796 = arith.index_cast %scan3A_27 : i32 to index
        %get3A_797 = arith.index_cast %get3A_795 : i32 to index
        %get3A_798 = arith.index_cast %add3A_465 : i32 to index
        %get3A_799 = tpu.vector_load %arg7[%get3A_796, %get3A_797, %get3A_798] {strides = array<i32>} : memref<7x48x64xf32, #tpu.memory_space<vmem>>, vector<16xf32>,
        tpu.vector_store_idx %arg10[%broadcast_in_dim3A_13, %broadcast_in_dim3A_13, %broadcast_in_dim3A_792, %broadcast_in_dim3A_13, %broadcast_in_dim3A_794, %add3A_474], %get3A_799 : memref<1x1x5x1x2x64xf32, #tpu.memory_space<vmem>>[vector<16xi32>, vector<16xi32>, vector<16xi32>, vector<16xi32>, vector<16xi32>, vector<16xi32>], vector<16xf32>,
        %broadcast_in_dim3A_800 = arith.constant 1 : i32
        %broadcast_in_dim3A_801 = vector.broadcast %broadcast_in_dim3A_800 : i32 to vector<16xi32>
        %broadcast_in_dim3A_802 = arith.constant 1 : i32
        %broadcast_in_dim3A_803 = vector.broadcast %broadcast_in_dim3A_802 : i32 to vector<16xi32>
        tpu.vector_store_idx %arg9[%broadcast_in_dim3A_13, %broadcast_in_dim3A_13, %broadcast_in_dim3A_801, %broadcast_in_dim3A_13, %broadcast_in_dim3A_803, %add3A_474], %get3A_509 : memref<1x1x5x1x2x64xf32, #tpu.memory_space<vmem>>[vector<16xi32>, vector<16xi32>, vector<16xi32>, vector<16xi32>, vector<16xi32>, vector<16xi32>], vector<16xf32>,
        %broadcast_in_dim3A_804 = arith.constant 1 : i32
        %broadcast_in_dim3A_805 = vector.broadcast %broadcast_in_dim3A_804 : i32 to vector<16xi32>
        %broadcast_in_dim3A_806 = arith.constant 1 : i32
        %broadcast_in_dim3A_807 = vector.broadcast %broadcast_in_dim3A_806 : i32 to vector<16xi32>
        %get3A_808 = arith.constant 26 : i32
        %get3A_809 = arith.index_cast %scan3A_27 : i32 to index
        %get3A_810 = arith.index_cast %get3A_808 : i32 to index
        %get3A_811 = arith.index_cast %add3A_465 : i32 to index
        %get3A_812 = tpu.vector_load %arg7[%get3A_809, %get3A_810, %get3A_811] {strides = array<i32>} : memref<7x48x64xf32, #tpu.memory_space<vmem>>, vector<16xf32>,
        tpu.vector_store_idx %arg10[%broadcast_in_dim3A_13, %broadcast_in_dim3A_13, %broadcast_in_dim3A_805, %broadcast_in_dim3A_13, %broadcast_in_dim3A_807, %add3A_474], %get3A_812 : memref<1x1x5x1x2x64xf32, #tpu.memory_space<vmem>>[vector<16xi32>, vector<16xi32>, vector<16xi32>, vector<16xi32>, vector<16xi32>, vector<16xi32>], vector<16xf32>,
        %broadcast_in_dim3A_813 = arith.constant 2 : i32
        %broadcast_in_dim3A_814 = vector.broadcast %broadcast_in_dim3A_813 : i32 to vector<16xi32>
        %broadcast_in_dim3A_815 = arith.constant 1 : i32
        %broadcast_in_dim3A_816 = vector.broadcast %broadcast_in_dim3A_815 : i32 to vector<16xi32>
        tpu.vector_store_idx %arg9[%broadcast_in_dim3A_13, %broadcast_in_dim3A_13, %broadcast_in_dim3A_814, %broadcast_in_dim3A_13, %broadcast_in_dim3A_816, %add3A_474], %get3A_514 : memref<1x1x5x1x2x64xf32, #tpu.memory_space<vmem>>[vector<16xi32>, vector<16xi32>, vector<16xi32>, vector<16xi32>, vector<16xi32>, vector<16xi32>], vector<16xf32>,
        %broadcast_in_dim3A_817 = arith.constant 2 : i32
        %broadcast_in_dim3A_818 = vector.broadcast %broadcast_in_dim3A_817 : i32 to vector<16xi32>
        %broadcast_in_dim3A_819 = arith.constant 1 : i32
        %broadcast_in_dim3A_820 = vector.broadcast %broadcast_in_dim3A_819 : i32 to vector<16xi32>
        %get3A_821 = arith.constant 27 : i32
        %get3A_822 = arith.index_cast %scan3A_27 : i32 to index
        %get3A_823 = arith.index_cast %get3A_821 : i32 to index
        %get3A_824 = arith.index_cast %add3A_465 : i32 to index
        %get3A_825 = tpu.vector_load %arg7[%get3A_822, %get3A_823, %get3A_824] {strides = array<i32>} : memref<7x48x64xf32, #tpu.memory_space<vmem>>, vector<16xf32>,
        tpu.vector_store_idx %arg10[%broadcast_in_dim3A_13, %broadcast_in_dim3A_13, %broadcast_in_dim3A_818, %broadcast_in_dim3A_13, %broadcast_in_dim3A_820, %add3A_474], %get3A_825 : memref<1x1x5x1x2x64xf32, #tpu.memory_space<vmem>>[vector<16xi32>, vector<16xi32>, vector<16xi32>, vector<16xi32>, vector<16xi32>, vector<16xi32>], vector<16xf32>,
        %broadcast_in_dim3A_826 = arith.constant 3 : i32
        %broadcast_in_dim3A_827 = vector.broadcast %broadcast_in_dim3A_826 : i32 to vector<16xi32>
        %broadcast_in_dim3A_828 = arith.constant 1 : i32
        %broadcast_in_dim3A_829 = vector.broadcast %broadcast_in_dim3A_828 : i32 to vector<16xi32>
        tpu.vector_store_idx %arg9[%broadcast_in_dim3A_13, %broadcast_in_dim3A_13, %broadcast_in_dim3A_827, %broadcast_in_dim3A_13, %broadcast_in_dim3A_829, %add3A_474], %get3A_519 : memref<1x1x5x1x2x64xf32, #tpu.memory_space<vmem>>[vector<16xi32>, vector<16xi32>, vector<16xi32>, vector<16xi32>, vector<16xi32>, vector<16xi32>], vector<16xf32>,
        %broadcast_in_dim3A_830 = arith.constant 3 : i32
        %broadcast_in_dim3A_831 = vector.broadcast %broadcast_in_dim3A_830 : i32 to vector<16xi32>
        %broadcast_in_dim3A_832 = arith.constant 1 : i32
        %broadcast_in_dim3A_833 = vector.broadcast %broadcast_in_dim3A_832 : i32 to vector<16xi32>
        %get3A_834 = arith.constant 28 : i32
        %get3A_835 = arith.index_cast %scan3A_27 : i32 to index
        %get3A_836 = arith.index_cast %get3A_834 : i32 to index
        %get3A_837 = arith.index_cast %add3A_465 : i32 to index
        %get3A_838 = tpu.vector_load %arg7[%get3A_835, %get3A_836, %get3A_837] {strides = array<i32>} : memref<7x48x64xf32, #tpu.memory_space<vmem>>, vector<16xf32>,
        tpu.vector_store_idx %arg10[%broadcast_in_dim3A_13, %broadcast_in_dim3A_13, %broadcast_in_dim3A_831, %broadcast_in_dim3A_13, %broadcast_in_dim3A_833, %add3A_474], %get3A_838 : memref<1x1x5x1x2x64xf32, #tpu.memory_space<vmem>>[vector<16xi32>, vector<16xi32>, vector<16xi32>, vector<16xi32>, vector<16xi32>, vector<16xi32>], vector<16xf32>,
        %broadcast_in_dim3A_839 = arith.constant 4 : i32
        %broadcast_in_dim3A_840 = vector.broadcast %broadcast_in_dim3A_839 : i32 to vector<16xi32>
        %broadcast_in_dim3A_841 = arith.constant 1 : i32
        %broadcast_in_dim3A_842 = vector.broadcast %broadcast_in_dim3A_841 : i32 to vector<16xi32>
        tpu.vector_store_idx %arg9[%broadcast_in_dim3A_13, %broadcast_in_dim3A_13, %broadcast_in_dim3A_840, %broadcast_in_dim3A_13, %broadcast_in_dim3A_842, %add3A_474], %select_n3A_721 : memref<1x1x5x1x2x64xf32, #tpu.memory_space<vmem>>[vector<16xi32>, vector<16xi32>, vector<16xi32>, vector<16xi32>, vector<16xi32>, vector<16xi32>], vector<16xf32>,
        %broadcast_in_dim3A_843 = arith.constant 4 : i32
        %broadcast_in_dim3A_844 = vector.broadcast %broadcast_in_dim3A_843 : i32 to vector<16xi32>
        %broadcast_in_dim3A_845 = arith.constant 1 : i32
        %broadcast_in_dim3A_846 = vector.broadcast %broadcast_in_dim3A_845 : i32 to vector<16xi32>
        %get3A_847 = arith.constant 29 : i32
        %get3A_848 = arith.index_cast %scan3A_27 : i32 to index
        %get3A_849 = arith.index_cast %get3A_847 : i32 to index
        %get3A_850 = arith.index_cast %add3A_465 : i32 to index
        %get3A_851 = tpu.vector_load %arg7[%get3A_848, %get3A_849, %get3A_850] {strides = array<i32>} : memref<7x48x64xf32, #tpu.memory_space<vmem>>, vector<16xf32>,
        tpu.vector_store_idx %arg10[%broadcast_in_dim3A_13, %broadcast_in_dim3A_13, %broadcast_in_dim3A_844, %broadcast_in_dim3A_13, %broadcast_in_dim3A_846, %add3A_474], %get3A_851 : memref<1x1x5x1x2x64xf32, #tpu.memory_space<vmem>>[vector<16xi32>, vector<16xi32>, vector<16xi32>, vector<16xi32>, vector<16xi32>, vector<16xi32>], vector<16xf32>,
        %gt3A_852 = arith.constant 4.000000e+00 : f32
        %gt3A_853 = vector.broadcast %gt3A_852 : f32 to vector<16xf32>
        %gt3A_854 = arith.cmpf ogt, %gather3A_707, %gt3A_853 : vector<16xf32>
        %select_n3A_855 = arith.select %gt3A_854, %broadcast_in_dim3A_9, %broadcast_in_dim3A_11 : vector<16xi1>, vector<16xi32>
        %select_n3A_856 = arith.select %gt3A_717, %broadcast_in_dim3A_9, %broadcast_in_dim3A_11 : vector<16xi1>, vector<16xi32>
        %and3A_857 = arith.andi %gt3A_717, %or3A_699 : vector<16xi1>
        %select_n3A_858 = arith.select %and3A_857, %broadcast_in_dim3A_11, %select_n3A_855 : vector<16xi1>, vector<16xi32>
        %not3A_859 = arith.constant dense<true> : vector<16xi1>
        %not3A_860 = arith.xori %or3A_699, %not3A_859 : vector<16xi1>
        %and3A_861 = arith.andi %gt3A_717, %not3A_860 : vector<16xi1>
        %select_n3A_862 = arith.select %and3A_861, %broadcast_in_dim3A_11, %select_n3A_856 : vector<16xi1>, vector<16xi32>
        tpu.vector_store_idx %arg11[%broadcast_in_dim3A_13, %broadcast_in_dim3A_13, %broadcast_in_dim3A_13, %broadcast_in_dim3A_13, %add3A_474], %select_n3A_858 : memref<2x1x2x1x64xi32, #tpu.memory_space<vmem>>[vector<16xi32>, vector<16xi32>, vector<16xi32>, vector<16xi32>, vector<16xi32>], vector<16xi32>,
        tpu.vector_store_idx %arg11[%broadcast_in_dim3A_13, %broadcast_in_dim3A_13, %broadcast_in_dim3A_9, %broadcast_in_dim3A_13, %add3A_474], %select_n3A_862 : memref<2x1x2x1x64xi32, #tpu.memory_space<vmem>>[vector<16xi32>, vector<16xi32>, vector<16xi32>, vector<16xi32>, vector<16xi32>], vector<16xi32>,
        %sub3A_863 = arith.subi %broadcast_in_dim3A_9, %select_n3A_858 : vector<16xi32>
        tpu.vector_store_idx %arg11[%broadcast_in_dim3A_9, %broadcast_in_dim3A_13, %broadcast_in_dim3A_13, %broadcast_in_dim3A_13, %add3A_474], %sub3A_863 : memref<2x1x2x1x64xi32, #tpu.memory_space<vmem>>[vector<16xi32>, vector<16xi32>, vector<16xi32>, vector<16xi32>, vector<16xi32>], vector<16xi32>,
        %sub3A_864 = arith.subi %broadcast_in_dim3A_9, %select_n3A_862 : vector<16xi32>
        tpu.vector_store_idx %arg11[%broadcast_in_dim3A_9, %broadcast_in_dim3A_13, %broadcast_in_dim3A_9, %broadcast_in_dim3A_13, %add3A_474], %sub3A_864 : memref<2x1x2x1x64xi32, #tpu.memory_space<vmem>>[vector<16xi32>, vector<16xi32>, vector<16xi32>, vector<16xi32>, vector<16xi32>], vector<16xi32>,
        %add3A_865 = arith.constant 0 : i32
        %add3A_866 = arith.addi %mul3A_42, %add3A_865 : i32
        %add3A_867 = arith.constant 0 : i32
        %add3A_868 = vector.broadcast %add3A_867 : i32 to vector<16xi32>
        %add3A_869 = arith.addi %add3A_868, %iota3A : vector<16xi32>
        %mul3A_870 = arith.constant 2 : i32
        %mul3A_871 = vector.broadcast %mul3A_870 : i32 to vector<16xi32>
        %mul3A_872 = arith.muli %mul3A_871, %add3A_869 : vector<16xi32>
        %add3A_873 = arith.constant 1 : i32
        %add3A_874 = vector.broadcast %add3A_873 : i32 to vector<16xi32>
        %add3A_875 = arith.addi %mul3A_872, %add3A_874 : vector<16xi32>
        %get3A_876 = arith.constant 10 : i32
        %get3A_877 = arith.index_cast %scan3A_27 : i32 to index
        %get3A_878 = arith.index_cast %get3A_876 : i32 to index
        %get3A_879 = arith.index_cast %add3A_866 : i32 to index
        %get3A_880 = tpu.vector_load %arg7[%get3A_877, %get3A_878, %get3A_879] {strides = array<i32>} : memref<7x48x64xf32, #tpu.memory_space<vmem>>, vector<16xf32>,
        %get3A_881 = arith.constant 11 : i32
        %get3A_882 = arith.index_cast %scan3A_27 : i32 to index
        %get3A_883 = arith.index_cast %get3A_881 : i32 to index
        %get3A_884 = arith.index_cast %add3A_866 : i32 to index
        %get3A_885 = tpu.vector_load %arg7[%get3A_882, %get3A_883, %get3A_884] {strides = array<i32>} : memref<7x48x64xf32, #tpu.memory_space<vmem>>, vector<16xf32>,
        %get3A_886 = arith.constant 12 : i32
        %get3A_887 = arith.index_cast %scan3A_27 : i32 to index
        %get3A_888 = arith.index_cast %get3A_886 : i32 to index
        %get3A_889 = arith.index_cast %add3A_866 : i32 to index
        %get3A_890 = tpu.vector_load %arg7[%get3A_887, %get3A_888, %get3A_889] {strides = array<i32>} : memref<7x48x64xf32, #tpu.memory_space<vmem>>, vector<16xf32>,
        %get3A_891 = arith.constant 13 : i32
        %get3A_892 = arith.index_cast %scan3A_27 : i32 to index
        %get3A_893 = arith.index_cast %get3A_891 : i32 to index
        %get3A_894 = arith.index_cast %add3A_866 : i32 to index
        %get3A_895 = tpu.vector_load %arg7[%get3A_892, %get3A_893, %get3A_894] {strides = array<i32>} : memref<7x48x64xf32, #tpu.memory_space<vmem>>, vector<16xf32>,
        %get3A_896 = arith.constant 14 : i32
        %get3A_897 = arith.index_cast %scan3A_27 : i32 to index
        %get3A_898 = arith.index_cast %get3A_896 : i32 to index
        %get3A_899 = arith.index_cast %add3A_866 : i32 to index
        %get3A_900 = tpu.vector_load %arg7[%get3A_897, %get3A_898, %get3A_899] {strides = array<i32>} : memref<7x48x64xf32, #tpu.memory_space<vmem>>, vector<16xf32>,
        %get3A_901 = arith.constant 15 : i32
        %get3A_902 = arith.index_cast %scan3A_27 : i32 to index
        %get3A_903 = arith.index_cast %get3A_901 : i32 to index
        %get3A_904 = arith.index_cast %add3A_866 : i32 to index
        %get3A_905 = tpu.vector_load %arg7[%get3A_902, %get3A_903, %get3A_904] {strides = array<i32>} : memref<7x48x64xf32, #tpu.memory_space<vmem>>, vector<16xf32>,
        %get3A_906 = arith.constant 16 : i32
        %get3A_907 = arith.index_cast %scan3A_27 : i32 to index
        %get3A_908 = arith.index_cast %get3A_906 : i32 to index
        %get3A_909 = arith.index_cast %add3A_866 : i32 to index
        %get3A_910 = tpu.vector_load %arg7[%get3A_907, %get3A_908, %get3A_909] {strides = array<i32>} : memref<7x48x64xf32, #tpu.memory_space<vmem>>, vector<16xf32>,
        %get3A_911 = arith.constant 17 : i32
        %get3A_912 = arith.index_cast %scan3A_27 : i32 to index
        %get3A_913 = arith.index_cast %get3A_911 : i32 to index
        %get3A_914 = arith.index_cast %add3A_866 : i32 to index
        %get3A_915 = tpu.vector_load %arg7[%get3A_912, %get3A_913, %get3A_914] {strides = array<i32>} : memref<7x48x64xf32, #tpu.memory_space<vmem>>, vector<16xf32>,
        %get3A_916 = arith.constant 18 : i32
        %get3A_917 = arith.index_cast %scan3A_27 : i32 to index
        %get3A_918 = arith.index_cast %get3A_916 : i32 to index
        %get3A_919 = arith.index_cast %add3A_866 : i32 to index
        %get3A_920 = tpu.vector_load %arg7[%get3A_917, %get3A_918, %get3A_919] {strides = array<i32>} : memref<7x48x64xf32, #tpu.memory_space<vmem>>, vector<16xf32>,
        %get3A_921 = arith.constant 19 : i32
        %get3A_922 = arith.index_cast %scan3A_27 : i32 to index
        %get3A_923 = arith.index_cast %get3A_921 : i32 to index
        %get3A_924 = arith.index_cast %add3A_866 : i32 to index
        %get3A_925 = tpu.vector_load %arg7[%get3A_922, %get3A_923, %get3A_924] {strides = array<i32>} : memref<7x48x64xf32, #tpu.memory_space<vmem>>, vector<16xf32>,
        %broadcast_in_dim3A_926 = arith.constant 0 : i32
        %broadcast_in_dim3A_927 = vector.broadcast %broadcast_in_dim3A_926 : i32 to vector<16xi32>
        %gather3A_928 = arith.constant 0 : i32
        %gather3A_929 = arith.constant 0 : i32
        %gather3A_930 = tpu.memref_slice %arg8[%scan3A_27, %gather3A_928, %gather3A_929] : memref<7x16x64xf32, #tpu.memory_space<vmem>> -> memref<1x16x64xf32, #tpu.memory_space<vmem>>
        %gather3A_931 = tpu.memref_squeeze %gather3A_930 : memref<1x16x64xf32, #tpu.memory_space<vmem>> -> memref<16x64xf32, #tpu.memory_space<vmem>>
        %gather3A_932 = tpu.vector_load_idx %gather3A_931[%broadcast_in_dim3A_927, %add3A_875] : memref<16x64xf32, #tpu.memory_space<vmem>>[vector<16xi32>, vector<16xi32>], vector<16xf32>,
        %broadcast_in_dim3A_933 = arith.constant 1 : i32
        %broadcast_in_dim3A_934 = vector.broadcast %broadcast_in_dim3A_933 : i32 to vector<16xi32>
        %gather3A_935 = arith.constant 0 : i32
        %gather3A_936 = arith.constant 0 : i32
        %gather3A_937 = tpu.memref_slice %arg8[%scan3A_27, %gather3A_935, %gather3A_936] : memref<7x16x64xf32, #tpu.memory_space<vmem>> -> memref<1x16x64xf32, #tpu.memory_space<vmem>>
        %gather3A_938 = tpu.memref_squeeze %gather3A_937 : memref<1x16x64xf32, #tpu.memory_space<vmem>> -> memref<16x64xf32, #tpu.memory_space<vmem>>
        %gather3A_939 = tpu.vector_load_idx %gather3A_938[%broadcast_in_dim3A_934, %add3A_875] : memref<16x64xf32, #tpu.memory_space<vmem>>[vector<16xi32>, vector<16xi32>], vector<16xf32>,
        %broadcast_in_dim3A_940 = arith.constant 2 : i32
        %broadcast_in_dim3A_941 = vector.broadcast %broadcast_in_dim3A_940 : i32 to vector<16xi32>
        %gather3A_942 = arith.constant 0 : i32
        %gather3A_943 = arith.constant 0 : i32
        %gather3A_944 = tpu.memref_slice %arg8[%scan3A_27, %gather3A_942, %gather3A_943] : memref<7x16x64xf32, #tpu.memory_space<vmem>> -> memref<1x16x64xf32, #tpu.memory_space<vmem>>
        %gather3A_945 = tpu.memref_squeeze %gather3A_944 : memref<1x16x64xf32, #tpu.memory_space<vmem>> -> memref<16x64xf32, #tpu.memory_space<vmem>>
        %gather3A_946 = tpu.vector_load_idx %gather3A_945[%broadcast_in_dim3A_941, %add3A_875] : memref<16x64xf32, #tpu.memory_space<vmem>>[vector<16xi32>, vector<16xi32>], vector<16xf32>,
        %broadcast_in_dim3A_947 = arith.constant 3 : i32
        %broadcast_in_dim3A_948 = vector.broadcast %broadcast_in_dim3A_947 : i32 to vector<16xi32>
        %gather3A_949 = arith.constant 0 : i32
        %gather3A_950 = arith.constant 0 : i32
        %gather3A_951 = tpu.memref_slice %arg8[%scan3A_27, %gather3A_949, %gather3A_950] : memref<7x16x64xf32, #tpu.memory_space<vmem>> -> memref<1x16x64xf32, #tpu.memory_space<vmem>>
        %gather3A_952 = tpu.memref_squeeze %gather3A_951 : memref<1x16x64xf32, #tpu.memory_space<vmem>> -> memref<16x64xf32, #tpu.memory_space<vmem>>
        %gather3A_953 = tpu.vector_load_idx %gather3A_952[%broadcast_in_dim3A_948, %add3A_875] : memref<16x64xf32, #tpu.memory_space<vmem>>[vector<16xi32>, vector<16xi32>], vector<16xf32>,
        %add3A_954 = arith.addf %get3A_880, %add3A_70 : vector<16xf32>
        %mul3A_955 = arith.mulf %add3A_954, %broadcast_in_dim3A_3 : vector<16xf32>
        %mul3A_956 = arith.constant 5.000000e-01 : f32
        %mul3A_957 = vector.broadcast %mul3A_956 : f32 to vector<16xf32>
        %mul3A_958 = arith.mulf %get3A_890, %mul3A_957 : vector<16xf32>
        %sub3A_959 = arith.subf %mul3A_955, %mul3A_958 : vector<16xf32>
        %add3A_960 = arith.addf %get3A_885, %add3A_73 : vector<16xf32>
        %mul3A_961 = arith.mulf %add3A_960, %broadcast_in_dim3A_3 : vector<16xf32>
        %mul3A_962 = arith.constant 5.000000e-01 : f32
        %mul3A_963 = vector.broadcast %mul3A_962 : f32 to vector<16xf32>
        %mul3A_964 = arith.mulf %get3A_895, %mul3A_963 : vector<16xf32>
        %sub3A_965 = arith.subf %mul3A_961, %mul3A_964 : vector<16xf32>
        %max3A_966 = arith.maximumf %sub3A_959, %broadcast_in_dim3A_1 : vector<16xf32>
        %max3A_967 = arith.maximumf %sub3A_965, %broadcast_in_dim3A_1 : vector<16xf32>
        %max3A_968 = arith.maximumf %get3A_890, %broadcast_in_dim3A_1 : vector<16xf32>
        %max3A_969 = arith.maximumf %get3A_895, %broadcast_in_dim3A_1 : vector<16xf32>
        %add3A_970 = arith.addf %gather3A_932, %add3A_70 : vector<16xf32>
        %mul3A_971 = arith.mulf %add3A_970, %broadcast_in_dim3A_3 : vector<16xf32>
        %mul3A_972 = arith.constant 5.000000e-01 : f32
        %mul3A_973 = vector.broadcast %mul3A_972 : f32 to vector<16xf32>
        %mul3A_974 = arith.mulf %gather3A_946, %mul3A_973 : vector<16xf32>
        %sub3A_975 = arith.subf %mul3A_971, %mul3A_974 : vector<16xf32>
        %add3A_976 = arith.addf %gather3A_939, %add3A_73 : vector<16xf32>
        %mul3A_977 = arith.mulf %add3A_976, %broadcast_in_dim3A_3 : vector<16xf32>
        %mul3A_978 = arith.constant 5.000000e-01 : f32
        %mul3A_979 = vector.broadcast %mul3A_978 : f32 to vector<16xf32>
        %mul3A_980 = arith.mulf %gather3A_953, %mul3A_979 : vector<16xf32>
        %sub3A_981 = arith.subf %mul3A_977, %mul3A_980 : vector<16xf32>
        %max3A_982 = arith.maximumf %sub3A_975, %broadcast_in_dim3A_1 : vector<16xf32>
        %max3A_983 = arith.maximumf %sub3A_981, %broadcast_in_dim3A_1 : vector<16xf32>
        %max3A_984 = arith.maximumf %gather3A_946, %broadcast_in_dim3A_1 : vector<16xf32>
        %max3A_985 = arith.maximumf %gather3A_953, %broadcast_in_dim3A_1 : vector<16xf32>
        %add3A_986 = arith.addf %max3A_968, %max3A_984 : vector<16xf32>
        %add3A_987 = arith.addf %max3A_966, %max3A_968 : vector<16xf32>
        %add3A_988 = arith.addf %max3A_982, %max3A_984 : vector<16xf32>
        %max3A_989 = arith.maximumf %add3A_987, %add3A_988 : vector<16xf32>
        %min3A_990 = arith.minimumf %max3A_966, %max3A_982 : vector<16xf32>
        %sub3A_991 = arith.subf %max3A_989, %min3A_990 : vector<16xf32>
        %sub3A_992 = arith.subf %add3A_986, %sub3A_991 : vector<16xf32>
        %add3A_993 = arith.addf %max3A_969, %max3A_985 : vector<16xf32>
        %add3A_994 = arith.addf %max3A_967, %max3A_969 : vector<16xf32>
        %add3A_995 = arith.addf %max3A_983, %max3A_985 : vector<16xf32>
        %max3A_996 = arith.maximumf %add3A_994, %add3A_995 : vector<16xf32>
        %min3A_997 = arith.minimumf %max3A_967, %max3A_983 : vector<16xf32>
        %sub3A_998 = arith.subf %max3A_996, %min3A_997 : vector<16xf32>
        %sub3A_999 = arith.subf %add3A_993, %sub3A_998 : vector<16xf32>
        %max3A_1000 = arith.maximumf %sub3A_992, %broadcast_in_dim3A_1 : vector<16xf32>
        %max3A_1001 = arith.maximumf %sub3A_999, %broadcast_in_dim3A_1 : vector<16xf32>
        %mul3A_1002 = arith.mulf %max3A_1000, %max3A_1001 : vector<16xf32>
        %mul3A_1003 = arith.mulf %max3A_968, %max3A_969 : vector<16xf32>
        %mul3A_1004 = arith.mulf %max3A_984, %max3A_985 : vector<16xf32>
        %add3A_1005 = arith.addf %mul3A_1003, %mul3A_1004 : vector<16xf32>
        %sub3A_1006 = arith.subf %add3A_1005, %mul3A_1002 : vector<16xf32>
        %div3A_1007 = arith.divf %mul3A_1002, %sub3A_1006 : vector<16xf32>
        %broadcast_in_dim3A_1008 = arith.constant 5 : i32
        %broadcast_in_dim3A_1009 = vector.broadcast %broadcast_in_dim3A_1008 : i32 to vector<16xi32>
        %gather3A_1010 = arith.constant 0 : i32
        %gather3A_1011 = arith.constant 0 : i32
        %gather3A_1012 = tpu.memref_slice %arg8[%scan3A_27, %gather3A_1010, %gather3A_1011] : memref<7x16x64xf32, #tpu.memory_space<vmem>> -> memref<1x16x64xf32, #tpu.memory_space<vmem>>
        %gather3A_1013 = tpu.memref_squeeze %gather3A_1012 : memref<1x16x64xf32, #tpu.memory_space<vmem>> -> memref<16x64xf32, #tpu.memory_space<vmem>>
        %gather3A_1014 = tpu.vector_load_idx %gather3A_1013[%broadcast_in_dim3A_1009, %add3A_875] : memref<16x64xf32, #tpu.memory_space<vmem>>[vector<16xi32>, vector<16xi32>], vector<16xf32>,
        %broadcast_in_dim3A_1015 = arith.constant 6 : i32
        %broadcast_in_dim3A_1016 = vector.broadcast %broadcast_in_dim3A_1015 : i32 to vector<16xi32>
        %gather3A_1017 = arith.constant 0 : i32
        %gather3A_1018 = arith.constant 0 : i32
        %gather3A_1019 = tpu.memref_slice %arg8[%scan3A_27, %gather3A_1017, %gather3A_1018] : memref<7x16x64xf32, #tpu.memory_space<vmem>> -> memref<1x16x64xf32, #tpu.memory_space<vmem>>
        %gather3A_1020 = tpu.memref_squeeze %gather3A_1019 : memref<1x16x64xf32, #tpu.memory_space<vmem>> -> memref<16x64xf32, #tpu.memory_space<vmem>>
        %gather3A_1021 = tpu.vector_load_idx %gather3A_1020[%broadcast_in_dim3A_1016, %add3A_875] : memref<16x64xf32, #tpu.memory_space<vmem>>[vector<16xi32>, vector<16xi32>], vector<16xf32>,
        %broadcast_in_dim3A_1022 = arith.constant 7 : i32
        %broadcast_in_dim3A_1023 = vector.broadcast %broadcast_in_dim3A_1022 : i32 to vector<16xi32>
        %gather3A_1024 = arith.constant 0 : i32
        %gather3A_1025 = arith.constant 0 : i32
        %gather3A_1026 = tpu.memref_slice %arg8[%scan3A_27, %gather3A_1024, %gather3A_1025] : memref<7x16x64xf32, #tpu.memory_space<vmem>> -> memref<1x16x64xf32, #tpu.memory_space<vmem>>
        %gather3A_1027 = tpu.memref_squeeze %gather3A_1026 : memref<1x16x64xf32, #tpu.memory_space<vmem>> -> memref<16x64xf32, #tpu.memory_space<vmem>>
        %gather3A_1028 = tpu.vector_load_idx %gather3A_1027[%broadcast_in_dim3A_1023, %add3A_875] : memref<16x64xf32, #tpu.memory_space<vmem>>[vector<16xi32>, vector<16xi32>], vector<16xf32>,
        %broadcast_in_dim3A_1029 = arith.constant 8 : i32
        %broadcast_in_dim3A_1030 = vector.broadcast %broadcast_in_dim3A_1029 : i32 to vector<16xi32>
        %gather3A_1031 = arith.constant 0 : i32
        %gather3A_1032 = arith.constant 0 : i32
        %gather3A_1033 = tpu.memref_slice %arg8[%scan3A_27, %gather3A_1031, %gather3A_1032] : memref<7x16x64xf32, #tpu.memory_space<vmem>> -> memref<1x16x64xf32, #tpu.memory_space<vmem>>
        %gather3A_1034 = tpu.memref_squeeze %gather3A_1033 : memref<1x16x64xf32, #tpu.memory_space<vmem>> -> memref<16x64xf32, #tpu.memory_space<vmem>>
        %gather3A_1035 = tpu.vector_load_idx %gather3A_1034[%broadcast_in_dim3A_1030, %add3A_875] : memref<16x64xf32, #tpu.memory_space<vmem>>[vector<16xi32>, vector<16xi32>], vector<16xf32>,
        %add3A_1036 = arith.addf %get3A_905, %add3A_70 : vector<16xf32>
        %mul3A_1037 = arith.mulf %add3A_1036, %broadcast_in_dim3A_3 : vector<16xf32>
        %mul3A_1038 = arith.constant 5.000000e-01 : f32
        %mul3A_1039 = vector.broadcast %mul3A_1038 : f32 to vector<16xf32>
        %mul3A_1040 = arith.mulf %get3A_915, %mul3A_1039 : vector<16xf32>
        %sub3A_1041 = arith.subf %mul3A_1037, %mul3A_1040 : vector<16xf32>
        %add3A_1042 = arith.addf %get3A_910, %add3A_73 : vector<16xf32>
        %mul3A_1043 = arith.mulf %add3A_1042, %broadcast_in_dim3A_3 : vector<16xf32>
        %mul3A_1044 = arith.constant 5.000000e-01 : f32
        %mul3A_1045 = vector.broadcast %mul3A_1044 : f32 to vector<16xf32>
        %mul3A_1046 = arith.mulf %get3A_920, %mul3A_1045 : vector<16xf32>
        %sub3A_1047 = arith.subf %mul3A_1043, %mul3A_1046 : vector<16xf32>
        %max3A_1048 = arith.maximumf %sub3A_1041, %broadcast_in_dim3A_1 : vector<16xf32>
        %max3A_1049 = arith.maximumf %sub3A_1047, %broadcast_in_dim3A_1 : vector<16xf32>
        %max3A_1050 = arith.maximumf %get3A_915, %broadcast_in_dim3A_1 : vector<16xf32>
        %max3A_1051 = arith.maximumf %get3A_920, %broadcast_in_dim3A_1 : vector<16xf32>
        %add3A_1052 = arith.addf %gather3A_1014, %add3A_70 : vector<16xf32>
        %mul3A_1053 = arith.mulf %add3A_1052, %broadcast_in_dim3A_3 : vector<16xf32>
        %mul3A_1054 = arith.constant 5.000000e-01 : f32
        %mul3A_1055 = vector.broadcast %mul3A_1054 : f32 to vector<16xf32>
        %mul3A_1056 = arith.mulf %gather3A_1028, %mul3A_1055 : vector<16xf32>
        %sub3A_1057 = arith.subf %mul3A_1053, %mul3A_1056 : vector<16xf32>
        %add3A_1058 = arith.addf %gather3A_1021, %add3A_73 : vector<16xf32>
        %mul3A_1059 = arith.mulf %add3A_1058, %broadcast_in_dim3A_3 : vector<16xf32>
        %mul3A_1060 = arith.constant 5.000000e-01 : f32
        %mul3A_1061 = vector.broadcast %mul3A_1060 : f32 to vector<16xf32>
        %mul3A_1062 = arith.mulf %gather3A_1035, %mul3A_1061 : vector<16xf32>
        %sub3A_1063 = arith.subf %mul3A_1059, %mul3A_1062 : vector<16xf32>
        %max3A_1064 = arith.maximumf %sub3A_1057, %broadcast_in_dim3A_1 : vector<16xf32>
        %max3A_1065 = arith.maximumf %sub3A_1063, %broadcast_in_dim3A_1 : vector<16xf32>
        %max3A_1066 = arith.maximumf %gather3A_1028, %broadcast_in_dim3A_1 : vector<16xf32>
        %max3A_1067 = arith.maximumf %gather3A_1035, %broadcast_in_dim3A_1 : vector<16xf32>
        %add3A_1068 = arith.addf %max3A_1050, %max3A_1066 : vector<16xf32>
        %add3A_1069 = arith.addf %max3A_1048, %max3A_1050 : vector<16xf32>
        %add3A_1070 = arith.addf %max3A_1064, %max3A_1066 : vector<16xf32>
        %max3A_1071 = arith.maximumf %add3A_1069, %add3A_1070 : vector<16xf32>
        %min3A_1072 = arith.minimumf %max3A_1048, %max3A_1064 : vector<16xf32>
        %sub3A_1073 = arith.subf %max3A_1071, %min3A_1072 : vector<16xf32>
        %sub3A_1074 = arith.subf %add3A_1068, %sub3A_1073 : vector<16xf32>
        %add3A_1075 = arith.addf %max3A_1051, %max3A_1067 : vector<16xf32>
        %add3A_1076 = arith.addf %max3A_1049, %max3A_1051 : vector<16xf32>
        %add3A_1077 = arith.addf %max3A_1065, %max3A_1067 : vector<16xf32>
        %max3A_1078 = arith.maximumf %add3A_1076, %add3A_1077 : vector<16xf32>
        %min3A_1079 = arith.minimumf %max3A_1049, %max3A_1065 : vector<16xf32>
        %sub3A_1080 = arith.subf %max3A_1078, %min3A_1079 : vector<16xf32>
        %sub3A_1081 = arith.subf %add3A_1075, %sub3A_1080 : vector<16xf32>
        %max3A_1082 = arith.maximumf %sub3A_1074, %broadcast_in_dim3A_1 : vector<16xf32>
        %max3A_1083 = arith.maximumf %sub3A_1081, %broadcast_in_dim3A_1 : vector<16xf32>
        %mul3A_1084 = arith.mulf %max3A_1082, %max3A_1083 : vector<16xf32>
        %mul3A_1085 = arith.mulf %max3A_1050, %max3A_1051 : vector<16xf32>
        %mul3A_1086 = arith.mulf %max3A_1066, %max3A_1067 : vector<16xf32>
        %add3A_1087 = arith.addf %mul3A_1085, %mul3A_1086 : vector<16xf32>
        %sub3A_1088 = arith.subf %add3A_1087, %mul3A_1084 : vector<16xf32>
        %div3A_1089 = arith.divf %mul3A_1084, %sub3A_1088 : vector<16xf32>
        %bitcast3A_1090 = vector.bitcast %div3A_1007 : vector<16xf32> to vector<16xi32>
        %and3A_1091 = arith.andi %bitcast3A_1090, %broadcast_in_dim3A_5 : vector<16xi32>
        %gt3A_1092 = arith.cmpi sgt, %and3A_1091, %broadcast_in_dim3A_7 : vector<16xi32>
        %bitcast3A_1093 = vector.bitcast %div3A_1089 : vector<16xf32> to vector<16xi32>
        %and3A_1094 = arith.andi %bitcast3A_1093, %broadcast_in_dim3A_5 : vector<16xi32>
        %gt3A_1095 = arith.cmpi sgt, %and3A_1094, %broadcast_in_dim3A_7 : vector<16xi32>
        %gt3A_1096 = arith.cmpf ogt, %div3A_1089, %div3A_1007 : vector<16xf32>
        %not3A_1097 = arith.constant dense<true> : vector<16xi1>
        %not3A_1098 = arith.xori %gt3A_1092, %not3A_1097 : vector<16xi1>
        %and3A_1099 = arith.andi %gt3A_1095, %not3A_1098 : vector<16xi1>
        %or3A_1100 = arith.ori %gt3A_1096, %and3A_1099 : vector<16xi1>
        %select_n3A_1101 = arith.select %or3A_1100, %div3A_1089, %div3A_1007 : vector<16xi1>, vector<16xf32>
        %broadcast_in_dim3A_1102 = arith.constant 4 : i32
        %broadcast_in_dim3A_1103 = vector.broadcast %broadcast_in_dim3A_1102 : i32 to vector<16xi32>
        %gather3A_1104 = arith.constant 0 : i32
        %gather3A_1105 = arith.constant 0 : i32
        %gather3A_1106 = tpu.memref_slice %arg8[%scan3A_27, %gather3A_1104, %gather3A_1105] : memref<7x16x64xf32, #tpu.memory_space<vmem>> -> memref<1x16x64xf32, #tpu.memory_space<vmem>>
        %gather3A_1107 = tpu.memref_squeeze %gather3A_1106 : memref<1x16x64xf32, #tpu.memory_space<vmem>> -> memref<16x64xf32, #tpu.memory_space<vmem>>
        %gather3A_1108 = tpu.vector_load_idx %gather3A_1107[%broadcast_in_dim3A_1103, %add3A_875] : memref<16x64xf32, #tpu.memory_space<vmem>>[vector<16xi32>, vector<16xi32>], vector<16xf32>,
        %broadcast_in_dim3A_1109 = arith.constant 9 : i32
        %broadcast_in_dim3A_1110 = vector.broadcast %broadcast_in_dim3A_1109 : i32 to vector<16xi32>
        %gather3A_1111 = arith.constant 0 : i32
        %gather3A_1112 = arith.constant 0 : i32
        %gather3A_1113 = tpu.memref_slice %arg8[%scan3A_27, %gather3A_1111, %gather3A_1112] : memref<7x16x64xf32, #tpu.memory_space<vmem>> -> memref<1x16x64xf32, #tpu.memory_space<vmem>>
        %gather3A_1114 = tpu.memref_squeeze %gather3A_1113 : memref<1x16x64xf32, #tpu.memory_space<vmem>> -> memref<16x64xf32, #tpu.memory_space<vmem>>
        %gather3A_1115 = tpu.vector_load_idx %gather3A_1114[%broadcast_in_dim3A_1110, %add3A_875] : memref<16x64xf32, #tpu.memory_space<vmem>>[vector<16xi32>, vector<16xi32>], vector<16xf32>,
        %gt3A_1116 = arith.constant 4.000000e+00 : f32
        %gt3A_1117 = vector.broadcast %gt3A_1116 : f32 to vector<16xf32>
        %gt3A_1118 = arith.cmpf ogt, %gather3A_1115, %gt3A_1117 : vector<16xf32>
        %select_n3A_1119 = arith.select %or3A_1100, %broadcast_in_dim3A_1, %select_n3A_1101 : vector<16xi1>, vector<16xf32>
        %select_n3A_1120 = arith.select %gt3A_1118, %select_n3A_1119, %get3A_900 : vector<16xi1>, vector<16xf32>
        %select_n3A_1121 = arith.select %or3A_1100, %select_n3A_1101, %broadcast_in_dim3A_1 : vector<16xi1>, vector<16xf32>
        %select_n3A_1122 = arith.select %gt3A_1118, %select_n3A_1121, %get3A_925 : vector<16xi1>, vector<16xf32>
        %broadcast_in_dim3A_1123 = arith.constant 0 : i32
        %broadcast_in_dim3A_1124 = vector.broadcast %broadcast_in_dim3A_1123 : i32 to vector<16xi32>
        %broadcast_in_dim3A_1125 = arith.constant 0 : i32
        %broadcast_in_dim3A_1126 = vector.broadcast %broadcast_in_dim3A_1125 : i32 to vector<16xi32>
        tpu.vector_store_idx %arg9[%broadcast_in_dim3A_13, %broadcast_in_dim3A_13, %broadcast_in_dim3A_1124, %broadcast_in_dim3A_13, %broadcast_in_dim3A_1126, %add3A_875], %get3A_880 : memref<1x1x5x1x2x64xf32, #tpu.memory_space<vmem>>[vector<16xi32>, vector<16xi32>, vector<16xi32>, vector<16xi32>, vector<16xi32>, vector<16xi32>], vector<16xf32>,
        %broadcast_in_dim3A_1127 = arith.constant 0 : i32
        %broadcast_in_dim3A_1128 = vector.broadcast %broadcast_in_dim3A_1127 : i32 to vector<16xi32>
        %broadcast_in_dim3A_1129 = arith.constant 0 : i32
        %broadcast_in_dim3A_1130 = vector.broadcast %broadcast_in_dim3A_1129 : i32 to vector<16xi32>
        %get3A_1131 = arith.constant 30 : i32
        %get3A_1132 = arith.index_cast %scan3A_27 : i32 to index
        %get3A_1133 = arith.index_cast %get3A_1131 : i32 to index
        %get3A_1134 = arith.index_cast %add3A_866 : i32 to index
        %get3A_1135 = tpu.vector_load %arg7[%get3A_1132, %get3A_1133, %get3A_1134] {strides = array<i32>} : memref<7x48x64xf32, #tpu.memory_space<vmem>>, vector<16xf32>,
        tpu.vector_store_idx %arg10[%broadcast_in_dim3A_13, %broadcast_in_dim3A_13, %broadcast_in_dim3A_1128, %broadcast_in_dim3A_13, %broadcast_in_dim3A_1130, %add3A_875], %get3A_1135 : memref<1x1x5x1x2x64xf32, #tpu.memory_space<vmem>>[vector<16xi32>, vector<16xi32>, vector<16xi32>, vector<16xi32>, vector<16xi32>, vector<16xi32>], vector<16xf32>,
        %broadcast_in_dim3A_1136 = arith.constant 1 : i32
        %broadcast_in_dim3A_1137 = vector.broadcast %broadcast_in_dim3A_1136 : i32 to vector<16xi32>
        %broadcast_in_dim3A_1138 = arith.constant 0 : i32
        %broadcast_in_dim3A_1139 = vector.broadcast %broadcast_in_dim3A_1138 : i32 to vector<16xi32>
        tpu.vector_store_idx %arg9[%broadcast_in_dim3A_13, %broadcast_in_dim3A_13, %broadcast_in_dim3A_1137, %broadcast_in_dim3A_13, %broadcast_in_dim3A_1139, %add3A_875], %get3A_885 : memref<1x1x5x1x2x64xf32, #tpu.memory_space<vmem>>[vector<16xi32>, vector<16xi32>, vector<16xi32>, vector<16xi32>, vector<16xi32>, vector<16xi32>], vector<16xf32>,
        %broadcast_in_dim3A_1140 = arith.constant 1 : i32
        %broadcast_in_dim3A_1141 = vector.broadcast %broadcast_in_dim3A_1140 : i32 to vector<16xi32>
        %broadcast_in_dim3A_1142 = arith.constant 0 : i32
        %broadcast_in_dim3A_1143 = vector.broadcast %broadcast_in_dim3A_1142 : i32 to vector<16xi32>
        %get3A_1144 = arith.constant 31 : i32
        %get3A_1145 = arith.index_cast %scan3A_27 : i32 to index
        %get3A_1146 = arith.index_cast %get3A_1144 : i32 to index
        %get3A_1147 = arith.index_cast %add3A_866 : i32 to index
        %get3A_1148 = tpu.vector_load %arg7[%get3A_1145, %get3A_1146, %get3A_1147] {strides = array<i32>} : memref<7x48x64xf32, #tpu.memory_space<vmem>>, vector<16xf32>,
        tpu.vector_store_idx %arg10[%broadcast_in_dim3A_13, %broadcast_in_dim3A_13, %broadcast_in_dim3A_1141, %broadcast_in_dim3A_13, %broadcast_in_dim3A_1143, %add3A_875], %get3A_1148 : memref<1x1x5x1x2x64xf32, #tpu.memory_space<vmem>>[vector<16xi32>, vector<16xi32>, vector<16xi32>, vector<16xi32>, vector<16xi32>, vector<16xi32>], vector<16xf32>,
        %broadcast_in_dim3A_1149 = arith.constant 2 : i32
        %broadcast_in_dim3A_1150 = vector.broadcast %broadcast_in_dim3A_1149 : i32 to vector<16xi32>
        %broadcast_in_dim3A_1151 = arith.constant 0 : i32
        %broadcast_in_dim3A_1152 = vector.broadcast %broadcast_in_dim3A_1151 : i32 to vector<16xi32>
        tpu.vector_store_idx %arg9[%broadcast_in_dim3A_13, %broadcast_in_dim3A_13, %broadcast_in_dim3A_1150, %broadcast_in_dim3A_13, %broadcast_in_dim3A_1152, %add3A_875], %get3A_890 : memref<1x1x5x1x2x64xf32, #tpu.memory_space<vmem>>[vector<16xi32>, vector<16xi32>, vector<16xi32>, vector<16xi32>, vector<16xi32>, vector<16xi32>], vector<16xf32>,
        %broadcast_in_dim3A_1153 = arith.constant 2 : i32
        %broadcast_in_dim3A_1154 = vector.broadcast %broadcast_in_dim3A_1153 : i32 to vector<16xi32>
        %broadcast_in_dim3A_1155 = arith.constant 0 : i32
        %broadcast_in_dim3A_1156 = vector.broadcast %broadcast_in_dim3A_1155 : i32 to vector<16xi32>
        %get3A_1157 = arith.constant 32 : i32
        %get3A_1158 = arith.index_cast %scan3A_27 : i32 to index
        %get3A_1159 = arith.index_cast %get3A_1157 : i32 to index
        %get3A_1160 = arith.index_cast %add3A_866 : i32 to index
        %get3A_1161 = tpu.vector_load %arg7[%get3A_1158, %get3A_1159, %get3A_1160] {strides = array<i32>} : memref<7x48x64xf32, #tpu.memory_space<vmem>>, vector<16xf32>,
        tpu.vector_store_idx %arg10[%broadcast_in_dim3A_13, %broadcast_in_dim3A_13, %broadcast_in_dim3A_1154, %broadcast_in_dim3A_13, %broadcast_in_dim3A_1156, %add3A_875], %get3A_1161 : memref<1x1x5x1x2x64xf32, #tpu.memory_space<vmem>>[vector<16xi32>, vector<16xi32>, vector<16xi32>, vector<16xi32>, vector<16xi32>, vector<16xi32>], vector<16xf32>,
        %broadcast_in_dim3A_1162 = arith.constant 3 : i32
        %broadcast_in_dim3A_1163 = vector.broadcast %broadcast_in_dim3A_1162 : i32 to vector<16xi32>
        %broadcast_in_dim3A_1164 = arith.constant 0 : i32
        %broadcast_in_dim3A_1165 = vector.broadcast %broadcast_in_dim3A_1164 : i32 to vector<16xi32>
        tpu.vector_store_idx %arg9[%broadcast_in_dim3A_13, %broadcast_in_dim3A_13, %broadcast_in_dim3A_1163, %broadcast_in_dim3A_13, %broadcast_in_dim3A_1165, %add3A_875], %get3A_895 : memref<1x1x5x1x2x64xf32, #tpu.memory_space<vmem>>[vector<16xi32>, vector<16xi32>, vector<16xi32>, vector<16xi32>, vector<16xi32>, vector<16xi32>], vector<16xf32>,
        %broadcast_in_dim3A_1166 = arith.constant 3 : i32
        %broadcast_in_dim3A_1167 = vector.broadcast %broadcast_in_dim3A_1166 : i32 to vector<16xi32>
        %broadcast_in_dim3A_1168 = arith.constant 0 : i32
        %broadcast_in_dim3A_1169 = vector.broadcast %broadcast_in_dim3A_1168 : i32 to vector<16xi32>
        %get3A_1170 = arith.constant 33 : i32
        %get3A_1171 = arith.index_cast %scan3A_27 : i32 to index
        %get3A_1172 = arith.index_cast %get3A_1170 : i32 to index
        %get3A_1173 = arith.index_cast %add3A_866 : i32 to index
        %get3A_1174 = tpu.vector_load %arg7[%get3A_1171, %get3A_1172, %get3A_1173] {strides = array<i32>} : memref<7x48x64xf32, #tpu.memory_space<vmem>>, vector<16xf32>,
        tpu.vector_store_idx %arg10[%broadcast_in_dim3A_13, %broadcast_in_dim3A_13, %broadcast_in_dim3A_1167, %broadcast_in_dim3A_13, %broadcast_in_dim3A_1169, %add3A_875], %get3A_1174 : memref<1x1x5x1x2x64xf32, #tpu.memory_space<vmem>>[vector<16xi32>, vector<16xi32>, vector<16xi32>, vector<16xi32>, vector<16xi32>, vector<16xi32>], vector<16xf32>,
        %broadcast_in_dim3A_1175 = arith.constant 4 : i32
        %broadcast_in_dim3A_1176 = vector.broadcast %broadcast_in_dim3A_1175 : i32 to vector<16xi32>
        %broadcast_in_dim3A_1177 = arith.constant 0 : i32
        %broadcast_in_dim3A_1178 = vector.broadcast %broadcast_in_dim3A_1177 : i32 to vector<16xi32>
        tpu.vector_store_idx %arg9[%broadcast_in_dim3A_13, %broadcast_in_dim3A_13, %broadcast_in_dim3A_1176, %broadcast_in_dim3A_13, %broadcast_in_dim3A_1178, %add3A_875], %select_n3A_1120 : memref<1x1x5x1x2x64xf32, #tpu.memory_space<vmem>>[vector<16xi32>, vector<16xi32>, vector<16xi32>, vector<16xi32>, vector<16xi32>, vector<16xi32>], vector<16xf32>,
        %broadcast_in_dim3A_1179 = arith.constant 4 : i32
        %broadcast_in_dim3A_1180 = vector.broadcast %broadcast_in_dim3A_1179 : i32 to vector<16xi32>
        %broadcast_in_dim3A_1181 = arith.constant 0 : i32
        %broadcast_in_dim3A_1182 = vector.broadcast %broadcast_in_dim3A_1181 : i32 to vector<16xi32>
        %get3A_1183 = arith.constant 34 : i32
        %get3A_1184 = arith.index_cast %scan3A_27 : i32 to index
        %get3A_1185 = arith.index_cast %get3A_1183 : i32 to index
        %get3A_1186 = arith.index_cast %add3A_866 : i32 to index
        %get3A_1187 = tpu.vector_load %arg7[%get3A_1184, %get3A_1185, %get3A_1186] {strides = array<i32>} : memref<7x48x64xf32, #tpu.memory_space<vmem>>, vector<16xf32>,
        tpu.vector_store_idx %arg10[%broadcast_in_dim3A_13, %broadcast_in_dim3A_13, %broadcast_in_dim3A_1180, %broadcast_in_dim3A_13, %broadcast_in_dim3A_1182, %add3A_875], %get3A_1187 : memref<1x1x5x1x2x64xf32, #tpu.memory_space<vmem>>[vector<16xi32>, vector<16xi32>, vector<16xi32>, vector<16xi32>, vector<16xi32>, vector<16xi32>], vector<16xf32>,
        %broadcast_in_dim3A_1188 = arith.constant 0 : i32
        %broadcast_in_dim3A_1189 = vector.broadcast %broadcast_in_dim3A_1188 : i32 to vector<16xi32>
        %broadcast_in_dim3A_1190 = arith.constant 1 : i32
        %broadcast_in_dim3A_1191 = vector.broadcast %broadcast_in_dim3A_1190 : i32 to vector<16xi32>
        tpu.vector_store_idx %arg9[%broadcast_in_dim3A_13, %broadcast_in_dim3A_13, %broadcast_in_dim3A_1189, %broadcast_in_dim3A_13, %broadcast_in_dim3A_1191, %add3A_875], %get3A_905 : memref<1x1x5x1x2x64xf32, #tpu.memory_space<vmem>>[vector<16xi32>, vector<16xi32>, vector<16xi32>, vector<16xi32>, vector<16xi32>, vector<16xi32>], vector<16xf32>,
        %broadcast_in_dim3A_1192 = arith.constant 0 : i32
        %broadcast_in_dim3A_1193 = vector.broadcast %broadcast_in_dim3A_1192 : i32 to vector<16xi32>
        %broadcast_in_dim3A_1194 = arith.constant 1 : i32
        %broadcast_in_dim3A_1195 = vector.broadcast %broadcast_in_dim3A_1194 : i32 to vector<16xi32>
        %get3A_1196 = arith.constant 35 : i32
        %get3A_1197 = arith.index_cast %scan3A_27 : i32 to index
        %get3A_1198 = arith.index_cast %get3A_1196 : i32 to index
        %get3A_1199 = arith.index_cast %add3A_866 : i32 to index
        %get3A_1200 = tpu.vector_load %arg7[%get3A_1197, %get3A_1198, %get3A_1199] {strides = array<i32>} : memref<7x48x64xf32, #tpu.memory_space<vmem>>, vector<16xf32>,
        tpu.vector_store_idx %arg10[%broadcast_in_dim3A_13, %broadcast_in_dim3A_13, %broadcast_in_dim3A_1193, %broadcast_in_dim3A_13, %broadcast_in_dim3A_1195, %add3A_875], %get3A_1200 : memref<1x1x5x1x2x64xf32, #tpu.memory_space<vmem>>[vector<16xi32>, vector<16xi32>, vector<16xi32>, vector<16xi32>, vector<16xi32>, vector<16xi32>], vector<16xf32>,
        %broadcast_in_dim3A_1201 = arith.constant 1 : i32
        %broadcast_in_dim3A_1202 = vector.broadcast %broadcast_in_dim3A_1201 : i32 to vector<16xi32>
        %broadcast_in_dim3A_1203 = arith.constant 1 : i32
        %broadcast_in_dim3A_1204 = vector.broadcast %broadcast_in_dim3A_1203 : i32 to vector<16xi32>
        tpu.vector_store_idx %arg9[%broadcast_in_dim3A_13, %broadcast_in_dim3A_13, %broadcast_in_dim3A_1202, %broadcast_in_dim3A_13, %broadcast_in_dim3A_1204, %add3A_875], %get3A_910 : memref<1x1x5x1x2x64xf32, #tpu.memory_space<vmem>>[vector<16xi32>, vector<16xi32>, vector<16xi32>, vector<16xi32>, vector<16xi32>, vector<16xi32>], vector<16xf32>,
        %broadcast_in_dim3A_1205 = arith.constant 1 : i32
        %broadcast_in_dim3A_1206 = vector.broadcast %broadcast_in_dim3A_1205 : i32 to vector<16xi32>
        %broadcast_in_dim3A_1207 = arith.constant 1 : i32
        %broadcast_in_dim3A_1208 = vector.broadcast %broadcast_in_dim3A_1207 : i32 to vector<16xi32>
        %get3A_1209 = arith.constant 36 : i32
        %get3A_1210 = arith.index_cast %scan3A_27 : i32 to index
        %get3A_1211 = arith.index_cast %get3A_1209 : i32 to index
        %get3A_1212 = arith.index_cast %add3A_866 : i32 to index
        %get3A_1213 = tpu.vector_load %arg7[%get3A_1210, %get3A_1211, %get3A_1212] {strides = array<i32>} : memref<7x48x64xf32, #tpu.memory_space<vmem>>, vector<16xf32>,
        tpu.vector_store_idx %arg10[%broadcast_in_dim3A_13, %broadcast_in_dim3A_13, %broadcast_in_dim3A_1206, %broadcast_in_dim3A_13, %broadcast_in_dim3A_1208, %add3A_875], %get3A_1213 : memref<1x1x5x1x2x64xf32, #tpu.memory_space<vmem>>[vector<16xi32>, vector<16xi32>, vector<16xi32>, vector<16xi32>, vector<16xi32>, vector<16xi32>], vector<16xf32>,
        %broadcast_in_dim3A_1214 = arith.constant 2 : i32
        %broadcast_in_dim3A_1215 = vector.broadcast %broadcast_in_dim3A_1214 : i32 to vector<16xi32>
        %broadcast_in_dim3A_1216 = arith.constant 1 : i32
        %broadcast_in_dim3A_1217 = vector.broadcast %broadcast_in_dim3A_1216 : i32 to vector<16xi32>
        tpu.vector_store_idx %arg9[%broadcast_in_dim3A_13, %broadcast_in_dim3A_13, %broadcast_in_dim3A_1215, %broadcast_in_dim3A_13, %broadcast_in_dim3A_1217, %add3A_875], %get3A_915 : memref<1x1x5x1x2x64xf32, #tpu.memory_space<vmem>>[vector<16xi32>, vector<16xi32>, vector<16xi32>, vector<16xi32>, vector<16xi32>, vector<16xi32>], vector<16xf32>,
        %broadcast_in_dim3A_1218 = arith.constant 2 : i32
        %broadcast_in_dim3A_1219 = vector.broadcast %broadcast_in_dim3A_1218 : i32 to vector<16xi32>
        %broadcast_in_dim3A_1220 = arith.constant 1 : i32
        %broadcast_in_dim3A_1221 = vector.broadcast %broadcast_in_dim3A_1220 : i32 to vector<16xi32>
        %get3A_1222 = arith.constant 37 : i32
        %get3A_1223 = arith.index_cast %scan3A_27 : i32 to index
        %get3A_1224 = arith.index_cast %get3A_1222 : i32 to index
        %get3A_1225 = arith.index_cast %add3A_866 : i32 to index
        %get3A_1226 = tpu.vector_load %arg7[%get3A_1223, %get3A_1224, %get3A_1225] {strides = array<i32>} : memref<7x48x64xf32, #tpu.memory_space<vmem>>, vector<16xf32>,
        tpu.vector_store_idx %arg10[%broadcast_in_dim3A_13, %broadcast_in_dim3A_13, %broadcast_in_dim3A_1219, %broadcast_in_dim3A_13, %broadcast_in_dim3A_1221, %add3A_875], %get3A_1226 : memref<1x1x5x1x2x64xf32, #tpu.memory_space<vmem>>[vector<16xi32>, vector<16xi32>, vector<16xi32>, vector<16xi32>, vector<16xi32>, vector<16xi32>], vector<16xf32>,
        %broadcast_in_dim3A_1227 = arith.constant 3 : i32
        %broadcast_in_dim3A_1228 = vector.broadcast %broadcast_in_dim3A_1227 : i32 to vector<16xi32>
        %broadcast_in_dim3A_1229 = arith.constant 1 : i32
        %broadcast_in_dim3A_1230 = vector.broadcast %broadcast_in_dim3A_1229 : i32 to vector<16xi32>
        tpu.vector_store_idx %arg9[%broadcast_in_dim3A_13, %broadcast_in_dim3A_13, %broadcast_in_dim3A_1228, %broadcast_in_dim3A_13, %broadcast_in_dim3A_1230, %add3A_875], %get3A_920 : memref<1x1x5x1x2x64xf32, #tpu.memory_space<vmem>>[vector<16xi32>, vector<16xi32>, vector<16xi32>, vector<16xi32>, vector<16xi32>, vector<16xi32>], vector<16xf32>,
        %broadcast_in_dim3A_1231 = arith.constant 3 : i32
        %broadcast_in_dim3A_1232 = vector.broadcast %broadcast_in_dim3A_1231 : i32 to vector<16xi32>
        %broadcast_in_dim3A_1233 = arith.constant 1 : i32
        %broadcast_in_dim3A_1234 = vector.broadcast %broadcast_in_dim3A_1233 : i32 to vector<16xi32>
        %get3A_1235 = arith.constant 38 : i32
        %get3A_1236 = arith.index_cast %scan3A_27 : i32 to index
        %get3A_1237 = arith.index_cast %get3A_1235 : i32 to index
        %get3A_1238 = arith.index_cast %add3A_866 : i32 to index
        %get3A_1239 = tpu.vector_load %arg7[%get3A_1236, %get3A_1237, %get3A_1238] {strides = array<i32>} : memref<7x48x64xf32, #tpu.memory_space<vmem>>, vector<16xf32>,
        tpu.vector_store_idx %arg10[%broadcast_in_dim3A_13, %broadcast_in_dim3A_13, %broadcast_in_dim3A_1232, %broadcast_in_dim3A_13, %broadcast_in_dim3A_1234, %add3A_875], %get3A_1239 : memref<1x1x5x1x2x64xf32, #tpu.memory_space<vmem>>[vector<16xi32>, vector<16xi32>, vector<16xi32>, vector<16xi32>, vector<16xi32>, vector<16xi32>], vector<16xf32>,
        %broadcast_in_dim3A_1240 = arith.constant 4 : i32
        %broadcast_in_dim3A_1241 = vector.broadcast %broadcast_in_dim3A_1240 : i32 to vector<16xi32>
        %broadcast_in_dim3A_1242 = arith.constant 1 : i32
        %broadcast_in_dim3A_1243 = vector.broadcast %broadcast_in_dim3A_1242 : i32 to vector<16xi32>
        tpu.vector_store_idx %arg9[%broadcast_in_dim3A_13, %broadcast_in_dim3A_13, %broadcast_in_dim3A_1241, %broadcast_in_dim3A_13, %broadcast_in_dim3A_1243, %add3A_875], %select_n3A_1122 : memref<1x1x5x1x2x64xf32, #tpu.memory_space<vmem>>[vector<16xi32>, vector<16xi32>, vector<16xi32>, vector<16xi32>, vector<16xi32>, vector<16xi32>], vector<16xf32>,
        %broadcast_in_dim3A_1244 = arith.constant 4 : i32
        %broadcast_in_dim3A_1245 = vector.broadcast %broadcast_in_dim3A_1244 : i32 to vector<16xi32>
        %broadcast_in_dim3A_1246 = arith.constant 1 : i32
        %broadcast_in_dim3A_1247 = vector.broadcast %broadcast_in_dim3A_1246 : i32 to vector<16xi32>
        %get3A_1248 = arith.constant 39 : i32
        %get3A_1249 = arith.index_cast %scan3A_27 : i32 to index
        %get3A_1250 = arith.index_cast %get3A_1248 : i32 to index
        %get3A_1251 = arith.index_cast %add3A_866 : i32 to index
        %get3A_1252 = tpu.vector_load %arg7[%get3A_1249, %get3A_1250, %get3A_1251] {strides = array<i32>} : memref<7x48x64xf32, #tpu.memory_space<vmem>>, vector<16xf32>,
        tpu.vector_store_idx %arg10[%broadcast_in_dim3A_13, %broadcast_in_dim3A_13, %broadcast_in_dim3A_1245, %broadcast_in_dim3A_13, %broadcast_in_dim3A_1247, %add3A_875], %get3A_1252 : memref<1x1x5x1x2x64xf32, #tpu.memory_space<vmem>>[vector<16xi32>, vector<16xi32>, vector<16xi32>, vector<16xi32>, vector<16xi32>, vector<16xi32>], vector<16xf32>,
        %gt3A_1253 = arith.constant 4.000000e+00 : f32
        %gt3A_1254 = vector.broadcast %gt3A_1253 : f32 to vector<16xf32>
        %gt3A_1255 = arith.cmpf ogt, %gather3A_1108, %gt3A_1254 : vector<16xf32>
        %select_n3A_1256 = arith.select %gt3A_1255, %broadcast_in_dim3A_9, %broadcast_in_dim3A_11 : vector<16xi1>, vector<16xi32>
        %select_n3A_1257 = arith.select %gt3A_1118, %broadcast_in_dim3A_9, %broadcast_in_dim3A_11 : vector<16xi1>, vector<16xi32>
        %and3A_1258 = arith.andi %gt3A_1118, %or3A_1100 : vector<16xi1>
        %select_n3A_1259 = arith.select %and3A_1258, %broadcast_in_dim3A_11, %select_n3A_1256 : vector<16xi1>, vector<16xi32>
        %not3A_1260 = arith.constant dense<true> : vector<16xi1>
        %not3A_1261 = arith.xori %or3A_1100, %not3A_1260 : vector<16xi1>
        %and3A_1262 = arith.andi %gt3A_1118, %not3A_1261 : vector<16xi1>
        %select_n3A_1263 = arith.select %and3A_1262, %broadcast_in_dim3A_11, %select_n3A_1257 : vector<16xi1>, vector<16xi32>
        tpu.vector_store_idx %arg11[%broadcast_in_dim3A_13, %broadcast_in_dim3A_13, %broadcast_in_dim3A_13, %broadcast_in_dim3A_13, %add3A_875], %select_n3A_1259 : memref<2x1x2x1x64xi32, #tpu.memory_space<vmem>>[vector<16xi32>, vector<16xi32>, vector<16xi32>, vector<16xi32>, vector<16xi32>], vector<16xi32>,
        tpu.vector_store_idx %arg11[%broadcast_in_dim3A_13, %broadcast_in_dim3A_13, %broadcast_in_dim3A_9, %broadcast_in_dim3A_13, %add3A_875], %select_n3A_1263 : memref<2x1x2x1x64xi32, #tpu.memory_space<vmem>>[vector<16xi32>, vector<16xi32>, vector<16xi32>, vector<16xi32>, vector<16xi32>], vector<16xi32>,
        %sub3A_1264 = arith.subi %broadcast_in_dim3A_9, %select_n3A_1259 : vector<16xi32>
        tpu.vector_store_idx %arg11[%broadcast_in_dim3A_9, %broadcast_in_dim3A_13, %broadcast_in_dim3A_13, %broadcast_in_dim3A_13, %add3A_875], %sub3A_1264 : memref<2x1x2x1x64xi32, #tpu.memory_space<vmem>>[vector<16xi32>, vector<16xi32>, vector<16xi32>, vector<16xi32>, vector<16xi32>], vector<16xi32>,
        %sub3A_1265 = arith.subi %broadcast_in_dim3A_9, %select_n3A_1263 : vector<16xi32>
        tpu.vector_store_idx %arg11[%broadcast_in_dim3A_9, %broadcast_in_dim3A_13, %broadcast_in_dim3A_9, %broadcast_in_dim3A_13, %add3A_875], %sub3A_1265 : memref<2x1x2x1x64xi32, #tpu.memory_space<vmem>>[vector<16xi32>, vector<16xi32>, vector<16xi32>, vector<16xi32>, vector<16xi32>], vector<16xi32>,
        %add3A_1266 = arith.constant 16 : i32
        %add3A_1267 = arith.addi %mul3A_42, %add3A_1266 : i32
        %add3A_1268 = arith.constant 16 : i32
        %add3A_1269 = vector.broadcast %add3A_1268 : i32 to vector<16xi32>
        %add3A_1270 = arith.addi %add3A_1269, %iota3A : vector<16xi32>
        %mul3A_1271 = arith.constant 2 : i32
        %mul3A_1272 = vector.broadcast %mul3A_1271 : i32 to vector<16xi32>
        %mul3A_1273 = arith.muli %mul3A_1272, %add3A_1270 : vector<16xi32>
        %add3A_1274 = arith.constant 1 : i32
        %add3A_1275 = vector.broadcast %add3A_1274 : i32 to vector<16xi32>
        %add3A_1276 = arith.addi %mul3A_1273, %add3A_1275 : vector<16xi32>
        %get3A_1277 = arith.constant 10 : i32
        %get3A_1278 = arith.index_cast %scan3A_27 : i32 to index
        %get3A_1279 = arith.index_cast %get3A_1277 : i32 to index
        %get3A_1280 = arith.index_cast %add3A_1267 : i32 to index
        %get3A_1281 = tpu.vector_load %arg7[%get3A_1278, %get3A_1279, %get3A_1280] {strides = array<i32>} : memref<7x48x64xf32, #tpu.memory_space<vmem>>, vector<16xf32>,
        %get3A_1282 = arith.constant 11 : i32
        %get3A_1283 = arith.index_cast %scan3A_27 : i32 to index
        %get3A_1284 = arith.index_cast %get3A_1282 : i32 to index
        %get3A_1285 = arith.index_cast %add3A_1267 : i32 to index
        %get3A_1286 = tpu.vector_load %arg7[%get3A_1283, %get3A_1284, %get3A_1285] {strides = array<i32>} : memref<7x48x64xf32, #tpu.memory_space<vmem>>, vector<16xf32>,
        %get3A_1287 = arith.constant 12 : i32
        %get3A_1288 = arith.index_cast %scan3A_27 : i32 to index
        %get3A_1289 = arith.index_cast %get3A_1287 : i32 to index
        %get3A_1290 = arith.index_cast %add3A_1267 : i32 to index
        %get3A_1291 = tpu.vector_load %arg7[%get3A_1288, %get3A_1289, %get3A_1290] {strides = array<i32>} : memref<7x48x64xf32, #tpu.memory_space<vmem>>, vector<16xf32>,
        %get3A_1292 = arith.constant 13 : i32
        %get3A_1293 = arith.index_cast %scan3A_27 : i32 to index
        %get3A_1294 = arith.index_cast %get3A_1292 : i32 to index
        %get3A_1295 = arith.index_cast %add3A_1267 : i32 to index
        %get3A_1296 = tpu.vector_load %arg7[%get3A_1293, %get3A_1294, %get3A_1295] {strides = array<i32>} : memref<7x48x64xf32, #tpu.memory_space<vmem>>, vector<16xf32>,
        %get3A_1297 = arith.constant 14 : i32
        %get3A_1298 = arith.index_cast %scan3A_27 : i32 to index
        %get3A_1299 = arith.index_cast %get3A_1297 : i32 to index
        %get3A_1300 = arith.index_cast %add3A_1267 : i32 to index
        %get3A_1301 = tpu.vector_load %arg7[%get3A_1298, %get3A_1299, %get3A_1300] {strides = array<i32>} : memref<7x48x64xf32, #tpu.memory_space<vmem>>, vector<16xf32>,
        %get3A_1302 = arith.constant 15 : i32
        %get3A_1303 = arith.index_cast %scan3A_27 : i32 to index
        %get3A_1304 = arith.index_cast %get3A_1302 : i32 to index
        %get3A_1305 = arith.index_cast %add3A_1267 : i32 to index
        %get3A_1306 = tpu.vector_load %arg7[%get3A_1303, %get3A_1304, %get3A_1305] {strides = array<i32>} : memref<7x48x64xf32, #tpu.memory_space<vmem>>, vector<16xf32>,
        %get3A_1307 = arith.constant 16 : i32
        %get3A_1308 = arith.index_cast %scan3A_27 : i32 to index
        %get3A_1309 = arith.index_cast %get3A_1307 : i32 to index
        %get3A_1310 = arith.index_cast %add3A_1267 : i32 to index
        %get3A_1311 = tpu.vector_load %arg7[%get3A_1308, %get3A_1309, %get3A_1310] {strides = array<i32>} : memref<7x48x64xf32, #tpu.memory_space<vmem>>, vector<16xf32>,
        %get3A_1312 = arith.constant 17 : i32
        %get3A_1313 = arith.index_cast %scan3A_27 : i32 to index
        %get3A_1314 = arith.index_cast %get3A_1312 : i32 to index
        %get3A_1315 = arith.index_cast %add3A_1267 : i32 to index
        %get3A_1316 = tpu.vector_load %arg7[%get3A_1313, %get3A_1314, %get3A_1315] {strides = array<i32>} : memref<7x48x64xf32, #tpu.memory_space<vmem>>, vector<16xf32>,
        %get3A_1317 = arith.constant 18 : i32
        %get3A_1318 = arith.index_cast %scan3A_27 : i32 to index
        %get3A_1319 = arith.index_cast %get3A_1317 : i32 to index
        %get3A_1320 = arith.index_cast %add3A_1267 : i32 to index
        %get3A_1321 = tpu.vector_load %arg7[%get3A_1318, %get3A_1319, %get3A_1320] {strides = array<i32>} : memref<7x48x64xf32, #tpu.memory_space<vmem>>, vector<16xf32>,
        %get3A_1322 = arith.constant 19 : i32
        %get3A_1323 = arith.index_cast %scan3A_27 : i32 to index
        %get3A_1324 = arith.index_cast %get3A_1322 : i32 to index
        %get3A_1325 = arith.index_cast %add3A_1267 : i32 to index
        %get3A_1326 = tpu.vector_load %arg7[%get3A_1323, %get3A_1324, %get3A_1325] {strides = array<i32>} : memref<7x48x64xf32, #tpu.memory_space<vmem>>, vector<16xf32>,
        %broadcast_in_dim3A_1327 = arith.constant 0 : i32
        %broadcast_in_dim3A_1328 = vector.broadcast %broadcast_in_dim3A_1327 : i32 to vector<16xi32>
        %gather3A_1329 = arith.constant 0 : i32
        %gather3A_1330 = arith.constant 0 : i32
        %gather3A_1331 = tpu.memref_slice %arg8[%scan3A_27, %gather3A_1329, %gather3A_1330] : memref<7x16x64xf32, #tpu.memory_space<vmem>> -> memref<1x16x64xf32, #tpu.memory_space<vmem>>
        %gather3A_1332 = tpu.memref_squeeze %gather3A_1331 : memref<1x16x64xf32, #tpu.memory_space<vmem>> -> memref<16x64xf32, #tpu.memory_space<vmem>>
        %gather3A_1333 = tpu.vector_load_idx %gather3A_1332[%broadcast_in_dim3A_1328, %add3A_1276] : memref<16x64xf32, #tpu.memory_space<vmem>>[vector<16xi32>, vector<16xi32>], vector<16xf32>,
        %broadcast_in_dim3A_1334 = arith.constant 1 : i32
        %broadcast_in_dim3A_1335 = vector.broadcast %broadcast_in_dim3A_1334 : i32 to vector<16xi32>
        %gather3A_1336 = arith.constant 0 : i32
        %gather3A_1337 = arith.constant 0 : i32
        %gather3A_1338 = tpu.memref_slice %arg8[%scan3A_27, %gather3A_1336, %gather3A_1337] : memref<7x16x64xf32, #tpu.memory_space<vmem>> -> memref<1x16x64xf32, #tpu.memory_space<vmem>>
        %gather3A_1339 = tpu.memref_squeeze %gather3A_1338 : memref<1x16x64xf32, #tpu.memory_space<vmem>> -> memref<16x64xf32, #tpu.memory_space<vmem>>
        %gather3A_1340 = tpu.vector_load_idx %gather3A_1339[%broadcast_in_dim3A_1335, %add3A_1276] : memref<16x64xf32, #tpu.memory_space<vmem>>[vector<16xi32>, vector<16xi32>], vector<16xf32>,
        %broadcast_in_dim3A_1341 = arith.constant 2 : i32
        %broadcast_in_dim3A_1342 = vector.broadcast %broadcast_in_dim3A_1341 : i32 to vector<16xi32>
        %gather3A_1343 = arith.constant 0 : i32
        %gather3A_1344 = arith.constant 0 : i32
        %gather3A_1345 = tpu.memref_slice %arg8[%scan3A_27, %gather3A_1343, %gather3A_1344] : memref<7x16x64xf32, #tpu.memory_space<vmem>> -> memref<1x16x64xf32, #tpu.memory_space<vmem>>
        %gather3A_1346 = tpu.memref_squeeze %gather3A_1345 : memref<1x16x64xf32, #tpu.memory_space<vmem>> -> memref<16x64xf32, #tpu.memory_space<vmem>>
        %gather3A_1347 = tpu.vector_load_idx %gather3A_1346[%broadcast_in_dim3A_1342, %add3A_1276] : memref<16x64xf32, #tpu.memory_space<vmem>>[vector<16xi32>, vector<16xi32>], vector<16xf32>,
        %broadcast_in_dim3A_1348 = arith.constant 3 : i32
        %broadcast_in_dim3A_1349 = vector.broadcast %broadcast_in_dim3A_1348 : i32 to vector<16xi32>
        %gather3A_1350 = arith.constant 0 : i32
        %gather3A_1351 = arith.constant 0 : i32
        %gather3A_1352 = tpu.memref_slice %arg8[%scan3A_27, %gather3A_1350, %gather3A_1351] : memref<7x16x64xf32, #tpu.memory_space<vmem>> -> memref<1x16x64xf32, #tpu.memory_space<vmem>>
        %gather3A_1353 = tpu.memref_squeeze %gather3A_1352 : memref<1x16x64xf32, #tpu.memory_space<vmem>> -> memref<16x64xf32, #tpu.memory_space<vmem>>
        %gather3A_1354 = tpu.vector_load_idx %gather3A_1353[%broadcast_in_dim3A_1349, %add3A_1276] : memref<16x64xf32, #tpu.memory_space<vmem>>[vector<16xi32>, vector<16xi32>], vector<16xf32>,
        %add3A_1355 = arith.addf %get3A_1281, %add3A_70 : vector<16xf32>
        %mul3A_1356 = arith.mulf %add3A_1355, %broadcast_in_dim3A_3 : vector<16xf32>
        %mul3A_1357 = arith.constant 5.000000e-01 : f32
        %mul3A_1358 = vector.broadcast %mul3A_1357 : f32 to vector<16xf32>
        %mul3A_1359 = arith.mulf %get3A_1291, %mul3A_1358 : vector<16xf32>
        %sub3A_1360 = arith.subf %mul3A_1356, %mul3A_1359 : vector<16xf32>
        %add3A_1361 = arith.addf %get3A_1286, %add3A_73 : vector<16xf32>
        %mul3A_1362 = arith.mulf %add3A_1361, %broadcast_in_dim3A_3 : vector<16xf32>
        %mul3A_1363 = arith.constant 5.000000e-01 : f32
        %mul3A_1364 = vector.broadcast %mul3A_1363 : f32 to vector<16xf32>
        %mul3A_1365 = arith.mulf %get3A_1296, %mul3A_1364 : vector<16xf32>
        %sub3A_1366 = arith.subf %mul3A_1362, %mul3A_1365 : vector<16xf32>
        %max3A_1367 = arith.maximumf %sub3A_1360, %broadcast_in_dim3A_1 : vector<16xf32>
        %max3A_1368 = arith.maximumf %sub3A_1366, %broadcast_in_dim3A_1 : vector<16xf32>
        %max3A_1369 = arith.maximumf %get3A_1291, %broadcast_in_dim3A_1 : vector<16xf32>
        %max3A_1370 = arith.maximumf %get3A_1296, %broadcast_in_dim3A_1 : vector<16xf32>
        %add3A_1371 = arith.addf %gather3A_1333, %add3A_70 : vector<16xf32>
        %mul3A_1372 = arith.mulf %add3A_1371, %broadcast_in_dim3A_3 : vector<16xf32>
        %mul3A_1373 = arith.constant 5.000000e-01 : f32
        %mul3A_1374 = vector.broadcast %mul3A_1373 : f32 to vector<16xf32>
        %mul3A_1375 = arith.mulf %gather3A_1347, %mul3A_1374 : vector<16xf32>
        %sub3A_1376 = arith.subf %mul3A_1372, %mul3A_1375 : vector<16xf32>
        %add3A_1377 = arith.addf %gather3A_1340, %add3A_73 : vector<16xf32>
        %mul3A_1378 = arith.mulf %add3A_1377, %broadcast_in_dim3A_3 : vector<16xf32>
        %mul3A_1379 = arith.constant 5.000000e-01 : f32
        %mul3A_1380 = vector.broadcast %mul3A_1379 : f32 to vector<16xf32>
        %mul3A_1381 = arith.mulf %gather3A_1354, %mul3A_1380 : vector<16xf32>
        %sub3A_1382 = arith.subf %mul3A_1378, %mul3A_1381 : vector<16xf32>
        %max3A_1383 = arith.maximumf %sub3A_1376, %broadcast_in_dim3A_1 : vector<16xf32>
        %max3A_1384 = arith.maximumf %sub3A_1382, %broadcast_in_dim3A_1 : vector<16xf32>
        %max3A_1385 = arith.maximumf %gather3A_1347, %broadcast_in_dim3A_1 : vector<16xf32>
        %max3A_1386 = arith.maximumf %gather3A_1354, %broadcast_in_dim3A_1 : vector<16xf32>
        %add3A_1387 = arith.addf %max3A_1369, %max3A_1385 : vector<16xf32>
        %add3A_1388 = arith.addf %max3A_1367, %max3A_1369 : vector<16xf32>
        %add3A_1389 = arith.addf %max3A_1383, %max3A_1385 : vector<16xf32>
        %max3A_1390 = arith.maximumf %add3A_1388, %add3A_1389 : vector<16xf32>
        %min3A_1391 = arith.minimumf %max3A_1367, %max3A_1383 : vector<16xf32>
        %sub3A_1392 = arith.subf %max3A_1390, %min3A_1391 : vector<16xf32>
        %sub3A_1393 = arith.subf %add3A_1387, %sub3A_1392 : vector<16xf32>
        %add3A_1394 = arith.addf %max3A_1370, %max3A_1386 : vector<16xf32>
        %add3A_1395 = arith.addf %max3A_1368, %max3A_1370 : vector<16xf32>
        %add3A_1396 = arith.addf %max3A_1384, %max3A_1386 : vector<16xf32>
        %max3A_1397 = arith.maximumf %add3A_1395, %add3A_1396 : vector<16xf32>
        %min3A_1398 = arith.minimumf %max3A_1368, %max3A_1384 : vector<16xf32>
        %sub3A_1399 = arith.subf %max3A_1397, %min3A_1398 : vector<16xf32>
        %sub3A_1400 = arith.subf %add3A_1394, %sub3A_1399 : vector<16xf32>
        %max3A_1401 = arith.maximumf %sub3A_1393, %broadcast_in_dim3A_1 : vector<16xf32>
        %max3A_1402 = arith.maximumf %sub3A_1400, %broadcast_in_dim3A_1 : vector<16xf32>
        %mul3A_1403 = arith.mulf %max3A_1401, %max3A_1402 : vector<16xf32>
        %mul3A_1404 = arith.mulf %max3A_1369, %max3A_1370 : vector<16xf32>
        %mul3A_1405 = arith.mulf %max3A_1385, %max3A_1386 : vector<16xf32>
        %add3A_1406 = arith.addf %mul3A_1404, %mul3A_1405 : vector<16xf32>
        %sub3A_1407 = arith.subf %add3A_1406, %mul3A_1403 : vector<16xf32>
        %div3A_1408 = arith.divf %mul3A_1403, %sub3A_1407 : vector<16xf32>
        %broadcast_in_dim3A_1409 = arith.constant 5 : i32
        %broadcast_in_dim3A_1410 = vector.broadcast %broadcast_in_dim3A_1409 : i32 to vector<16xi32>
        %gather3A_1411 = arith.constant 0 : i32
        %gather3A_1412 = arith.constant 0 : i32
        %gather3A_1413 = tpu.memref_slice %arg8[%scan3A_27, %gather3A_1411, %gather3A_1412] : memref<7x16x64xf32, #tpu.memory_space<vmem>> -> memref<1x16x64xf32, #tpu.memory_space<vmem>>
        %gather3A_1414 = tpu.memref_squeeze %gather3A_1413 : memref<1x16x64xf32, #tpu.memory_space<vmem>> -> memref<16x64xf32, #tpu.memory_space<vmem>>
        %gather3A_1415 = tpu.vector_load_idx %gather3A_1414[%broadcast_in_dim3A_1410, %add3A_1276] : memref<16x64xf32, #tpu.memory_space<vmem>>[vector<16xi32>, vector<16xi32>], vector<16xf32>,
        %broadcast_in_dim3A_1416 = arith.constant 6 : i32
        %broadcast_in_dim3A_1417 = vector.broadcast %broadcast_in_dim3A_1416 : i32 to vector<16xi32>
        %gather3A_1418 = arith.constant 0 : i32
        %gather3A_1419 = arith.constant 0 : i32
        %gather3A_1420 = tpu.memref_slice %arg8[%scan3A_27, %gather3A_1418, %gather3A_1419] : memref<7x16x64xf32, #tpu.memory_space<vmem>> -> memref<1x16x64xf32, #tpu.memory_space<vmem>>
        %gather3A_1421 = tpu.memref_squeeze %gather3A_1420 : memref<1x16x64xf32, #tpu.memory_space<vmem>> -> memref<16x64xf32, #tpu.memory_space<vmem>>
        %gather3A_1422 = tpu.vector_load_idx %gather3A_1421[%broadcast_in_dim3A_1417, %add3A_1276] : memref<16x64xf32, #tpu.memory_space<vmem>>[vector<16xi32>, vector<16xi32>], vector<16xf32>,
        %broadcast_in_dim3A_1423 = arith.constant 7 : i32
        %broadcast_in_dim3A_1424 = vector.broadcast %broadcast_in_dim3A_1423 : i32 to vector<16xi32>
        %gather3A_1425 = arith.constant 0 : i32
        %gather3A_1426 = arith.constant 0 : i32
        %gather3A_1427 = tpu.memref_slice %arg8[%scan3A_27, %gather3A_1425, %gather3A_1426] : memref<7x16x64xf32, #tpu.memory_space<vmem>> -> memref<1x16x64xf32, #tpu.memory_space<vmem>>
        %gather3A_1428 = tpu.memref_squeeze %gather3A_1427 : memref<1x16x64xf32, #tpu.memory_space<vmem>> -> memref<16x64xf32, #tpu.memory_space<vmem>>
        %gather3A_1429 = tpu.vector_load_idx %gather3A_1428[%broadcast_in_dim3A_1424, %add3A_1276] : memref<16x64xf32, #tpu.memory_space<vmem>>[vector<16xi32>, vector<16xi32>], vector<16xf32>,
        %broadcast_in_dim3A_1430 = arith.constant 8 : i32
        %broadcast_in_dim3A_1431 = vector.broadcast %broadcast_in_dim3A_1430 : i32 to vector<16xi32>
        %gather3A_1432 = arith.constant 0 : i32
        %gather3A_1433 = arith.constant 0 : i32
        %gather3A_1434 = tpu.memref_slice %arg8[%scan3A_27, %gather3A_1432, %gather3A_1433] : memref<7x16x64xf32, #tpu.memory_space<vmem>> -> memref<1x16x64xf32, #tpu.memory_space<vmem>>
        %gather3A_1435 = tpu.memref_squeeze %gather3A_1434 : memref<1x16x64xf32, #tpu.memory_space<vmem>> -> memref<16x64xf32, #tpu.memory_space<vmem>>
        %gather3A_1436 = tpu.vector_load_idx %gather3A_1435[%broadcast_in_dim3A_1431, %add3A_1276] : memref<16x64xf32, #tpu.memory_space<vmem>>[vector<16xi32>, vector<16xi32>], vector<16xf32>,
        %add3A_1437 = arith.addf %get3A_1306, %add3A_70 : vector<16xf32>
        %mul3A_1438 = arith.mulf %add3A_1437, %broadcast_in_dim3A_3 : vector<16xf32>
        %mul3A_1439 = arith.constant 5.000000e-01 : f32
        %mul3A_1440 = vector.broadcast %mul3A_1439 : f32 to vector<16xf32>
        %mul3A_1441 = arith.mulf %get3A_1316, %mul3A_1440 : vector<16xf32>
        %sub3A_1442 = arith.subf %mul3A_1438, %mul3A_1441 : vector<16xf32>
        %add3A_1443 = arith.addf %get3A_1311, %add3A_73 : vector<16xf32>
        %mul3A_1444 = arith.mulf %add3A_1443, %broadcast_in_dim3A_3 : vector<16xf32>
        %mul3A_1445 = arith.constant 5.000000e-01 : f32
        %mul3A_1446 = vector.broadcast %mul3A_1445 : f32 to vector<16xf32>
        %mul3A_1447 = arith.mulf %get3A_1321, %mul3A_1446 : vector<16xf32>
        %sub3A_1448 = arith.subf %mul3A_1444, %mul3A_1447 : vector<16xf32>
        %max3A_1449 = arith.maximumf %sub3A_1442, %broadcast_in_dim3A_1 : vector<16xf32>
        %max3A_1450 = arith.maximumf %sub3A_1448, %broadcast_in_dim3A_1 : vector<16xf32>
        %max3A_1451 = arith.maximumf %get3A_1316, %broadcast_in_dim3A_1 : vector<16xf32>
        %max3A_1452 = arith.maximumf %get3A_1321, %broadcast_in_dim3A_1 : vector<16xf32>
        %add3A_1453 = arith.addf %gather3A_1415, %add3A_70 : vector<16xf32>
        %mul3A_1454 = arith.mulf %add3A_1453, %broadcast_in_dim3A_3 : vector<16xf32>
        %mul3A_1455 = arith.constant 5.000000e-01 : f32
        %mul3A_1456 = vector.broadcast %mul3A_1455 : f32 to vector<16xf32>
        %mul3A_1457 = arith.mulf %gather3A_1429, %mul3A_1456 : vector<16xf32>
        %sub3A_1458 = arith.subf %mul3A_1454, %mul3A_1457 : vector<16xf32>
        %add3A_1459 = arith.addf %gather3A_1422, %add3A_73 : vector<16xf32>
        %mul3A_1460 = arith.mulf %add3A_1459, %broadcast_in_dim3A_3 : vector<16xf32>
        %mul3A_1461 = arith.constant 5.000000e-01 : f32
        %mul3A_1462 = vector.broadcast %mul3A_1461 : f32 to vector<16xf32>
        %mul3A_1463 = arith.mulf %gather3A_1436, %mul3A_1462 : vector<16xf32>
        %sub3A_1464 = arith.subf %mul3A_1460, %mul3A_1463 : vector<16xf32>
        %max3A_1465 = arith.maximumf %sub3A_1458, %broadcast_in_dim3A_1 : vector<16xf32>
        %max3A_1466 = arith.maximumf %sub3A_1464, %broadcast_in_dim3A_1 : vector<16xf32>
        %max3A_1467 = arith.maximumf %gather3A_1429, %broadcast_in_dim3A_1 : vector<16xf32>
        %max3A_1468 = arith.maximumf %gather3A_1436, %broadcast_in_dim3A_1 : vector<16xf32>
        %add3A_1469 = arith.addf %max3A_1451, %max3A_1467 : vector<16xf32>
        %add3A_1470 = arith.addf %max3A_1449, %max3A_1451 : vector<16xf32>
        %add3A_1471 = arith.addf %max3A_1465, %max3A_1467 : vector<16xf32>
        %max3A_1472 = arith.maximumf %add3A_1470, %add3A_1471 : vector<16xf32>
        %min3A_1473 = arith.minimumf %max3A_1449, %max3A_1465 : vector<16xf32>
        %sub3A_1474 = arith.subf %max3A_1472, %min3A_1473 : vector<16xf32>
        %sub3A_1475 = arith.subf %add3A_1469, %sub3A_1474 : vector<16xf32>
        %add3A_1476 = arith.addf %max3A_1452, %max3A_1468 : vector<16xf32>
        %add3A_1477 = arith.addf %max3A_1450, %max3A_1452 : vector<16xf32>
        %add3A_1478 = arith.addf %max3A_1466, %max3A_1468 : vector<16xf32>
        %max3A_1479 = arith.maximumf %add3A_1477, %add3A_1478 : vector<16xf32>
        %min3A_1480 = arith.minimumf %max3A_1450, %max3A_1466 : vector<16xf32>
        %sub3A_1481 = arith.subf %max3A_1479, %min3A_1480 : vector<16xf32>
        %sub3A_1482 = arith.subf %add3A_1476, %sub3A_1481 : vector<16xf32>
        %max3A_1483 = arith.maximumf %sub3A_1475, %broadcast_in_dim3A_1 : vector<16xf32>
        %max3A_1484 = arith.maximumf %sub3A_1482, %broadcast_in_dim3A_1 : vector<16xf32>
        %mul3A_1485 = arith.mulf %max3A_1483, %max3A_1484 : vector<16xf32>
        %mul3A_1486 = arith.mulf %max3A_1451, %max3A_1452 : vector<16xf32>
        %mul3A_1487 = arith.mulf %max3A_1467, %max3A_1468 : vector<16xf32>
        %add3A_1488 = arith.addf %mul3A_1486, %mul3A_1487 : vector<16xf32>
        %sub3A_1489 = arith.subf %add3A_1488, %mul3A_1485 : vector<16xf32>
        %div3A_1490 = arith.divf %mul3A_1485, %sub3A_1489 : vector<16xf32>
        %bitcast3A_1491 = vector.bitcast %div3A_1408 : vector<16xf32> to vector<16xi32>
        %and3A_1492 = arith.andi %bitcast3A_1491, %broadcast_in_dim3A_5 : vector<16xi32>
        %gt3A_1493 = arith.cmpi sgt, %and3A_1492, %broadcast_in_dim3A_7 : vector<16xi32>
        %bitcast3A_1494 = vector.bitcast %div3A_1490 : vector<16xf32> to vector<16xi32>
        %and3A_1495 = arith.andi %bitcast3A_1494, %broadcast_in_dim3A_5 : vector<16xi32>
        %gt3A_1496 = arith.cmpi sgt, %and3A_1495, %broadcast_in_dim3A_7 : vector<16xi32>
        %gt3A_1497 = arith.cmpf ogt, %div3A_1490, %div3A_1408 : vector<16xf32>
        %not3A_1498 = arith.constant dense<true> : vector<16xi1>
        %not3A_1499 = arith.xori %gt3A_1493, %not3A_1498 : vector<16xi1>
        %and3A_1500 = arith.andi %gt3A_1496, %not3A_1499 : vector<16xi1>
        %or3A_1501 = arith.ori %gt3A_1497, %and3A_1500 : vector<16xi1>
        %select_n3A_1502 = arith.select %or3A_1501, %div3A_1490, %div3A_1408 : vector<16xi1>, vector<16xf32>
        %broadcast_in_dim3A_1503 = arith.constant 4 : i32
        %broadcast_in_dim3A_1504 = vector.broadcast %broadcast_in_dim3A_1503 : i32 to vector<16xi32>
        %gather3A_1505 = arith.constant 0 : i32
        %gather3A_1506 = arith.constant 0 : i32
        %gather3A_1507 = tpu.memref_slice %arg8[%scan3A_27, %gather3A_1505, %gather3A_1506] : memref<7x16x64xf32, #tpu.memory_space<vmem>> -> memref<1x16x64xf32, #tpu.memory_space<vmem>>
        %gather3A_1508 = tpu.memref_squeeze %gather3A_1507 : memref<1x16x64xf32, #tpu.memory_space<vmem>> -> memref<16x64xf32, #tpu.memory_space<vmem>>
        %gather3A_1509 = tpu.vector_load_idx %gather3A_1508[%broadcast_in_dim3A_1504, %add3A_1276] : memref<16x64xf32, #tpu.memory_space<vmem>>[vector<16xi32>, vector<16xi32>], vector<16xf32>,
        %broadcast_in_dim3A_1510 = arith.constant 9 : i32
        %broadcast_in_dim3A_1511 = vector.broadcast %broadcast_in_dim3A_1510 : i32 to vector<16xi32>
        %gather3A_1512 = arith.constant 0 : i32
        %gather3A_1513 = arith.constant 0 : i32
        %gather3A_1514 = tpu.memref_slice %arg8[%scan3A_27, %gather3A_1512, %gather3A_1513] : memref<7x16x64xf32, #tpu.memory_space<vmem>> -> memref<1x16x64xf32, #tpu.memory_space<vmem>>
        %gather3A_1515 = tpu.memref_squeeze %gather3A_1514 : memref<1x16x64xf32, #tpu.memory_space<vmem>> -> memref<16x64xf32, #tpu.memory_space<vmem>>
        %gather3A_1516 = tpu.vector_load_idx %gather3A_1515[%broadcast_in_dim3A_1511, %add3A_1276] : memref<16x64xf32, #tpu.memory_space<vmem>>[vector<16xi32>, vector<16xi32>], vector<16xf32>,
        %gt3A_1517 = arith.constant 4.000000e+00 : f32
        %gt3A_1518 = vector.broadcast %gt3A_1517 : f32 to vector<16xf32>
        %gt3A_1519 = arith.cmpf ogt, %gather3A_1516, %gt3A_1518 : vector<16xf32>
        %select_n3A_1520 = arith.select %or3A_1501, %broadcast_in_dim3A_1, %select_n3A_1502 : vector<16xi1>, vector<16xf32>
        %select_n3A_1521 = arith.select %gt3A_1519, %select_n3A_1520, %get3A_1301 : vector<16xi1>, vector<16xf32>
        %select_n3A_1522 = arith.select %or3A_1501, %select_n3A_1502, %broadcast_in_dim3A_1 : vector<16xi1>, vector<16xf32>
        %select_n3A_1523 = arith.select %gt3A_1519, %select_n3A_1522, %get3A_1326 : vector<16xi1>, vector<16xf32>
        %broadcast_in_dim3A_1524 = arith.constant 0 : i32
        %broadcast_in_dim3A_1525 = vector.broadcast %broadcast_in_dim3A_1524 : i32 to vector<16xi32>
        %broadcast_in_dim3A_1526 = arith.constant 0 : i32
        %broadcast_in_dim3A_1527 = vector.broadcast %broadcast_in_dim3A_1526 : i32 to vector<16xi32>
        tpu.vector_store_idx %arg9[%broadcast_in_dim3A_13, %broadcast_in_dim3A_13, %broadcast_in_dim3A_1525, %broadcast_in_dim3A_13, %broadcast_in_dim3A_1527, %add3A_1276], %get3A_1281 : memref<1x1x5x1x2x64xf32, #tpu.memory_space<vmem>>[vector<16xi32>, vector<16xi32>, vector<16xi32>, vector<16xi32>, vector<16xi32>, vector<16xi32>], vector<16xf32>,
        %broadcast_in_dim3A_1528 = arith.constant 0 : i32
        %broadcast_in_dim3A_1529 = vector.broadcast %broadcast_in_dim3A_1528 : i32 to vector<16xi32>
        %broadcast_in_dim3A_1530 = arith.constant 0 : i32
        %broadcast_in_dim3A_1531 = vector.broadcast %broadcast_in_dim3A_1530 : i32 to vector<16xi32>
        %get3A_1532 = arith.constant 30 : i32
        %get3A_1533 = arith.index_cast %scan3A_27 : i32 to index
        %get3A_1534 = arith.index_cast %get3A_1532 : i32 to index
        %get3A_1535 = arith.index_cast %add3A_1267 : i32 to index
        %get3A_1536 = tpu.vector_load %arg7[%get3A_1533, %get3A_1534, %get3A_1535] {strides = array<i32>} : memref<7x48x64xf32, #tpu.memory_space<vmem>>, vector<16xf32>,
        tpu.vector_store_idx %arg10[%broadcast_in_dim3A_13, %broadcast_in_dim3A_13, %broadcast_in_dim3A_1529, %broadcast_in_dim3A_13, %broadcast_in_dim3A_1531, %add3A_1276], %get3A_1536 : memref<1x1x5x1x2x64xf32, #tpu.memory_space<vmem>>[vector<16xi32>, vector<16xi32>, vector<16xi32>, vector<16xi32>, vector<16xi32>, vector<16xi32>], vector<16xf32>,
        %broadcast_in_dim3A_1537 = arith.constant 1 : i32
        %broadcast_in_dim3A_1538 = vector.broadcast %broadcast_in_dim3A_1537 : i32 to vector<16xi32>
        %broadcast_in_dim3A_1539 = arith.constant 0 : i32
        %broadcast_in_dim3A_1540 = vector.broadcast %broadcast_in_dim3A_1539 : i32 to vector<16xi32>
        tpu.vector_store_idx %arg9[%broadcast_in_dim3A_13, %broadcast_in_dim3A_13, %broadcast_in_dim3A_1538, %broadcast_in_dim3A_13, %broadcast_in_dim3A_1540, %add3A_1276], %get3A_1286 : memref<1x1x5x1x2x64xf32, #tpu.memory_space<vmem>>[vector<16xi32>, vector<16xi32>, vector<16xi32>, vector<16xi32>, vector<16xi32>, vector<16xi32>], vector<16xf32>,
        %broadcast_in_dim3A_1541 = arith.constant 1 : i32
        %broadcast_in_dim3A_1542 = vector.broadcast %broadcast_in_dim3A_1541 : i32 to vector<16xi32>
        %broadcast_in_dim3A_1543 = arith.constant 0 : i32
        %broadcast_in_dim3A_1544 = vector.broadcast %broadcast_in_dim3A_1543 : i32 to vector<16xi32>
        %get3A_1545 = arith.constant 31 : i32
        %get3A_1546 = arith.index_cast %scan3A_27 : i32 to index
        %get3A_1547 = arith.index_cast %get3A_1545 : i32 to index
        %get3A_1548 = arith.index_cast %add3A_1267 : i32 to index
        %get3A_1549 = tpu.vector_load %arg7[%get3A_1546, %get3A_1547, %get3A_1548] {strides = array<i32>} : memref<7x48x64xf32, #tpu.memory_space<vmem>>, vector<16xf32>,
        tpu.vector_store_idx %arg10[%broadcast_in_dim3A_13, %broadcast_in_dim3A_13, %broadcast_in_dim3A_1542, %broadcast_in_dim3A_13, %broadcast_in_dim3A_1544, %add3A_1276], %get3A_1549 : memref<1x1x5x1x2x64xf32, #tpu.memory_space<vmem>>[vector<16xi32>, vector<16xi32>, vector<16xi32>, vector<16xi32>, vector<16xi32>, vector<16xi32>], vector<16xf32>,
        %broadcast_in_dim3A_1550 = arith.constant 2 : i32
        %broadcast_in_dim3A_1551 = vector.broadcast %broadcast_in_dim3A_1550 : i32 to vector<16xi32>
        %broadcast_in_dim3A_1552 = arith.constant 0 : i32
        %broadcast_in_dim3A_1553 = vector.broadcast %broadcast_in_dim3A_1552 : i32 to vector<16xi32>
        tpu.vector_store_idx %arg9[%broadcast_in_dim3A_13, %broadcast_in_dim3A_13, %broadcast_in_dim3A_1551, %broadcast_in_dim3A_13, %broadcast_in_dim3A_1553, %add3A_1276], %get3A_1291 : memref<1x1x5x1x2x64xf32, #tpu.memory_space<vmem>>[vector<16xi32>, vector<16xi32>, vector<16xi32>, vector<16xi32>, vector<16xi32>, vector<16xi32>], vector<16xf32>,
        %broadcast_in_dim3A_1554 = arith.constant 2 : i32
        %broadcast_in_dim3A_1555 = vector.broadcast %broadcast_in_dim3A_1554 : i32 to vector<16xi32>
        %broadcast_in_dim3A_1556 = arith.constant 0 : i32
        %broadcast_in_dim3A_1557 = vector.broadcast %broadcast_in_dim3A_1556 : i32 to vector<16xi32>
        %get3A_1558 = arith.constant 32 : i32
        %get3A_1559 = arith.index_cast %scan3A_27 : i32 to index
        %get3A_1560 = arith.index_cast %get3A_1558 : i32 to index
        %get3A_1561 = arith.index_cast %add3A_1267 : i32 to index
        %get3A_1562 = tpu.vector_load %arg7[%get3A_1559, %get3A_1560, %get3A_1561] {strides = array<i32>} : memref<7x48x64xf32, #tpu.memory_space<vmem>>, vector<16xf32>,
        tpu.vector_store_idx %arg10[%broadcast_in_dim3A_13, %broadcast_in_dim3A_13, %broadcast_in_dim3A_1555, %broadcast_in_dim3A_13, %broadcast_in_dim3A_1557, %add3A_1276], %get3A_1562 : memref<1x1x5x1x2x64xf32, #tpu.memory_space<vmem>>[vector<16xi32>, vector<16xi32>, vector<16xi32>, vector<16xi32>, vector<16xi32>, vector<16xi32>], vector<16xf32>,
        %broadcast_in_dim3A_1563 = arith.constant 3 : i32
        %broadcast_in_dim3A_1564 = vector.broadcast %broadcast_in_dim3A_1563 : i32 to vector<16xi32>
        %broadcast_in_dim3A_1565 = arith.constant 0 : i32
        %broadcast_in_dim3A_1566 = vector.broadcast %broadcast_in_dim3A_1565 : i32 to vector<16xi32>
        tpu.vector_store_idx %arg9[%broadcast_in_dim3A_13, %broadcast_in_dim3A_13, %broadcast_in_dim3A_1564, %broadcast_in_dim3A_13, %broadcast_in_dim3A_1566, %add3A_1276], %get3A_1296 : memref<1x1x5x1x2x64xf32, #tpu.memory_space<vmem>>[vector<16xi32>, vector<16xi32>, vector<16xi32>, vector<16xi32>, vector<16xi32>, vector<16xi32>], vector<16xf32>,
        %broadcast_in_dim3A_1567 = arith.constant 3 : i32
        %broadcast_in_dim3A_1568 = vector.broadcast %broadcast_in_dim3A_1567 : i32 to vector<16xi32>
        %broadcast_in_dim3A_1569 = arith.constant 0 : i32
        %broadcast_in_dim3A_1570 = vector.broadcast %broadcast_in_dim3A_1569 : i32 to vector<16xi32>
        %get3A_1571 = arith.constant 33 : i32
        %get3A_1572 = arith.index_cast %scan3A_27 : i32 to index
        %get3A_1573 = arith.index_cast %get3A_1571 : i32 to index
        %get3A_1574 = arith.index_cast %add3A_1267 : i32 to index
        %get3A_1575 = tpu.vector_load %arg7[%get3A_1572, %get3A_1573, %get3A_1574] {strides = array<i32>} : memref<7x48x64xf32, #tpu.memory_space<vmem>>, vector<16xf32>,
        tpu.vector_store_idx %arg10[%broadcast_in_dim3A_13, %broadcast_in_dim3A_13, %broadcast_in_dim3A_1568, %broadcast_in_dim3A_13, %broadcast_in_dim3A_1570, %add3A_1276], %get3A_1575 : memref<1x1x5x1x2x64xf32, #tpu.memory_space<vmem>>[vector<16xi32>, vector<16xi32>, vector<16xi32>, vector<16xi32>, vector<16xi32>, vector<16xi32>], vector<16xf32>,
        %broadcast_in_dim3A_1576 = arith.constant 4 : i32
        %broadcast_in_dim3A_1577 = vector.broadcast %broadcast_in_dim3A_1576 : i32 to vector<16xi32>
        %broadcast_in_dim3A_1578 = arith.constant 0 : i32
        %broadcast_in_dim3A_1579 = vector.broadcast %broadcast_in_dim3A_1578 : i32 to vector<16xi32>
        tpu.vector_store_idx %arg9[%broadcast_in_dim3A_13, %broadcast_in_dim3A_13, %broadcast_in_dim3A_1577, %broadcast_in_dim3A_13, %broadcast_in_dim3A_1579, %add3A_1276], %select_n3A_1521 : memref<1x1x5x1x2x64xf32, #tpu.memory_space<vmem>>[vector<16xi32>, vector<16xi32>, vector<16xi32>, vector<16xi32>, vector<16xi32>, vector<16xi32>], vector<16xf32>,
        %broadcast_in_dim3A_1580 = arith.constant 4 : i32
        %broadcast_in_dim3A_1581 = vector.broadcast %broadcast_in_dim3A_1580 : i32 to vector<16xi32>
        %broadcast_in_dim3A_1582 = arith.constant 0 : i32
        %broadcast_in_dim3A_1583 = vector.broadcast %broadcast_in_dim3A_1582 : i32 to vector<16xi32>
        %get3A_1584 = arith.constant 34 : i32
        %get3A_1585 = arith.index_cast %scan3A_27 : i32 to index
        %get3A_1586 = arith.index_cast %get3A_1584 : i32 to index
        %get3A_1587 = arith.index_cast %add3A_1267 : i32 to index
        %get3A_1588 = tpu.vector_load %arg7[%get3A_1585, %get3A_1586, %get3A_1587] {strides = array<i32>} : memref<7x48x64xf32, #tpu.memory_space<vmem>>, vector<16xf32>,
        tpu.vector_store_idx %arg10[%broadcast_in_dim3A_13, %broadcast_in_dim3A_13, %broadcast_in_dim3A_1581, %broadcast_in_dim3A_13, %broadcast_in_dim3A_1583, %add3A_1276], %get3A_1588 : memref<1x1x5x1x2x64xf32, #tpu.memory_space<vmem>>[vector<16xi32>, vector<16xi32>, vector<16xi32>, vector<16xi32>, vector<16xi32>, vector<16xi32>], vector<16xf32>,
        %broadcast_in_dim3A_1589 = arith.constant 0 : i32
        %broadcast_in_dim3A_1590 = vector.broadcast %broadcast_in_dim3A_1589 : i32 to vector<16xi32>
        %broadcast_in_dim3A_1591 = arith.constant 1 : i32
        %broadcast_in_dim3A_1592 = vector.broadcast %broadcast_in_dim3A_1591 : i32 to vector<16xi32>
        tpu.vector_store_idx %arg9[%broadcast_in_dim3A_13, %broadcast_in_dim3A_13, %broadcast_in_dim3A_1590, %broadcast_in_dim3A_13, %broadcast_in_dim3A_1592, %add3A_1276], %get3A_1306 : memref<1x1x5x1x2x64xf32, #tpu.memory_space<vmem>>[vector<16xi32>, vector<16xi32>, vector<16xi32>, vector<16xi32>, vector<16xi32>, vector<16xi32>], vector<16xf32>,
        %broadcast_in_dim3A_1593 = arith.constant 0 : i32
        %broadcast_in_dim3A_1594 = vector.broadcast %broadcast_in_dim3A_1593 : i32 to vector<16xi32>
        %broadcast_in_dim3A_1595 = arith.constant 1 : i32
        %broadcast_in_dim3A_1596 = vector.broadcast %broadcast_in_dim3A_1595 : i32 to vector<16xi32>
        %get3A_1597 = arith.constant 35 : i32
        %get3A_1598 = arith.index_cast %scan3A_27 : i32 to index
        %get3A_1599 = arith.index_cast %get3A_1597 : i32 to index
        %get3A_1600 = arith.index_cast %add3A_1267 : i32 to index
        %get3A_1601 = tpu.vector_load %arg7[%get3A_1598, %get3A_1599, %get3A_1600] {strides = array<i32>} : memref<7x48x64xf32, #tpu.memory_space<vmem>>, vector<16xf32>,
        tpu.vector_store_idx %arg10[%broadcast_in_dim3A_13, %broadcast_in_dim3A_13, %broadcast_in_dim3A_1594, %broadcast_in_dim3A_13, %broadcast_in_dim3A_1596, %add3A_1276], %get3A_1601 : memref<1x1x5x1x2x64xf32, #tpu.memory_space<vmem>>[vector<16xi32>, vector<16xi32>, vector<16xi32>, vector<16xi32>, vector<16xi32>, vector<16xi32>], vector<16xf32>,
        %broadcast_in_dim3A_1602 = arith.constant 1 : i32
        %broadcast_in_dim3A_1603 = vector.broadcast %broadcast_in_dim3A_1602 : i32 to vector<16xi32>
        %broadcast_in_dim3A_1604 = arith.constant 1 : i32
        %broadcast_in_dim3A_1605 = vector.broadcast %broadcast_in_dim3A_1604 : i32 to vector<16xi32>
        tpu.vector_store_idx %arg9[%broadcast_in_dim3A_13, %broadcast_in_dim3A_13, %broadcast_in_dim3A_1603, %broadcast_in_dim3A_13, %broadcast_in_dim3A_1605, %add3A_1276], %get3A_1311 : memref<1x1x5x1x2x64xf32, #tpu.memory_space<vmem>>[vector<16xi32>, vector<16xi32>, vector<16xi32>, vector<16xi32>, vector<16xi32>, vector<16xi32>], vector<16xf32>,
        %broadcast_in_dim3A_1606 = arith.constant 1 : i32
        %broadcast_in_dim3A_1607 = vector.broadcast %broadcast_in_dim3A_1606 : i32 to vector<16xi32>
        %broadcast_in_dim3A_1608 = arith.constant 1 : i32
        %broadcast_in_dim3A_1609 = vector.broadcast %broadcast_in_dim3A_1608 : i32 to vector<16xi32>
        %get3A_1610 = arith.constant 36 : i32
        %get3A_1611 = arith.index_cast %scan3A_27 : i32 to index
        %get3A_1612 = arith.index_cast %get3A_1610 : i32 to index
        %get3A_1613 = arith.index_cast %add3A_1267 : i32 to index
        %get3A_1614 = tpu.vector_load %arg7[%get3A_1611, %get3A_1612, %get3A_1613] {strides = array<i32>} : memref<7x48x64xf32, #tpu.memory_space<vmem>>, vector<16xf32>,
        tpu.vector_store_idx %arg10[%broadcast_in_dim3A_13, %broadcast_in_dim3A_13, %broadcast_in_dim3A_1607, %broadcast_in_dim3A_13, %broadcast_in_dim3A_1609, %add3A_1276], %get3A_1614 : memref<1x1x5x1x2x64xf32, #tpu.memory_space<vmem>>[vector<16xi32>, vector<16xi32>, vector<16xi32>, vector<16xi32>, vector<16xi32>, vector<16xi32>], vector<16xf32>,
        %broadcast_in_dim3A_1615 = arith.constant 2 : i32
        %broadcast_in_dim3A_1616 = vector.broadcast %broadcast_in_dim3A_1615 : i32 to vector<16xi32>
        %broadcast_in_dim3A_1617 = arith.constant 1 : i32
        %broadcast_in_dim3A_1618 = vector.broadcast %broadcast_in_dim3A_1617 : i32 to vector<16xi32>
        tpu.vector_store_idx %arg9[%broadcast_in_dim3A_13, %broadcast_in_dim3A_13, %broadcast_in_dim3A_1616, %broadcast_in_dim3A_13, %broadcast_in_dim3A_1618, %add3A_1276], %get3A_1316 : memref<1x1x5x1x2x64xf32, #tpu.memory_space<vmem>>[vector<16xi32>, vector<16xi32>, vector<16xi32>, vector<16xi32>, vector<16xi32>, vector<16xi32>], vector<16xf32>,
        %broadcast_in_dim3A_1619 = arith.constant 2 : i32
        %broadcast_in_dim3A_1620 = vector.broadcast %broadcast_in_dim3A_1619 : i32 to vector<16xi32>
        %broadcast_in_dim3A_1621 = arith.constant 1 : i32
        %broadcast_in_dim3A_1622 = vector.broadcast %broadcast_in_dim3A_1621 : i32 to vector<16xi32>
        %get3A_1623 = arith.constant 37 : i32
        %get3A_1624 = arith.index_cast %scan3A_27 : i32 to index
        %get3A_1625 = arith.index_cast %get3A_1623 : i32 to index
        %get3A_1626 = arith.index_cast %add3A_1267 : i32 to index
        %get3A_1627 = tpu.vector_load %arg7[%get3A_1624, %get3A_1625, %get3A_1626] {strides = array<i32>} : memref<7x48x64xf32, #tpu.memory_space<vmem>>, vector<16xf32>,
        tpu.vector_store_idx %arg10[%broadcast_in_dim3A_13, %broadcast_in_dim3A_13, %broadcast_in_dim3A_1620, %broadcast_in_dim3A_13, %broadcast_in_dim3A_1622, %add3A_1276], %get3A_1627 : memref<1x1x5x1x2x64xf32, #tpu.memory_space<vmem>>[vector<16xi32>, vector<16xi32>, vector<16xi32>, vector<16xi32>, vector<16xi32>, vector<16xi32>], vector<16xf32>,
        %broadcast_in_dim3A_1628 = arith.constant 3 : i32
        %broadcast_in_dim3A_1629 = vector.broadcast %broadcast_in_dim3A_1628 : i32 to vector<16xi32>
        %broadcast_in_dim3A_1630 = arith.constant 1 : i32
        %broadcast_in_dim3A_1631 = vector.broadcast %broadcast_in_dim3A_1630 : i32 to vector<16xi32>
        tpu.vector_store_idx %arg9[%broadcast_in_dim3A_13, %broadcast_in_dim3A_13, %broadcast_in_dim3A_1629, %broadcast_in_dim3A_13, %broadcast_in_dim3A_1631, %add3A_1276], %get3A_1321 : memref<1x1x5x1x2x64xf32, #tpu.memory_space<vmem>>[vector<16xi32>, vector<16xi32>, vector<16xi32>, vector<16xi32>, vector<16xi32>, vector<16xi32>], vector<16xf32>,
        %broadcast_in_dim3A_1632 = arith.constant 3 : i32
        %broadcast_in_dim3A_1633 = vector.broadcast %broadcast_in_dim3A_1632 : i32 to vector<16xi32>
        %broadcast_in_dim3A_1634 = arith.constant 1 : i32
        %broadcast_in_dim3A_1635 = vector.broadcast %broadcast_in_dim3A_1634 : i32 to vector<16xi32>
        %get3A_1636 = arith.constant 38 : i32
        %get3A_1637 = arith.index_cast %scan3A_27 : i32 to index
        %get3A_1638 = arith.index_cast %get3A_1636 : i32 to index
        %get3A_1639 = arith.index_cast %add3A_1267 : i32 to index
        %get3A_1640 = tpu.vector_load %arg7[%get3A_1637, %get3A_1638, %get3A_1639] {strides = array<i32>} : memref<7x48x64xf32, #tpu.memory_space<vmem>>, vector<16xf32>,
        tpu.vector_store_idx %arg10[%broadcast_in_dim3A_13, %broadcast_in_dim3A_13, %broadcast_in_dim3A_1633, %broadcast_in_dim3A_13, %broadcast_in_dim3A_1635, %add3A_1276], %get3A_1640 : memref<1x1x5x1x2x64xf32, #tpu.memory_space<vmem>>[vector<16xi32>, vector<16xi32>, vector<16xi32>, vector<16xi32>, vector<16xi32>, vector<16xi32>], vector<16xf32>,
        %broadcast_in_dim3A_1641 = arith.constant 4 : i32
        %broadcast_in_dim3A_1642 = vector.broadcast %broadcast_in_dim3A_1641 : i32 to vector<16xi32>
        %broadcast_in_dim3A_1643 = arith.constant 1 : i32
        %broadcast_in_dim3A_1644 = vector.broadcast %broadcast_in_dim3A_1643 : i32 to vector<16xi32>
        tpu.vector_store_idx %arg9[%broadcast_in_dim3A_13, %broadcast_in_dim3A_13, %broadcast_in_dim3A_1642, %broadcast_in_dim3A_13, %broadcast_in_dim3A_1644, %add3A_1276], %select_n3A_1523 : memref<1x1x5x1x2x64xf32, #tpu.memory_space<vmem>>[vector<16xi32>, vector<16xi32>, vector<16xi32>, vector<16xi32>, vector<16xi32>, vector<16xi32>], vector<16xf32>,
        %broadcast_in_dim3A_1645 = arith.constant 4 : i32
        %broadcast_in_dim3A_1646 = vector.broadcast %broadcast_in_dim3A_1645 : i32 to vector<16xi32>
        %broadcast_in_dim3A_1647 = arith.constant 1 : i32
        %broadcast_in_dim3A_1648 = vector.broadcast %broadcast_in_dim3A_1647 : i32 to vector<16xi32>
        %get3A_1649 = arith.constant 39 : i32
        %get3A_1650 = arith.index_cast %scan3A_27 : i32 to index
        %get3A_1651 = arith.index_cast %get3A_1649 : i32 to index
        %get3A_1652 = arith.index_cast %add3A_1267 : i32 to index
        %get3A_1653 = tpu.vector_load %arg7[%get3A_1650, %get3A_1651, %get3A_1652] {strides = array<i32>} : memref<7x48x64xf32, #tpu.memory_space<vmem>>, vector<16xf32>,
        tpu.vector_store_idx %arg10[%broadcast_in_dim3A_13, %broadcast_in_dim3A_13, %broadcast_in_dim3A_1646, %broadcast_in_dim3A_13, %broadcast_in_dim3A_1648, %add3A_1276], %get3A_1653 : memref<1x1x5x1x2x64xf32, #tpu.memory_space<vmem>>[vector<16xi32>, vector<16xi32>, vector<16xi32>, vector<16xi32>, vector<16xi32>, vector<16xi32>], vector<16xf32>,
        %gt3A_1654 = arith.constant 4.000000e+00 : f32
        %gt3A_1655 = vector.broadcast %gt3A_1654 : f32 to vector<16xf32>
        %gt3A_1656 = arith.cmpf ogt, %gather3A_1509, %gt3A_1655 : vector<16xf32>
        %select_n3A_1657 = arith.select %gt3A_1656, %broadcast_in_dim3A_9, %broadcast_in_dim3A_11 : vector<16xi1>, vector<16xi32>
        %select_n3A_1658 = arith.select %gt3A_1519, %broadcast_in_dim3A_9, %broadcast_in_dim3A_11 : vector<16xi1>, vector<16xi32>
        %and3A_1659 = arith.andi %gt3A_1519, %or3A_1501 : vector<16xi1>
        %select_n3A_1660 = arith.select %and3A_1659, %broadcast_in_dim3A_11, %select_n3A_1657 : vector<16xi1>, vector<16xi32>
        %not3A_1661 = arith.constant dense<true> : vector<16xi1>
        %not3A_1662 = arith.xori %or3A_1501, %not3A_1661 : vector<16xi1>
        %and3A_1663 = arith.andi %gt3A_1519, %not3A_1662 : vector<16xi1>
        %select_n3A_1664 = arith.select %and3A_1663, %broadcast_in_dim3A_11, %select_n3A_1658 : vector<16xi1>, vector<16xi32>
        tpu.vector_store_idx %arg11[%broadcast_in_dim3A_13, %broadcast_in_dim3A_13, %broadcast_in_dim3A_13, %broadcast_in_dim3A_13, %add3A_1276], %select_n3A_1660 : memref<2x1x2x1x64xi32, #tpu.memory_space<vmem>>[vector<16xi32>, vector<16xi32>, vector<16xi32>, vector<16xi32>, vector<16xi32>], vector<16xi32>,
        tpu.vector_store_idx %arg11[%broadcast_in_dim3A_13, %broadcast_in_dim3A_13, %broadcast_in_dim3A_9, %broadcast_in_dim3A_13, %add3A_1276], %select_n3A_1664 : memref<2x1x2x1x64xi32, #tpu.memory_space<vmem>>[vector<16xi32>, vector<16xi32>, vector<16xi32>, vector<16xi32>, vector<16xi32>], vector<16xi32>,
        %sub3A_1665 = arith.subi %broadcast_in_dim3A_9, %select_n3A_1660 : vector<16xi32>
        tpu.vector_store_idx %arg11[%broadcast_in_dim3A_9, %broadcast_in_dim3A_13, %broadcast_in_dim3A_13, %broadcast_in_dim3A_13, %add3A_1276], %sub3A_1665 : memref<2x1x2x1x64xi32, #tpu.memory_space<vmem>>[vector<16xi32>, vector<16xi32>, vector<16xi32>, vector<16xi32>, vector<16xi32>], vector<16xi32>,
        %sub3A_1666 = arith.subi %broadcast_in_dim3A_9, %select_n3A_1664 : vector<16xi32>
        tpu.vector_store_idx %arg11[%broadcast_in_dim3A_9, %broadcast_in_dim3A_13, %broadcast_in_dim3A_9, %broadcast_in_dim3A_13, %add3A_1276], %sub3A_1666 : memref<2x1x2x1x64xi32, #tpu.memory_space<vmem>>[vector<16xi32>, vector<16xi32>, vector<16xi32>, vector<16xi32>, vector<16xi32>], vector<16xi32>,
        %mul3A_1667 = arith.constant 2 : i32
        %mul3A_1668 = arith.muli %mul3A_42, %mul3A_1667 : i32
        "tpu.region"() ({
          %run_scoped3A = tpu.sem_alloc : memref<!tpu.dma_semaphore, #tpu.memory_space<semaphore_mem>>
          %dma_start3A = arith.constant 0 : i32
          %dma_start3A_1675 = arith.constant 0 : i32
          %dma_start3A_1676 = tpu.memref_slice %arg4[%div3A_34, %rem3A_36, %dma_start3A, %div3A_38, %dma_start3A_1675, %mul3A_1668] : memref<7x7x5x4x2x128xf32, #tpu.memory_space<hbm>> -> memref<1x1x5x1x2x64xf32, #tpu.memory_space<hbm>>
          %dma_start3A_1677 = arith.constant 0 : i32
          %dma_start3A_1678 = arith.constant 0 : i32
          %dma_start3A_1679 = tpu.memref_slice %arg4[%div3A_34, %rem3A_36, %dma_start3A_1677, %div3A_38, %dma_start3A_1678, %mul3A_1668] : memref<7x7x5x4x2x128xf32, #tpu.memory_space<hbm>> -> memref<1x1x5x1x2x64xf32, #tpu.memory_space<hbm>>
          tpu.enqueue_dma source(%arg9 : memref<1x1x5x1x2x64xf32, #tpu.memory_space<vmem>>) target(%dma_start3A_1679 : memref<1x1x5x1x2x64xf32, #tpu.memory_space<hbm>>) target_semaphore(%run_scoped3A : memref<!tpu.dma_semaphore, #tpu.memory_space<semaphore_mem>>)
          %dma_wait3A_1680 = arith.constant 0 : i32
          %dma_wait3A_1681 = arith.constant 0 : i32
          %dma_wait3A_1682 = tpu.memref_slice %arg4[%div3A_34, %rem3A_36, %dma_wait3A_1680, %div3A_38, %dma_wait3A_1681, %mul3A_1668] : memref<7x7x5x4x2x128xf32, #tpu.memory_space<hbm>> -> memref<1x1x5x1x2x64xf32, #tpu.memory_space<hbm>>
          %dma_wait3A_1683 = arith.constant 0 : i32
          %dma_wait3A_1684 = arith.constant 0 : i32
          %dma_wait3A_1685 = tpu.memref_slice %arg4[%div3A_34, %rem3A_36, %dma_wait3A_1683, %div3A_38, %dma_wait3A_1684, %mul3A_1668] : memref<7x7x5x4x2x128xf32, #tpu.memory_space<hbm>> -> memref<1x1x5x1x2x64xf32, #tpu.memory_space<hbm>>
          tpu.wait_dma2 semaphore(%run_scoped3A : memref<!tpu.dma_semaphore, #tpu.memory_space<semaphore_mem>>) src(%arg9 : memref<1x1x5x1x2x64xf32, #tpu.memory_space<vmem>>) dst(%dma_wait3A_1685 : memref<1x1x5x1x2x64xf32, #tpu.memory_space<hbm>>)
          tpu.yield
        }) : () -> ()
        %add3A_1669 = arith.constant 2 : i32
        %add3A_1670 = arith.addi %add3A_1669, %div3A_38 : i32
        %mul3A_1671 = arith.constant 2 : i32
        %mul3A_1672 = arith.muli %mul3A_42, %mul3A_1671 : i32
        "tpu.region"() ({
          %run_scoped3A = tpu.sem_alloc : memref<!tpu.dma_semaphore, #tpu.memory_space<semaphore_mem>>
          %dma_start3A = arith.constant 0 : i32
          %dma_start3A_1675 = arith.constant 0 : i32
          %dma_start3A_1676 = tpu.memref_slice %arg4[%div3A_34, %rem3A_36, %dma_start3A, %add3A_1670, %dma_start3A_1675, %mul3A_1672] : memref<7x7x5x4x2x128xf32, #tpu.memory_space<hbm>> -> memref<1x1x5x1x2x64xf32, #tpu.memory_space<hbm>>
          %dma_start3A_1677 = arith.constant 0 : i32
          %dma_start3A_1678 = arith.constant 0 : i32
          %dma_start3A_1679 = tpu.memref_slice %arg4[%div3A_34, %rem3A_36, %dma_start3A_1677, %add3A_1670, %dma_start3A_1678, %mul3A_1672] : memref<7x7x5x4x2x128xf32, #tpu.memory_space<hbm>> -> memref<1x1x5x1x2x64xf32, #tpu.memory_space<hbm>>
          tpu.enqueue_dma source(%arg10 : memref<1x1x5x1x2x64xf32, #tpu.memory_space<vmem>>) target(%dma_start3A_1679 : memref<1x1x5x1x2x64xf32, #tpu.memory_space<hbm>>) target_semaphore(%run_scoped3A : memref<!tpu.dma_semaphore, #tpu.memory_space<semaphore_mem>>)
          %dma_wait3A_1680 = arith.constant 0 : i32
          %dma_wait3A_1681 = arith.constant 0 : i32
          %dma_wait3A_1682 = tpu.memref_slice %arg4[%div3A_34, %rem3A_36, %dma_wait3A_1680, %add3A_1670, %dma_wait3A_1681, %mul3A_1672] : memref<7x7x5x4x2x128xf32, #tpu.memory_space<hbm>> -> memref<1x1x5x1x2x64xf32, #tpu.memory_space<hbm>>
          %dma_wait3A_1683 = arith.constant 0 : i32
          %dma_wait3A_1684 = arith.constant 0 : i32
          %dma_wait3A_1685 = tpu.memref_slice %arg4[%div3A_34, %rem3A_36, %dma_wait3A_1683, %add3A_1670, %dma_wait3A_1684, %mul3A_1672] : memref<7x7x5x4x2x128xf32, #tpu.memory_space<hbm>> -> memref<1x1x5x1x2x64xf32, #tpu.memory_space<hbm>>
          tpu.wait_dma2 semaphore(%run_scoped3A : memref<!tpu.dma_semaphore, #tpu.memory_space<semaphore_mem>>) src(%arg10 : memref<1x1x5x1x2x64xf32, #tpu.memory_space<vmem>>) dst(%dma_wait3A_1685 : memref<1x1x5x1x2x64xf32, #tpu.memory_space<hbm>>)
          tpu.yield
        }) : () -> ()
        %mul3A_1673 = arith.constant 64 : i32
        %mul3A_1674 = arith.muli %mul3A_1673, %rem3A_32 : i32
        "tpu.region"() ({
          %run_scoped3A = tpu.sem_alloc : memref<!tpu.dma_semaphore, #tpu.memory_space<semaphore_mem>>
          %dma_start3A = arith.constant 0 : i32
          %dma_start3A_1675 = arith.constant 0 : i32
          %dma_start3A_1676 = tpu.memref_slice %arg5[%dma_start3A, %div3A_34, %dma_start3A_1675, %rem3A_36, %mul3A_1674] : memref<2x7x2x7x256xi32, #tpu.memory_space<hbm>> -> memref<2x1x2x1x64xi32, #tpu.memory_space<hbm>>
          %dma_start3A_1677 = arith.constant 0 : i32
          %dma_start3A_1678 = arith.constant 0 : i32
          %dma_start3A_1679 = tpu.memref_slice %arg5[%dma_start3A_1677, %div3A_34, %dma_start3A_1678, %rem3A_36, %mul3A_1674] : memref<2x7x2x7x256xi32, #tpu.memory_space<hbm>> -> memref<2x1x2x1x64xi32, #tpu.memory_space<hbm>>
          tpu.enqueue_dma source(%arg11 : memref<2x1x2x1x64xi32, #tpu.memory_space<vmem>>) target(%dma_start3A_1679 : memref<2x1x2x1x64xi32, #tpu.memory_space<hbm>>) target_semaphore(%run_scoped3A : memref<!tpu.dma_semaphore, #tpu.memory_space<semaphore_mem>>)
          %dma_wait3A_1680 = arith.constant 0 : i32
          %dma_wait3A_1681 = arith.constant 0 : i32
          %dma_wait3A_1682 = tpu.memref_slice %arg5[%dma_wait3A_1680, %div3A_34, %dma_wait3A_1681, %rem3A_36, %mul3A_1674] : memref<2x7x2x7x256xi32, #tpu.memory_space<hbm>> -> memref<2x1x2x1x64xi32, #tpu.memory_space<hbm>>
          %dma_wait3A_1683 = arith.constant 0 : i32
          %dma_wait3A_1684 = arith.constant 0 : i32
          %dma_wait3A_1685 = tpu.memref_slice %arg5[%dma_wait3A_1683, %div3A_34, %dma_wait3A_1684, %rem3A_36, %mul3A_1674] : memref<2x7x2x7x256xi32, #tpu.memory_space<hbm>> -> memref<2x1x2x1x64xi32, #tpu.memory_space<hbm>>
          tpu.wait_dma2 semaphore(%run_scoped3A : memref<!tpu.dma_semaphore, #tpu.memory_space<semaphore_mem>>) src(%arg11 : memref<2x1x2x1x64xi32, #tpu.memory_space<vmem>>) dst(%dma_wait3A_1685 : memref<2x1x2x1x64xi32, #tpu.memory_space<hbm>>)
          tpu.yield
        }) : () -> ()
      }
      %scan3A_26 = arith.constant 7 : i32
    } else {
    }
    return
  }
}

</mosaic_0001>

<sc_bundles>
// kernel: kernel.3.cloned.1.call-start
scs
__scs_entry_jumppad:
0x0: {  	(pc) =	sbr.rel $0x88, $3  }
0x1: {  	(tag) =	ssettag $0x0;
	lr =	simm.s32 $0x1  }
0x2: {  	[smem:$0x3F9F] =	sst lr;
	_ =	strace $0xD0000000  }
0x3: {  	_ = 	snop  }
0x4: {  	_ = 	snop  }
0x5: {  	_ = 	snop  }
0x6: {  	_ = 	snop  }
0x7: {  	_ = 	snop  }
__scs_overlays_trampoline_lowered:
0x8: {  	[smem:$0x3FAE] =	sst s0  }
0x9: {  	[smem:$0x3FAF] =	sst s1  }
0xa: {  	[smem:$0x3FB0] =	sst s2  }
0xb: {  	[smem:$0x3FB1] =	sst s3  }
0xc: {  	[smem:$0x3FB2] =	sst s4  }
0xd: {  	[smem:$0x3FB3] =	sst s5  }
0xe: {  	[smem:$0x3FB4] =	sst s6  }
0xf: {  	[smem:$0x3FB5] =	sst s7  }
0x10: {  	[smem:$0x3FB6] =	sst s8  }
0x11: {  	[smem:$0x3FB7] =	sst s9;
	s0 =	simm.s32 @!p0 $0x0  }
0x12: {  	s1 =	sld [smem:$0x3F9D];
	s0 =	simm.s32 @p0 $0x1  }
0x13: {  	[smem:$0x3FB8] =	sst s0;
	s0 =	simm.s32 @!p1 $0x0  }
0x14: {  	s2 =	sld [smem:$0x3F9C];
	s0 =	simm.s32 @p1 $0x1  }
0x15: {  	[smem:$0x3FB9] =	sst s0;
	s0 =	simm.s32 @!p2 $0x0  }
0x16: {  	s3 =	sld [smem:$0x3FDB];
	s0 =	simm.s32 @p2 $0x1  }
0x17: {  	s4 =	simm.s32 $0x1BF5;
	[smem:$0x3FBB] =	sst s0  }
0x18: {  	s0 =	sld [smem:$0x3F9E];
	_ =	swait.ge [sflag:s4], $0x0  }
0x19: {  	s7 =	sld [smem:$0x3F9F]  }
0x1a: {  	s8 =	sadd.s32 $0xFFFFE003, lr  }
0x1b: {  	s9 =	sadd.s32 $0xFFFFFEF7, lr;
	s5 =	simm.s32 $0xFFFFFFFF;
	p2 =	slt.u32 s8, $0xFFFFF086  }
0x1c: {  	p1 =	slt.u32 s9, $0xF7A;
	s5 =	simm.s32 @!p2 $0x0  }
0x1d: {  	s5 =	simm.s32 @p1 $0x1;
	p0 =	seq.s32 s7, s2  }
0x1e: {  	s7 =	smul.u32 @!p0 $0xF7A, s2;
	p2 =	seq.s32 @!p0 s5, $0x0  }
0x1f: {  	s9 =	smul.u32 $0xF7A, s1;
	s8 =	simm.s32 @!p0 $0x1BF5;
	p2 =	por !p2, p0  }
0x20: {  	[sflag:s8] =	ssyncset.s32 @!p0 $0xFFFFF086;
	s6 =	sadd.s32 @!p0 s3, s7;
	s7 =	simm.s32 @!p0 $0x108  }
0x21: {  	s3 =	sadd.s32 s3, s9;
	s6 =	sadd.s32 @!p0 $0x88, s6;
	s7 =	simm.s32 @p2 $0x1082  }
0x22: {  	[simem:s7], [sflag:s8] =	dma.local @!p0 [hbm:s6], $0xF7A  }
0x23: {  	s9 =	sor.u32 $0xD0000000, s2;
	s6 =	simm.s32 $0x108;
	_ =	swait.ge @!p0 [sflag:s8], $0x0  }
0x24: {  	s3 =	sadd.s32 $0x88, s3;
	s6 =	simm.s32 @!p1 $0x1082;
	[sflag:s4] =	ssyncset.s32 $0xFFFFF086  }
0x25: {  	[simem:s6], [sflag:s4] =	dma.local [hbm:s3], $0xF7A  }
0x26: {  	[smem:$0x3F9F] =	sst s1;
	(tag) =	ssettag s2;
	_ =	strace s9  }
0x27: {  	s1 =	sld [smem:$0x3FAF]  }
0x28: {  	s2 =	sld [smem:$0x3FB0]  }
0x29: {  	s4 =	sld [smem:$0x3FB2]  }
0x2a: {  	p0 =	seq.s32 s5, $0x0;
	s5 =	sld [smem:$0x3FB3]  }
0x2b: {  	s6 =	sld [smem:$0x3FB4]  }
0x2c: {  	s7 =	sld [smem:$0x3FB5]  }
0x2d: {  	s3 =	simm.s32 $0x108;
	s8 =	sld [smem:$0x3FB6]  }
0x2e: {  	s3 =	simm.s32 @!p0 $0x1082;
	s9 =	sld [smem:$0x3FB7]  }
0x2f: {  	lr =	sadd.s32 s0, s3;
	s0 =	sld [smem:$0x3FAE]  }
0x30: {  	s3 =	sld [smem:$0x3FB1]  }
0x31: {  	[smem:$0x3FBA] =	sst s10  }
0x32: {  	s10 =	sld [smem:$0x3FB8];
	_ =	sdelay $0x3  }
0x33: {  	p0 =	seq.s32 s10, $0x1;
	s10 =	sld [smem:$0x3FBA];
	_ =	sdelay $0x3  }
0x34: {  	[smem:$0x3FBA] =	sst s10  }
0x35: {  	s10 =	sld [smem:$0x3FB9];
	_ =	sdelay $0x3  }
0x36: {  	p1 =	seq.s32 s10, $0x1;
	s10 =	sld [smem:$0x3FBA];
	_ =	sdelay $0x3  }
0x37: {  	[smem:$0x3FBA] =	sst s10  }
0x38: {  	s10 =	sld [smem:$0x3FBB]  }
0x39: {  	_ = 	snop;
	(pc) =	sbr.ind lr, $3  }
0x3a: {  	_ = 	snop  }
0x3b: {  	_ = 	snop  }
0x3c: {  	p2 =	seq.s32 s10, $0x1;
	s10 =	sld [smem:$0x3FBA]  }
0x3d: {  	_ =	shalt  }
0x3e: {  	_ =	shalt  }
0x3f: {  	_ =	shalt  }
0x40: {  	_ =	shalt  }
0x41: {  	_ =	shalt  }
0x42: {  	_ =	shalt  }
0x43: {  	_ =	shalt  }
0x44: {  	_ =	shalt  }
0x45: {  	_ =	shalt  }
0x46: {  	_ =	shalt  }
0x47: {  	_ =	shalt  }
0x48: {  	_ =	shalt  }
0x49: {  	_ =	shalt  }
0x4a: {  	_ =	shalt  }
0x4b: {  	_ =	shalt  }
0x4c: {  	_ =	shalt  }
0x4d: {  	_ =	shalt  }
0x4e: {  	_ =	shalt  }
0x4f: {  	_ =	shalt  }
0x50: {  	_ =	shalt  }
0x51: {  	_ =	shalt  }
0x52: {  	_ =	shalt  }
0x53: {  	_ =	shalt  }
0x54: {  	_ =	shalt  }
0x55: {  	_ =	shalt  }
0x56: {  	_ =	shalt  }
0x57: {  	_ =	shalt  }
0x58: {  	_ =	shalt  }
0x59: {  	_ =	shalt  }
0x5a: {  	_ =	shalt  }
0x5b: {  	_ =	shalt  }
0x5c: {  	_ =	shalt  }
0x5d: {  	_ =	shalt  }
0x5e: {  	_ =	shalt  }
0x5f: {  	_ =	shalt  }
0x60: {  	_ =	shalt  }
0x61: {  	_ =	shalt  }
0x62: {  	_ =	shalt  }
0x63: {  	_ =	shalt  }
0x64: {  	_ =	shalt  }
0x65: {  	_ =	shalt  }
0x66: {  	_ =	shalt  }
0x67: {  	_ =	shalt  }
0x68: {  	_ =	shalt  }
0x69: {  	_ =	shalt  }
0x6a: {  	_ =	shalt  }
0x6b: {  	_ =	shalt  }
0x6c: {  	_ =	shalt  }
0x6d: {  	_ =	shalt  }
0x6e: {  	_ =	shalt  }
0x6f: {  	_ =	shalt  }
0x70: {  	_ =	shalt  }
0x71: {  	_ =	shalt  }
0x72: {  	_ =	shalt  }
0x73: {  	_ =	shalt  }
0x74: {  	_ =	shalt  }
0x75: {  	_ =	shalt  }
0x76: {  	_ =	shalt  }
0x77: {  	_ =	shalt  }
0x78: {  	_ =	shalt  }
0x79: {  	_ =	shalt  }
0x7a: {  	_ =	shalt  }
0x7b: {  	_ =	shalt  }
0x7c: {  	_ =	shalt  }
0x7d: {  	_ =	shalt  }
0x7e: {  	_ =	shalt  }
0x7f: {  	_ =	shalt  }
0x80: {  	_ =	shalt  }
0x81: {  	_ =	shalt  }
0x82: {  	_ =	shalt  }
0x83: {  	_ =	shalt  }
0x84: {  	_ =	shalt  }
0x85: {  	_ =	shalt  }
0x86: {  	_ =	shalt  }
0x87: {  	_ =	shalt  }
.Lfunc_end0:
.L_simem_size_0:
called_computation_lowered:
.L_overlay_start_0:
0x88: {  	s2 =	sld [smem:$0x3FD9]  }
0x89: {  	s3 =	sld [smem:$0x3FFE];
	_ =	sdelay $0x1  }
0x8a: {  	s1 =	srdreg.scid  }
0x8b: {  	s0 =	sand.u32 $0x1, s1  }
0x8c: {  	s14 =	sshll.u32 s0, $0xA;
	s2 =	sadd.s32 s3, s2  }
0x8d: {  	s2 =	sadd.s32 s2, s14  }
0x8e: {  	[smem:$0x3FC6] =	sst s2  }
0x8f: {  	_ = 	snop  }
0x90: {  	s2 =	sld [smem:$0x3FD0];
	_ =	sdelay $0x2  }
0x91: {  	s15 =	simm.s32 $0xA;
	s4 =	simm.s32 $0x10  }
0x92: {  	[smem:s4], [sflag:s15] =	dma.local [hbm:s2], $0x1  }
0x93: {  	_ =	swait.eq [sflag:s15], $0x1  }
0x94: {  	[sflag:s15] =	ssyncset.done $0x0  }
0x95: {  	[sflag:s15] =	ssyncadd.s32 $0xFFFFFFFF  }
0x96: {  	s16 =	sld [smem:$0x10];
	(tm) =	ssettm $0x1  }
0x97: {  	s17 =	sld [smem:$0x3FFB];
	_ =	sdelay $0x3  }
0x98: {  	_ =	strace s17  }
0x99: {  	s3 =	sld [smem:$0x3FFC];
	_ =	sdelay $0x3  }
0x9a: {  	_ =	strace s3  }
0x9b: {  	s3 =	sld [smem:$0x3FFD];
	_ =	sdelay $0x3  }
0x9c: {  	_ =	strace s3  }
0x9d: {  	_ =	strace $0x8FFFFFFF  }
0x9e: {  	s18 =	sld [smem:$0x3FDB];
	_ =	sdelay $0x1  }
0x9f: {  	s19 =	simm.s32 $_scs_section_size  }
0xa0: {  	s5 =	simm.s32 $_size__tile_overlayer_lowered;
	s6 =	simm.s32 $_tile_overlayer_lowered  }
0xa1: {  	s22 =	simm.s32 $0x1BFF;
	s21 =	sshll.u32 s6, $0x1;
	s3 =	sadd.s32 s19, s18  }
0xa2: {  	s7 =	simm.s32 $0x0;
	s20 =	sshll.u32 s5, $0x1;
	s5 =	sadd.s32 s21, s3  }
0xa3: {  	[timem:s7], [sflag:s22] =	dma.local [hbm:s5], s20  }
0xa4: {  	_ =	swait.ge [sflag:s22], s20  }
0xa5: {  	s4 =	ssub.s32 $0x0, s20;
	[sflag:s22] =	ssyncset.done $0x0  }
0xa6: {  	[sflag:s22] =	ssyncadd.s32 s4;
	_ =	sdelay $0x1  }
0xa7: {  	s23 =	simm.s32 $0x1B8B  }
0xa8: {  	_ =	swait.ge [sflag:s23], $0x1  }
0xa9: {  	[sflag:s23] =	ssyncset.done $0x0  }
0xaa: {  	s25 =	simm.s32 $0x1B8E;
	s24 =	sld [smem:$0x3FFE];
	[sflag:s23] =	ssyncadd.s32 $0xFFFFFFFF  }
0xab: {  	s26 =	simm.s32 $execute0_lowered;
	[smem:$0x3FD2] =	sst s25  }
0xac: {  	s5 =	sshll.u32 s26, $0x1;
	_ =	strace $0x80000046;
	[dreg:$0x1] =	wrdreg $0xFFFFFFFF  }
0xad: {  	s28 =	simm.s32 $_size_execute0_lowered;
	s3 =	sadd.s32 s3, s5;
	[dreg:$0x0] =	wrdreg $0x0  }
0xae: {  	s5 =	sshll.u32 s28, $0x1;
	[dreg:$0x2] =	wrdreg s3  }
0xaf: {  	[dreg:$0x3] =	wrdreg s5  }
0xb0: {  	[dreg:$0x4] =	wrdreg $0xC0  }
0xb1: {  	_ =	task [dreg:s7], $0x5FFFF  }
0xb2: {  	[dreg:$0x1] =	wrdreg $0xFFFFFFFF  }
0xb3: {  	[dreg:$0x0] =	wrdreg $0x60  }
0xb4: {  	[dreg:$0x2] =	wrdreg s24  }
0xb5: {  	[dreg:$0x3] =	wrdreg s16  }
0xb6: {  	[dreg:$0x4] =	wrdreg $0x9  }
0xb7: {  	_ =	task.clear_ibuf [dreg:s7], $0x5FFFF;
	_ =	strace $0x90000046  }
0xb8: {  	s29 =	simm.s32 $0x9;
	_ =	strace $0x80000048  }
0xb9: {  	_ =	swait.ge [sflag:s29], $0x1  }
0xba: {  	[sflag:s29] =	ssyncadd.s32 $0xFFFFFFFF  }
0xbb: {  	_ =	strace $0x90000048  }
0xbc: {  	_ =	sfence  }
0xbd: {  	s30 =	sld [smem:$0x0];
	_ =	sdelay $0x2  }
0xbe: {  	s31 =	sshll.u32 s1, $0xD;
	s1 =	sshrl.u32 s1, $0x2  }
0xbf: {  	s3 =	sand.u32 $0x4000, s31;
	s1 =	sadd.s32 s1, s30  }
0xc0: {  	s0 =	sor.u32 s3, s0;
	s1 =	sshll.u32 s1, $0x11  }
0xc1: {  	s0 =	sor.u32 s1, s0  }
0xc2: {  	s0 =	sadd.s32 $0x8F2B, s0  }
0xc3: {  	[sflag:s0] =	ssyncadd.remote.s32 $0x1  }
0xc4: {  	_ =	sfence.sel $0xFFFF  }
0xc5: {  	[dreg:$0x0] =	wrdreg $0xFFFFFFFF;
	(pc) =	sbr.abs _section_cstart, $3  }
0xc6: {  	[dreg:$0x1] =	wrdreg $0xFFFFFFFF  }
0xc7: {  	_ =	task.clear_ibuf [dreg:s7], $0x2FFFF;
	_ =	strace $0x9FFFFFFF  }
0xc8: {  	(tm) =	ssettm $0x7FFFFFFF  }
0xc9: {  	_ =	shalt  }
tec
execute0_lowered:
.L_overlay_start_1:
0x0: {  	(tag) =	ssettag $0x1  }
0x1: {  	s31 =	stileid.u32  }
0x2: {  	p0 =	sgt.u32 s31, $0xD  }
.Ltmp0:
0x3: {  	_ = 	snop;
	(pc) =	sbr.rel @p0 .LBB2_7-.Ltmp0, $4  }
0x4: {  	s1 =	rddreg [dreg:$0x1]  }
0x5: {  	s5 =	simm.s32 $0x0;
	[dreg:$0x7] =	wrdreg s1  }
0x6: {  	[smem:$0x7FF] =	sst s5  }
0x7: {  	s0 =	rddreg [dreg:$0x0];
	_ =	strace $0x80000047  }
0x8: {  	v0 =	vimm.s32 $0x76543210  }
0x9: {  	v1 =	vimm.s32 $0x908;
	vm0 =	vcmask $0x1F00;
	vm1 =	vcmask $0x2F2C  }
0xa: {  	vm2 =	vcmask $0x3330;
	vm3 =	vcmask $0x3734;
	vm4 =	vcmask $0x3B38  }
0xb: {  	vm5 =	vcmask $0xB08;
	vm6 =	vcmask $0x1310;
	vm7 =	vcmask $0x1B18  }
0xc: {  	vm8 =	vcmask $0x300;
	v2 =	vlaneseq.u32;
	vm9 =	vcmask $0x2320  }
0xd: {  	v4 =	vimm.s32 $0xC080400;
	vm10 =	vmmov $0xff;
	vm11 =	vcmask $0x704  }
0xe: {  	vm12 =	vcmask $0xF0C;
	vm13 =	vcmask $0x1714;
	vm15 =	vcmask $0xF00  }
0xf: {  	v5 =	vimm.s32 $0x1EB;
	v6 =	vimm.s32 $0x32107654;
	v7 =	vimm.s32 $0x1C181410  }
0x10: {  	vm14 =	vcmask $0x1F10;
	v8 =	vimm.s32 $0x1F3;
	v16 =	vimm.s32 $0x0  }
0x11: {  	v0 =	vunpack.c.l.s4.s8 v0;
	v3 =	vunpack.c.0.s8.s32 v1;
	v1 =	vimm.s32 $0xECA86420  }
0x12: {  	v2 =	vmul.u32 $0x2, v2;
	v4 =	vunpack.c.0.s8.s32 v4;
	v5 =	vsel vm8, $0x1F0, v5  }
0x13: {  	v6 =	vunpack.c.l.s4.s8 v6;
	v7 =	vunpack.c.0.s8.s32 v7;
	v1 =	vunpack.c.l.s4.s8 v1  }
0x14: {  	v5 =	vsel vm11, $0x1F1, v5;
	v0 =	vunpack.c.0.s8.s32 v0;
	v4 =	vnsel vm15, $0x24, v4  }
0x15: {  	v5 =	vsel vm5, $0x1F2, v5;
	v6 =	vunpack.c.0.s8.s32 v6;
	v9 =	vor.u32 $0xC0, v2  }
0x16: {  	v21 =	vor.u32 $0x140, v2;
	v22 =	vor.u32 $0x180, v2;
	v23 =	vor.u32 $0x1C0, v2  }
0x17: {  	v24 =	vor.u32 $0x200, v2;
	v25 =	vor.u32 $0x100, v2;
	v26 =	vor.u32 $0x240, v2  }
0x18: {  	v17 =	vor.u32 $0x20, v2;
	v18 =	vor.u32 $0x60, v2;
	v19 =	vor.u32 $0xA0, v2  }
0x19: {  	v20 =	vor.u32 $0xE0, v2;
	v31 =	vor.u32 $0x160, v2;
	v32 =	vor.u32 $0x1A0, v2  }
0x1a: {  	v33 =	vor.u32 $0x1E0, v2;
	v34 =	vor.u32 $0x220, v2;
	v35 =	vor.u32 $0x120, v2  }
0x1b: {  	s1 =	sadd.s32 $0xC00, s0;
	v36 =	vor.u32 $0x260, v2;
	v27 =	vor.u32 $0x1, v2;
	v28 =	vor.u32 $0x41, v2  }
0x1c: {  	s15 =	sadd.s32 $0xC400, s0;
	[dreg:$0x3] =	wrdreg s1;
	v29 =	vor.u32 $0x81, v2;
	v30 =	vor.u32 $0xC1, v2;
	v41 =	vor.u32 $0x141, v2  }
0x1d: {  	s16 =	sadd.s32 $0x17C00, s0;
	[dreg:$0x5] =	wrdreg s15;
	v42 =	vor.u32 $0x181, v2;
	v43 =	vor.u32 $0x1C1, v2;
	v44 =	vor.u32 $0x201, v2  }
0x1e: {  	s3 =	simm.s32 $0x30;
	[dreg:$0x8] =	wrdreg s16;
	v45 =	vor.u32 $0x101, v2;
	v37 =	vor.u32 $0x241, v2;
	v38 =	vor.u32 $0x21, v2  }
0x1f: {  	s19 =	simm.s32 $0x10;
	[dreg:$0x4] =	wrdreg s3;
	v39 =	vor.u32 $0x61, v2;
	v10 =	vor.u32 $0x161, v2;
	v11 =	vor.u32 $0x1E1, v2  }
0x20: {  	s21 =	simm.s32 $0x1;
	[dreg:$0x6] =	wrdreg s19;
	v12 =	vor.u32 $0x221, v2;
	v13 =	vor.u32 $0x121, v2;
	v14 =	vor.u32 $0x261, v2  }
0x21: {  	s22 =	simm.s32 $0x7240;
	[dreg:$0x9] =	wrdreg s21;
	v1 =	vunpack.c.0.s8.s32 v1;
	v4 =	vsel vm14, v7, v4;
	v5 =	vsel vm12, $0x1F3, v5;
	[tilespmem:$0x1FF40] =	vst v10  }
0x22: {  	s23 =	simm.s32 $0x72C0;
	[dreg:$0xa] =	wrdreg s22;
	v7 =	vsel vm8, $0x1EC, v8;
	vm14 =	vcmask $0x2F10;
	v10 =	vor.u32 $0x1A1, v2;
	[tilespmem:$0x1FFC0] =	vst v11  }
0x23: {  	s2 =	srdreg.scid;
	s24 =	simm.s32 $0x7340;
	[dreg:$0xb] =	wrdreg s23;
	[tilespmem:$0x1FFD0] =	vst v12;
	v0 =	vand.u32 $0xF, v0;
	v6 =	vand.u32 $0xF, v6;
	v7 =	vsel vm11, $0x1ED, v7  }
0x24: {  	s20 =	stileid.u32;
	s25 =	simm.s32 $0x73C0;
	[dreg:$0xc] =	wrdreg s24;
	[tilespmem:$0x1FFE0] =	vst v13;
	v4 =	vsel vm9, $0x20, v4;
	v0 =	vnsel vm0, $0x1EF, v0;
	vm0 =	vcmask $0x2720  }
0x25: {  	s26 =	simm.s32 $0x74C0;
	s28 =	simm.s32 $0x7540;
	[dreg:$0xd] =	wrdreg s25;
	[tilespmem:$0x1FFF0] =	vst v14;
	v5 =	vsel vm14, v6, v5;
	vm14 =	vcmask $0x3730;
	v6 =	vsel vm5, $0x1EE, v7  }
0x26: {  	s29 =	simm.s32 $0x75C0;
	s30 =	simm.s32 $0x7640;
	[dreg:$0xe] =	wrdreg s26;
	[tilespmem:$0x1FFB0] =	vst v10;
	v0 =	vsel vm0, v3, v0;
	vm0 =	vcmask $0x2B28;
	v5 =	vsel vm14, v3, v5  }
0x27: {  	s2 =	sand.u32 $0x1, s2;
	s3 =	smul.u32 $0xE, s20;
	[dreg:$0xf] =	wrdreg s28;
	[tilespmem:$0x1FF70] =	vst v4;
	v3 =	vimm.s32 $0x2;
	v6 =	vsel vm12, $0x1EF, v6;
	v0 =	vsel vm0, $0x1EA, v0  }
0x28: {  	[dreg:$0x10] =	wrdreg s29;
	s17 =	ssub.s32 $0x2, s2;
	s4 =	smul.u32 $0x7, s2;
	[tilespmem:$0x1FFA0] =	vst v1;
	v3 =	vsel vm15, $0x0, v3;
	v6 =	vsel vm6, $0x1F0, v6;
	v0 =	vsel vm1, $0x1EB, v0  }
0x29: {  	s31 =	simm.s32 $0x7740;
	[dreg:$0x11] =	wrdreg s30;
	s18 =	sshrl.u32 s17, $0x1;
	v5 =	vsel vm4, $0x1EA, v5;
	v6 =	vsel vm13, $0x1F1, v6;
	[tilespmem:$0x1FF60] =	vst v3;
	v0 =	vsel vm2, $0x1EC, v0  }
0x2a: {  	[dreg:$0x12] =	wrdreg s31;
	v40 =	vor.u32 $0xA1, v2;
	s0 =	ssub.s32 s17, s18;
	s4 =	sadd.s32 s4, s3;
	[tilespmem:$0x1FF80] =	vst v5;
	v6 =	vsel vm7, $0x1F2, v6;
	v0 =	vsel vm3, $0x1ED, v0  }
0x2b: {  	v46 =	vor.u32 $0xE1, v2;
	v8 =	vor.u32 $0x80, v2;
	s0 =	smax.u32 s0, $0x1;
	[dreg:$0x15] =	wrdreg s4;
	[tilespmem:$0x1FF90] =	vst v6;
	v0 =	vsel vm4, $0x1EE, v0  }
0x2c: {  	p0 =	seq.s32 s2, $0x1;
	v7 =	vor.u32 $0x40, v2;
	[dreg:$0x14] =	wrdreg s0;
	vm14 =	vcmask $0x1F1C;
	vm15 =	vcmask $0x2724;
	[tilespmem:$0x1FF50] =	vst v0  }
.LBB2_2:
0x2d: {  	[dreg:$0x13] =	wrdreg s5;
	s23 =	simm.s32 $0x55C0;
	s2 =	simm.s32 $0x1C0  }
0x2e: {  	s7 =	simm.s32 $0x2;
	s0 =	simm.s32 $0x55C0;
	s8 =	simm.s32 $0x0  }
.LBB2_3:
0x2f: {  	s18 =	sshrl.u32 s4, $0x2  }
0x30: {  	[dreg:$0x19] =	wrdreg s0;
	s0 =	smul.u32 $0xA, s18  }
0x31: {  	_ = 	snop  }
0x32: {  	v47 =	vmov s0  }
0x33: {  	v49 =	vbroadcast v47, $0x0;
	_ =	sdelay $0x1  }
0x34: {  	v47 =	vadd.s32 v0, v49  }
0x35: {  	(v2sf) =	vpush v47, $0xD;
	_ =	sdelay $0x1  }
0x36: {  	(v2sf) =	vpush v47, $0xC;
	_ =	sdelay $0x1  }
0x37: {  	(v2sf) =	vpush v47, $0xE;
	_ =	sdelay $0x1  }
0x38: {  	(v2sf) =	vpush v47, $0xF;
	_ =	sdelay $0x1  }
0x39: {  	(v2sf) =	vpush v47, $0x9;
	_ =	sdelay $0x1  }
0x3a: {  	(v2sf) =	vpush v47, $0x8;
	_ =	sdelay $0x1  }
0x3b: {  	(v2sf) =	vpush v47, $0xA;
	_ =	sdelay $0x1  }
0x3c: {  	[dreg:$0x1a] =	wrdreg s8;
	(v2sf) =	vpush v47, $0xB  }
0x3d: {  	[dreg:$0x18] =	wrdreg s4;
	s19 =	spop (v2sf)  }
0x3e: {  	[dreg:$0x17] =	wrdreg s7;
	(v2sf) =	vpush v47, $0x0;
	s7 =	smulhi.u32 $0x66666667, s19;
	s0 =	sshra.s32 s19, $0x1F  }
0x3f: {  	s20 =	spop (v2sf);
	s4 =	smul.u32 $0x66666667, s0  }
0x40: {  	[dreg:$0x1b] =	wrdreg s18;
	(v2sf) =	vpush v47, $0x1;
	s8 =	smulhi.u32 $0x66666667, s20;
	s0 =	sshra.s32 s20, $0x1F  }
0x41: {  	s21 =	spop (v2sf);
	s18 =	smul.u32 $0x66666667, s0  }
0x42: {  	(v2sf) =	vpush v47, $0x2;
	s9 =	smulhi.u32 $0x66666667, s21;
	s0 =	sshra.s32 s21, $0x1F  }
0x43: {  	s22 =	spop (v2sf);
	s16 =	smul.u32 $0x66666667, s0  }
0x44: {  	(v2sf) =	vpush v47, $0x3;
	s10 =	smulhi.u32 $0x66666667, s22;
	s0 =	sshra.s32 s22, $0x1F  }
0x45: {  	s24 =	spop (v2sf);
	s5 =	smul.u32 $0x66666667, s0  }
0x46: {  	(v2sf) =	vpush v47, $0x4;
	s11 =	smulhi.u32 $0x66666667, s24;
	s0 =	sshra.s32 s24, $0x1F  }
0x47: {  	s25 =	spop (v2sf);
	s1 =	smul.u32 $0x66666667, s0  }
0x48: {  	[dreg:$0x16] =	wrdreg s2;
	(v2sf) =	vpush v47, $0x5;
	s12 =	smulhi.u32 $0x66666667, s25;
	s0 =	sshra.s32 s25, $0x1F  }
0x49: {  	s26 =	spop (v2sf);
	s2 =	smul.u32 $0x66666667, s0  }
0x4a: {  	(v2sf) =	vpush v47, $0x6;
	s13 =	smulhi.u32 $0x66666667, s26;
	s0 =	sshra.s32 s26, $0x1F  }
0x4b: {  	s28 =	spop (v2sf);
	(v2sf) =	vpush v47, $0x7;
	s3 =	smul.u32 $0x66666667, s0  }
0x4c: {  	s14 =	smulhi.u32 $0x66666667, s28;
	s0 =	sshra.s32 s28, $0x1F  }
0x4d: {  	s17 =	smul.u32 $0x66666667, s0;
	s29 =	spop (v2sf)  }
0x4e: {  	v48 =	vadd.s32 v5, v49;
	s24 =	smulhi.u32 $0x66666667, s29;
	s0 =	sshra.s32 s29, $0x1F  }
0x4f: {  	(v2sf) =	vpush v48, $0xD;
	s30 =	spop (v2sf);
	s31 =	smul.u32 $0x66666667, s0  }
0x50: {  	s26 =	smulhi.u32 $0x66666667, s30;
	s0 =	sshra.s32 s30, $0x1F  }
0x51: {  	s6 =	spop (v2sf);
	s30 =	smul.u32 $0x66666667, s0  }
0x52: {  	s29 =	smulhi.u32 $0x66666667, s6;
	s0 =	sshra.s32 s6, $0x1F  }
0x53: {  	(v2sf) =	vpush v48, $0xC;
	s15 =	spop (v2sf);
	s20 =	smul.u32 $0x66666667, s0  }
0x54: {  	s6 =	smulhi.u32 $0x66666667, s15;
	s0 =	sshra.s32 s15, $0x1F  }
0x55: {  	s19 =	spop (v2sf);
	s28 =	smul.u32 $0x66666667, s0  }
0x56: {  	s21 =	smulhi.u32 $0x66666667, s19;
	s0 =	sshra.s32 s19, $0x1F  }
0x57: {  	(v2sf) =	vpush v48, $0xE;
	s22 =	spop (v2sf);
	s25 =	smul.u32 $0x66666667, s0  }
0x58: {  	s15 =	smulhi.u32 $0x66666667, s22  }
0x59: {  	s19 =	spop (v2sf);
	[smem:$0x7CE] =	sst s21  }
0x5a: {  	s0 =	sshra.s32 s22, $0x1F;
	s21 =	smulhi.u32 $0x66666667, s19;
	s22 =	spop (v2sf)  }
0x5b: {  	(v2sf) =	vpush v48, $0xF;
	[smem:$0x7CF] =	sst s15;
	s15 =	smul.u32 $0x66666667, s0  }
0x5c: {  	s0 =	sshra.s32 s19, $0x1F;
	s19 =	smulhi.u32 $0x66666667, s22  }
0x5d: {  	[smem:$0x7CD] =	sst s6;
	s6 =	smul.u32 $0x66666667, s0;
	s0 =	sshra.s32 s22, $0x1F  }
0x5e: {  	s22 =	smul.u32 $0x66666667, s0;
	s0 =	spop (v2sf)  }
0x5f: {  	(v2sf) =	vpush v48, $0x9;
	[smem:$0x7D0] =	sst s21;
	s21 =	smulhi.u32 $0x66666667, s0;
	s0 =	sshra.s32 s0, $0x1F  }
0x60: {  	s0 =	smul.u32 $0x66666667, s0;
	_ =	sdelay $0x1  }
0x61: {  	[smem:$0x7D3] =	sst s0;
	s0 =	spop (v2sf)  }
0x62: {  	(v2sf) =	vpush v48, $0x8;
	[smem:$0x7D2] =	sst s21;
	s21 =	smulhi.u32 $0x66666667, s0;
	s0 =	sshra.s32 s0, $0x1F  }
0x63: {  	s0 =	smul.u32 $0x66666667, s0;
	_ =	sdelay $0x1  }
0x64: {  	s4 =	sadd.s32 s4, s7;
	[smem:$0x7D5] =	sst s0;
	s0 =	spop (v2sf)  }
0x65: {  	(v2sf) =	vpush v48, $0xA;
	[smem:$0x7D4] =	sst s21;
	s21 =	smulhi.u32 $0x66666667, s0;
	s0 =	sshra.s32 s0, $0x1F  }
0x66: {  	[smem:$0x7E5] =	sst s4;
	s1 =	sadd.s32 s1, s11;
	s0 =	smul.u32 $0x66666667, s0  }
0x67: {  	[smem:$0x7E9] =	sst s1  }
0x68: {  	s1 =	sadd.s32 s3, s13;
	(v2sf) =	vpush v48, $0xB;
	[smem:$0x7D7] =	sst s0;
	s0 =	spop (v2sf)  }
0x69: {  	[smem:$0x7D6] =	sst s21;
	s21 =	smulhi.u32 $0x66666667, s0;
	s0 =	sshra.s32 s0, $0x1F  }
0x6a: {  	[smem:$0x7EB] =	sst s1;
	s4 =	sadd.s32 s17, s14;
	(v2sf) =	vpush v48, $0x0;
	s0 =	smul.u32 $0x66666667, s0  }
0x6b: {  	[smem:$0x7EC] =	sst s4  }
0x6c: {  	[smem:$0x7D9] =	sst s0;
	s0 =	spop (v2sf)  }
0x6d: {  	[smem:$0x7D8] =	sst s21;
	s21 =	smulhi.u32 $0x66666667, s0;
	s0 =	sshra.s32 s0, $0x1F  }
0x6e: {  	[smem:$0x7D1] =	sst s19;
	s0 =	smul.u32 $0x66666667, s0  }
0x6f: {  	s31 =	sadd.s32 s31, s24;
	s24 =	sld [smem:$0x7D0]  }
0x70: {  	s19 =	sadd.s32 s18, s8;
	(v2sf) =	vpush v48, $0x1;
	[smem:$0x7DB] =	sst s0;
	s0 =	spop (v2sf)  }
0x71: {  	[smem:$0x7DA] =	sst s21;
	s21 =	smulhi.u32 $0x66666667, s0;
	s0 =	sshra.s32 s0, $0x1F  }
0x72: {  	[smem:$0x7E6] =	sst s19;
	(v2sf) =	vpush v48, $0x2;
	s0 =	smul.u32 $0x66666667, s0  }
0x73: {  	s30 =	sadd.s32 s30, s26;
	s26 =	sld [smem:$0x7D1]  }
0x74: {  	(v2sf) =	vpush v48, $0x3;
	[smem:$0x7DD] =	sst s0;
	s0 =	spop (v2sf)  }
0x75: {  	[smem:$0x7DC] =	sst s21;
	s21 =	smulhi.u32 $0x66666667, s0;
	s0 =	sshra.s32 s0, $0x1F  }
0x76: {  	s4 =	sld [smem:$0x7D3];
	s0 =	smul.u32 $0x66666667, s0  }
0x77: {  	(v2sf) =	vpush v48, $0x4;
	[smem:$0x7DE] =	sst s21;
	s21 =	spop (v2sf)  }
0x78: {  	s22 =	sadd.s32 s22, s26;
	s26 =	sld [smem:$0x7D6];
	s7 =	smulhi.u32 $0x66666667, s21  }
0x79: {  	[smem:$0x7DF] =	sst s0;
	s0 =	sshra.s32 s21, $0x1F;
	s21 =	spop (v2sf)  }
0x7a: {  	(v2sf) =	vpush v48, $0x5;
	s0 =	smul.u32 $0x66666667, s0;
	[smem:$0x7E0] =	sst s7  }
0x7b: {  	s7 =	sadd.s32 s16, s9;
	s16 =	sadd.s32 s2, s12;
	s12 =	sld [smem:$0x7CF]  }
0x7c: {  	s8 =	smulhi.u32 $0x66666667, s21;
	[smem:$0x7E1] =	sst s0  }
0x7d: {  	[smem:$0x7E7] =	sst s7  }
0x7e: {  	(v2sf) =	vpush v48, $0x6;
	s9 =	sadd.s32 s5, s10;
	[smem:$0x7E2] =	sst s8  }
0x7f: {  	s10 =	spop (v2sf);
	[smem:$0x7E8] =	sst s9  }
0x80: {  	s0 =	sshra.s32 s21, $0x1F;
	s11 =	smulhi.u32 $0x66666667, s10;
	[smem:$0x7EA] =	sst s16  }
0x81: {  	(v2sf) =	vpush v48, $0x7;
	s18 =	spop (v2sf);
	s19 =	smul.u32 $0x66666667, s0  }
0x82: {  	s8 =	sld [smem:$0x7CD];
	s0 =	sshra.s32 s10, $0x1F;
	s2 =	smulhi.u32 $0x66666667, s18  }
0x83: {  	v49 =	vadd.s32 v6, v49;
	s3 =	sshra.s32 s18, $0x1F;
	s5 =	spop (v2sf);
	s21 =	smul.u32 $0x66666667, s0  }
0x84: {  	(v2sf) =	vpush v49, $0xD;
	s10 =	sld [smem:$0x7CE];
	s17 =	smul.u32 $0x66666667, s3  }
0x85: {  	[smem:$0x7E3] =	sst s11;
	s18 =	smulhi.u32 $0x66666667, s5  }
0x86: {  	s0 =	sshra.s32 s5, $0x1F;
	s7 =	spop (v2sf);
	s3 =	sld [smem:$0x7D2]  }
0x87: {  	(v2sf) =	vpush v49, $0xC;
	s5 =	sld [smem:$0x7D4];
	s16 =	smul.u32 $0x66666667, s0  }
0x88: {  	[smem:$0x7E4] =	sst s2;
	s14 =	smulhi.u32 $0x66666667, s7;
	s0 =	sshra.s32 s7, $0x1F  }
0x89: {  	s11 =	smul.u32 $0x66666667, s0;
	s9 =	spop (v2sf)  }
0x8a: {  	s25 =	sadd.s32 s25, s10;
	s10 =	smulhi.u32 $0x66666667, s9;
	s0 =	sshra.s32 s9, $0x1F  }
0x8b: {  	s1 =	sadd.s32 s4, s3;
	s3 =	sld [smem:$0x7D8];
	s9 =	smul.u32 $0x66666667, s0  }
0x8c: {  	s28 =	sadd.s32 s28, s8;
	[smem:$0x7ED] =	sst s1;
	s11 =	sadd.s32 s11, s14  }
0x8d: {  	[smem:$0x7F6] =	sst s11;
	s13 =	spop (v2sf);
	s9 =	sadd.s32 s9, s10  }
0x8e: {  	s8 =	smulhi.u32 $0x66666667, s13;
	s0 =	sshra.s32 s13, $0x1F;
	s13 =	sld [smem:$0x7D5]  }
0x8f: {  	s20 =	sadd.s32 s20, s29;
	s15 =	sadd.s32 s15, s12;
	[smem:$0x7F7] =	sst s9  }
0x90: {  	s12 =	sadd.s32 s6, s24;
	s7 =	smul.u32 $0x66666667, s0;
	s29 =	spop (v2sf)  }
0x91: {  	s6 =	smulhi.u32 $0x66666667, s29;
	s0 =	sshra.s32 s29, $0x1F;
	s29 =	sld [smem:$0x7D7]  }
0x92: {  	s1 =	sadd.s32 s13, s5;
	s13 =	sld [smem:$0x7D9]  }
0x93: {  	s24 =	spop (v2sf);
	s7 =	sadd.s32 s7, s8;
	[smem:$0x7EE] =	sst s1  }
0x94: {  	s5 =	smul.u32 $0x66666667, s0;
	[smem:$0x7F9] =	sst s7  }
0x95: {  	s4 =	smulhi.u32 $0x66666667, s24;
	s1 =	sadd.s32 s29, s26;
	s26 =	sld [smem:$0x7DA]  }
0x96: {  	s0 =	sshra.s32 s24, $0x1F;
	s24 =	spop (v2sf);
	s29 =	sld [smem:$0x7DB]  }
0x97: {  	(v2sf) =	vpush v49, $0xE;
	s2 =	smulhi.u32 $0x66666667, s24;
	[smem:$0x7EF] =	sst s1  }
0x98: {  	s5 =	sadd.s32 s5, s6;
	s1 =	sadd.s32 s13, s3;
	s13 =	sld [smem:$0x7DC]  }
0x99: {  	(v2sf) =	vpush v49, $0xF;
	s3 =	smul.u32 $0x66666667, s0;
	s0 =	sshra.s32 s24, $0x1F;
	s24 =	sld [smem:$0x7DD]  }
0x9a: {  	[smem:$0x7F8] =	sst s5  }
0x9b: {  	[smem:$0x7F0] =	sst s1  }
0x9c: {  	s1 =	sadd.s32 s29, s26;
	s26 =	sld [smem:$0x7DE]  }
0x9d: {  	(v2sf) =	vpush v49, $0x9;
	s29 =	sld [smem:$0x7DF]  }
0x9e: {  	s3 =	sadd.s32 s3, s4;
	s4 =	sld [smem:$0x7E5]  }
0x9f: {  	(v2sf) =	vpush v49, $0x8;
	[smem:$0x7F1] =	sst s1;
	s1 =	sadd.s32 s24, s13  }
0xa0: {  	[smem:$0x7F2] =	sst s1  }
0xa1: {  	(v2sf) =	vpush v49, $0xA;
	s1 =	sadd.s32 s29, s26;
	s26 =	sld [smem:$0x7E0]  }
0xa2: {  	(v2sf) =	vpush v49, $0xB;
	s29 =	sld [smem:$0x7E1]  }
0xa3: {  	[smem:$0x7FA] =	sst s3  }
0xa4: {  	[smem:$0x7F3] =	sst s1  }
0xa5: {  	(v2sf) =	vpush v49, $0x0;
	s0 =	smul.u32 $0x66666667, s0;
	s24 =	sadd.s32 s29, s26;
	s26 =	sld [smem:$0x7E2]  }
0xa6: {  	s13 =	spop (v2sf);
	[smem:$0x7F4] =	sst s24  }
0xa7: {  	s1 =	smulhi.u32 $0x66666667, s13;
	s13 =	sshra.s32 s13, $0x1F;
	s24 =	sld [smem:$0x7E3]  }
0xa8: {  	s0 =	sadd.s32 s0, s2;
	s13 =	smul.u32 $0x66666667, s13;
	s29 =	spop (v2sf)  }
0xa9: {  	[smem:$0x7FB] =	sst s0;
	s19 =	sadd.s32 s19, s26;
	s26 =	smulhi.u32 $0x66666667, s29  }
0xaa: {  	s29 =	sshra.s32 s29, $0x1F;
	s21 =	sadd.s32 s21, s24;
	s24 =	sld [smem:$0x7E4]  }
0xab: {  	s1 =	sadd.s32 s13, s1;
	s13 =	sld [smem:$0x7E9];
	s29 =	smul.u32 $0x66666667, s29  }
0xac: {  	[smem:$0x7F5] =	sst s21;
	s21 =	spop (v2sf)  }
0xad: {  	s17 =	sadd.s32 s17, s24;
	s24 =	smulhi.u32 $0x66666667, s21;
	s21 =	sshra.s32 s21, $0x1F  }
0xae: {  	s18 =	sadd.s32 s16, s18;
	s16 =	smul.u32 $0x66666667, s21;
	s21 =	spop (v2sf)  }
0xaf: {  	[dreg:$0x1f] =	wrdreg s1;
	s11 =	smulhi.u32 $0x66666667, s21;
	s21 =	sshra.s32 s21, $0x1F  }
0xb0: {  	s9 =	smul.u32 $0x66666667, s21;
	s21 =	spop (v2sf)  }
0xb1: {  	s7 =	smulhi.u32 $0x66666667, s21;
	s14 =	sshra.s32 s21, $0x1F;
	s21 =	spop (v2sf)  }
0xb2: {  	s3 =	smulhi.u32 $0x66666667, s21;
	s6 =	sshra.s32 s21, $0x1F;
	s21 =	sadd.s32 s16, s24  }
0xb3: {  	s5 =	smul.u32 $0x66666667, s14;
	s24 =	sadd.s32 s9, s11;
	[smem:$0x7FD] =	sst s21  }
0xb4: {  	s10 =	spop (v2sf);
	[smem:$0x7FC] =	sst s24  }
0xb5: {  	s8 =	smul.u32 $0x66666667, s6;
	s6 =	sld [smem:$0x7E6]  }
0xb6: {  	s14 =	smulhi.u32 $0x66666667, s10;
	s2 =	sshra.s32 s10, $0x1F;
	s10 =	sld [smem:$0x7E8]  }
0xb7: {  	s29 =	sadd.s32 s29, s26;
	s24 =	sld [smem:$0x7EB];
	s26 =	sadd.s32 s5, s7  }
0xb8: {  	s16 =	sshra.s32 s13, $0x3;
	[dreg:$0x1e] =	wrdreg s26  }
0xb9: {  	s2 =	smul.u32 $0x66666667, s2;
	s0 =	sadd.s32 s8, s3;
	s8 =	sld [smem:$0x7E7]  }
0xba: {  	s5 =	sshrl.u32 s4, $0x1F;
	s26 =	sshrl.u32 s31, $0x1F;
	[dreg:$0x1d] =	wrdreg s0  }
0xbb: {  	s3 =	sadd.s32 s2, s14;
	s2 =	sshra.s32 s4, $0x3;
	s7 =	sshrl.u32 s6, $0x1F  }
0xbc: {  	s4 =	sshra.s32 s6, $0x3;
	s11 =	sshrl.u32 s10, $0x1F;
	s1 =	sshra.s32 s10, $0x3  }
0xbd: {  	s14 =	sld [smem:$0x7EA];
	v51 =	vmov s26;
	s6 =	sshra.s32 s24, $0x3;
	s26 =	sshrl.u32 s20, $0x1F  }
0xbe: {  	[dreg:$0x1c] =	wrdreg s3;
	v50 =	vmov s7;
	s7 =	sshrl.u32 s13, $0x1F;
	v51 =	vnsel vm8, $0x0, v51;
	s13 =	sshrl.u32 s30, $0x1F  }
0xbf: {  	s9 =	sshrl.u32 s8, $0x1F;
	s0 =	sshra.s32 s8, $0x3;
	v50 =	vsel vm5, s5, v50;
	v51 =	vsel vm5, s13, v51;
	s13 =	sshra.s32 s25, $0x3  }
0xc0: {  	s21 =	sshrl.u32 s14, $0x1F;
	v50 =	vsel vm6, s9, v50;
	s5 =	sshra.s32 s14, $0x3;
	s9 =	sshrl.u32 s24, $0x1F  }
0xc1: {  	s14 =	sshra.s32 s31, $0x3;
	v50 =	vsel vm7, s11, v50;
	s11 =	sld [smem:$0x7EC];
	v52 =	vmov s21;
	s21 =	sshra.s32 s22, $0x1F  }
0xc2: {  	s24 =	sshra.s32 s31, $0x1F;
	s31 =	sshra.s32 s30, $0x3;
	v51 =	vsel vm6, s26, v51;
	s26 =	sshrl.u32 s25, $0x1F;
	v55 =	vmov s5;
	v53 =	vmov s21  }
0xc3: {  	v52 =	vsel vm5, s7, v52;
	s21 =	sshra.s32 s20, $0x3;
	v55 =	vsel vm5, s16, v55;
	s16 =	sshrl.u32 s19, $0x1F;
	v53 =	vsel vm8, s14, v53;
	s14 =	sshrl.u32 s28, $0x1F  }
0xc4: {  	(v2sf) =	vpush v49, $0x1;
	v52 =	vsel vm6, s9, v52;
	s9 =	sld [smem:$0x7F0];
	s10 =	sshrl.u32 s11, $0x1F;
	s3 =	sshra.s32 s11, $0x3  }
0xc5: {  	s11 =	sshra.s32 s30, $0x1F;
	v54 =	vsel vm7, s14, v51;
	s14 =	sshra.s32 s20, $0x1F;
	s30 =	sshra.s32 s28, $0x3  }
0xc6: {  	(v2sf) =	vpush v49, $0x2;
	v53 =	vsel vm11, s24, v53;
	s24 =	sshrl.u32 s15, $0x1F;
	s20 =	sshra.s32 s15, $0x3;
	s15 =	sshra.s32 s15, $0x1F  }
0xc7: {  	v14 =	vsel vm7, s10, v52;
	v53 =	vsel vm5, s31, v53;
	s31 =	sshra.s32 s28, $0x1F;
	s10 =	sshra.s32 s25, $0x1F;
	s28 =	sld [smem:$0x7ED]  }
0xc8: {  	(v2sf) =	vpush v49, $0x3;
	v61 =	vsel vm9, s26, v54;
	s25 =	sshrl.u32 s12, $0x1F;
	s26 =	sshrl.u32 s22, $0x1F;
	s22 =	sshra.s32 s22, $0x3;
	v53 =	vsel vm12, s11, v53  }
0xc9: {  	v62 =	vmov s4;
	v52 =	vsel vm0, s24, v61;
	s24 =	sshra.s32 s12, $0x1F;
	v53 =	vsel vm6, s21, v53;
	s21 =	sshra.s32 s12, $0x3;
	s12 =	sld [smem:$0x7F1]  }
0xca: {  	v55 =	vsel vm6, s6, v55;
	v52 =	vsel vm2, s25, v52;
	v53 =	vsel vm13, s14, v53;
	s25 =	sshrl.u32 s28, $0x1F;
	s4 =	sshra.s32 s28, $0x3;
	s28 =	sld [smem:$0x7F3]  }
0xcb: {  	v54 =	vsel vm5, s2, v62;
	v55 =	vsel vm7, s3, v55;
	s3 =	sshra.s32 s19, $0x1F;
	s5 =	sshra.s32 s9, $0x3;
	v53 =	vsel vm7, s30, v53;
	s30 =	sld [smem:$0x7EE]  }
0xcc: {  	v54 =	vsel vm6, s0, v54;
	v52 =	vsel vm4, s26, v52;
	s26 =	sshrl.u32 s9, $0x1F;
	v53 =	vsel vm14, s31, v53;
	s31 =	sld [smem:$0x7EF];
	s0 =	sshrl.u32 s12, $0x1F  }
0xcd: {  	s8 =	sshra.s32 s12, $0x3;
	v53 =	vsel vm9, s13, v53;
	s13 =	sld [smem:$0x7F2];
	s12 =	sshra.s32 s28, $0x3  }
0xce: {  	(v2sf) =	vpush v49, $0x4;
	s14 =	sshrl.u32 s30, $0x1F;
	s7 =	sshra.s32 s30, $0x3;
	s30 =	sld [smem:$0x7F4]  }
0xcf: {  	v53 =	vsel vm15, s10, v53;
	s2 =	sshrl.u32 s31, $0x1F;
	s11 =	sshra.s32 s31, $0x3;
	s31 =	sld [smem:$0x7F5]  }
0xd0: {  	(v2sf) =	vpush v49, $0x5;
	v54 =	vsel vm7, s1, v54;
	v53 =	vsel vm0, s20, v53;
	s1 =	sshrl.u32 s13, $0x1F;
	s10 =	sshra.s32 s13, $0x3;
	s13 =	sshrl.u32 s28, $0x1F  }
0xd1: {  	(v2sf) =	vpush v49, $0x6;
	v56 =	vmov s16;
	v53 =	vsel vm1, s15, v53;
	s15 =	sshra.s32 s19, $0x3;
	s16 =	sshrl.u32 s30, $0x1F;
	s9 =	sshra.s32 s30, $0x3  }
0xd2: {  	(v2sf) =	vpush v49, $0x7;
	v53 =	vsel vm2, s21, v53;
	s30 =	sshrl.u32 s17, $0x1F;
	s21 =	sshrl.u32 s18, $0x1F;
	s28 =	sshrl.u32 s31, $0x1F  }
0xd3: {  	v56 =	vnsel vm8, $0x0, v56;
	v57 =	vmov s14;
	v58 =	vmov s1;
	s14 =	sshra.s32 s31, $0x3;
	s19 =	sshra.s32 s31, $0x1F;
	s31 =	spop (v2sf)  }
0xd4: {  	v61 =	vmov s10;
	s10 =	sshra.s32 s18, $0x1F;
	v53 =	vsel vm3, s24, v53;
	v56 =	vsel vm5, s28, v56;
	s6 =	smulhi.u32 $0x66666667, s31;
	s28 =	sld [smem:$0x7F6]  }
0xd5: {  	v58 =	vsel vm5, s0, v58;
	v53 =	vsel vm4, s22, v53;
	s24 =	sshra.s32 s31, $0x1F;
	s22 =	sld [smem:$0x7F8];
	s31 =	spop (v2sf)  }
0xd6: {  	v58 =	vsel vm6, s13, v58;
	v56 =	vsel vm6, s30, v56;
	s20 =	smul.u32 $0x66666667, s24;
	s24 =	sld [smem:$0x7F9];
	s0 =	sshra.s32 s31, $0x1F  }
0xd7: {  	v60 =	vmov s7;
	v58 =	vsel vm7, s16, v58;
	s16 =	sld [smem:$0x7FD];
	v56 =	vsel vm7, s21, v56;
	s21 =	sshra.s32 s17, $0x3;
	s17 =	sshra.s32 s17, $0x1F  }
0xd8: {  	v57 =	vsel vm5, s25, v57;
	v60 =	vsel vm5, s4, v60;
	s25 =	sshrl.u32 s28, $0x1F;
	s6 =	sadd.s32 s20, s6;
	s20 =	rddreg [dreg:$0x1c]  }
0xd9: {  	v60 =	vsel vm6, s11, v60;
	s0 =	smul.u32 $0x66666667, s0;
	s30 =	sshra.s32 s22, $0x1F;
	v56 =	vsel vm9, s25, v56;
	s25 =	sld [smem:$0x7F7]  }
0xda: {  	v57 =	vsel vm6, s2, v57;
	v60 =	vsel vm7, s5, v60;
	v59 =	vmov s30;
	s2 =	sshrl.u32 s24, $0x1F;
	s30 =	spop (v2sf);
	s5 =	sshra.s32 s24, $0x3  }
0xdb: {  	v59 =	vsel vm8, s15, v59;
	s15 =	smulhi.u32 $0x66666667, s31;
	s31 =	sshra.s32 s18, $0x3;
	s18 =	sld [smem:$0x7FA]  }
0xdc: {  	v50 =	vcombine.low v14, v50;
	v61 =	vsel vm5, s8, v61;
	s4 =	smulhi.u32 $0x66666667, s30;
	s1 =	sshra.s32 s30, $0x1F;
	s30 =	rddreg [dreg:$0x1e];
	v59 =	vsel vm11, s3, v59  }
0xdd: {  	v57 =	vsel vm7, s26, v57;
	v61 =	vsel vm6, s12, v61;
	s3 =	spop (v2sf);
	s8 =	smul.u32 $0x66666667, s1;
	s26 =	sshrl.u32 s25, $0x1F;
	v59 =	vsel vm5, s14, v59  }
0xde: {  	v61 =	vsel vm7, s9, v61;
	s9 =	sadd.s32 s0, s15;
	v56 =	vsel vm0, s26, v56;
	s26 =	sshrl.u32 s22, $0x1F;
	v59 =	vsel vm12, s19, v59;
	s19 =	sld [smem:$0x7FC]  }
0xdf: {  	v54 =	vcombine.low v55, v54;
	s11 =	sshrl.u32 s18, $0x1F;
	v56 =	vsel vm2, s2, v56;
	s2 =	spop (v2sf);
	v59 =	vsel vm6, s21, v59;
	s21 =	sld [smem:$0x7FB]  }
0xe0: {  	v50 =	vperm.xlane v50, v1;
	v52 =	vperm.xlane v52, v2;
	s4 =	sadd.s32 s8, s4;
	s8 =	sshra.s32 s28, $0x1F;
	s1 =	spop (v2sf)  }
0xe1: {  	v54 =	vperm.xlane v54, v1;
	v56 =	vsel vm4, s26, v56;
	v59 =	vsel vm13, s17, v59;
	s26 =	sshrl.u32 s29, $0x1F;
	s13 =	sshrl.u32 s19, $0x1F;
	s14 =	spop (v2sf)  }
0xe2: {  	v50 =	vsel vm10, v52, v50;
	v53 =	vperm.xlane v53, v2;
	v59 =	vsel vm7, s31, v59;
	s31 =	sshrl.u32 s16, $0x1F;
	s15 =	sshra.s32 s19, $0x3;
	s12 =	sshrl.u32 s21, $0x1F  }
0xe3: {  	v57 =	vcombine.low v58, v57;
	v58 =	vcombine.low v61, v60;
	s19 =	sshra.s32 s16, $0x3;
	v62 =	vmov s12;
	s12 =	smulhi.u32 $0x66666667, s14;
	s14 =	sshra.s32 s14, $0x1F  }
0xe4: {  	v53 =	vsel vm10, v53, v54;
	v63 =	vmov s13;
	s13 =	rddreg [dreg:$0x1f];
	v12 =	vmov s15;
	s15 =	sshra.s32 s20, $0x1F;
	s7 =	smul.u32 $0x66666667, s14  }
0xe5: {  	v14 =	vperm.xlane v57, v1;
	v56 =	vperm.xlane v56, v2;
	s17 =	sshrl.u32 s13, $0x1F;
	v63 =	vsel vm5, s31, v63;
	s31 =	sshrl.u32 s30, $0x1F;
	s13 =	sshra.s32 s13, $0x3  }
0xe6: {  	v50 =	vadd.s32 v50, v53;
	v60 =	vsel vm5, s19, v12;
	s19 =	sshrl.u32 s4, $0x1F;
	v62 =	vsel vm5, s11, v62;
	s11 =	sshra.s32 s21, $0x3;
	s0 =	sadd.s32 s7, s12  }
0xe7: {  	v59 =	vsel vm14, s10, v59;
	v52 =	vsel vm10, v56, v14;
	v63 =	vsel vm6, s31, v63;
	s14 =	sshra.s32 s30, $0x3;
	s12 =	sshra.s32 s18, $0x3;
	s18 =	sshra.s32 s0, $0x1F  }
0xe8: {  	s21 =	sshra.s32 s20, $0x3;
	s30 =	smulhi.u32 $0x66666667, s3;
	v62 =	vsel vm6, s17, v62;
	s17 =	rddreg [dreg:$0x1d];
	v12 =	vsel vm6, s14, v60;
	v13 =	vmov s18  }
0xe9: {  	s3 =	sshra.s32 s3, $0x1F;
	s31 =	sshra.s32 s29, $0x3;
	v60 =	vperm.xlane v58, v1;
	s10 =	sshrl.u32 s17, $0x1F;
	v51 =	vsel vm7, s26, v62;
	v61 =	vsel vm8, s21, v13  }
0xea: {  	s7 =	sshra.s32 s28, $0x3;
	s28 =	sshra.s32 s6, $0x3;
	s17 =	sshra.s32 s17, $0x3;
	v62 =	vsel vm7, s10, v63;
	v63 =	vmov s11;
	v13 =	vsel vm11, s15, v61  }
0xeb: {  	s14 =	sshrl.u32 s9, $0x1F;
	s26 =	sshrl.u32 s6, $0x1F;
	s6 =	sshra.s32 s6, $0x1F;
	v57 =	vsel vm7, s17, v12;
	v12 =	vmul.u32 $0x3FFFFFEC, v50;
	v14 =	vsel vm5, s28, v13  }
0xec: {  	s3 =	smul.u32 $0x66666667, s3;
	s11 =	sshra.s32 s25, $0x3;
	v55 =	vsel vm5, s12, v63;
	v51 =	vcombine.low v62, v51;
	s18 =	sshra.s32 s9, $0x3;
	v54 =	vsel vm12, s6, v14  }
0xed: {  	s12 =	sshra.s32 s25, $0x1F;
	s25 =	sshrl.u32 s20, $0x1F;
	s20 =	sshra.s32 s9, $0x1F;
	v62 =	vsel vm9, s7, v59;
	v55 =	vsel vm6, s13, v55;
	v54 =	vsel vm6, s18, v54  }
0xee: {  	s21 =	smulhi.u32 $0x66666667, s2;
	s2 =	sshra.s32 s2, $0x1F;
	v55 =	vsel vm7, s31, v55;
	v61 =	vmov s25;
	s25 =	sshra.s32 s4, $0x3;
	v54 =	vsel vm13, s20, v54  }
0xef: {  	s3 =	sadd.s32 s3, s30;
	s2 =	smul.u32 $0x66666667, s2;
	s4 =	sshra.s32 s4, $0x1F;
	v55 =	vcombine.low v57, v55;
	v57 =	vnsel vm8, $0x0, v61;
	v54 =	vsel vm7, s25, v54  }
0xf0: {  	v58 =	vsel vm15, s8, v62;
	s28 =	sshra.s32 s3, $0x3;
	v57 =	vsel vm5, s26, v57;
	s26 =	smulhi.u32 $0x66666667, s1;
	s1 =	sshra.s32 s1, $0x1F;
	v54 =	vsel vm14, s4, v54  }
0xf1: {  	s29 =	sshra.s32 s3, $0x1F;
	v58 =	vsel vm0, s11, v58;
	v51 =	vperm.xlane v51, v1;
	s2 =	sadd.s32 s2, s21;
	s1 =	smul.u32 $0x66666667, s1;
	v54 =	vsel vm9, s28, v54  }
0xf2: {  	s30 =	sshra.s32 s24, $0x1F;
	v58 =	vsel vm1, s12, v58;
	s3 =	sshrl.u32 s3, $0x1F;
	v57 =	vsel vm6, s14, v57;
	s31 =	sshra.s32 s2, $0x3;
	v54 =	vsel vm15, s29, v54  }
0xf3: {  	v58 =	vsel vm2, s5, v58;
	s9 =	sshrl.u32 s2, $0x1F;
	s2 =	sshra.s32 s2, $0x1F;
	v57 =	vsel vm7, s19, v57;
	s1 =	sadd.s32 s1, s26;
	v54 =	vsel vm0, s31, v54  }
0xf4: {  	s11 =	sshra.s32 s22, $0x3;
	v58 =	vsel vm3, s30, v58;
	v57 =	vsel vm9, s3, v57;
	s13 =	sshra.s32 s1, $0x3;
	v54 =	vsel vm1, s2, v54  }
0xf5: {  	v58 =	vsel vm4, s11, v58;
	v57 =	vsel vm0, s9, v57;
	s12 =	sshrl.u32 s1, $0x1F;
	s1 =	sshra.s32 s1, $0x1F;
	v54 =	vsel vm2, s13, v54  }
0xf6: {  	s14 =	sshrl.u32 s0, $0x1F;
	s0 =	sshra.s32 s0, $0x3;
	v58 =	vperm.xlane v58, v2;
	v57 =	vsel vm2, s12, v57;
	v54 =	vsel vm3, s1, v54  }
0xf7: {  	v55 =	vperm.xlane v55, v1;
	v57 =	vsel vm4, s14, v57;
	v54 =	vsel vm4, s0, v54  }
0xf8: {  	s10 =	rddreg [dreg:$0x17];
	v56 =	vsel vm10, v58, v60;
	v57 =	vperm.xlane v57, v2;
	v54 =	vperm.xlane v54, v2  }
0xf9: {  	v50 =	vmul.u32 $0x1E, v50;
	s17 =	rddreg [dreg:$0x1b];
	v47 =	vadd.s32 v47, v12;
	v52 =	vadd.s32 v52, v56  }
0xfa: {  	s24 =	rddreg [dreg:$0x6];
	v13 =	vmul.u32 $0x3FFFFFEC, v52;
	v51 =	vsel vm10, v57, v51;
	v63 =	vsel vm10, v54, v55  }
0xfb: {  	s8 =	rddreg [dreg:$0x1a];
	v47 =	vadd.s32 v50, v47;
	v52 =	vmul.u32 $0x1E, v52;
	v51 =	vadd.s32 v51, v63  }
0xfc: {  	s15 =	rddreg [dreg:$0x18];
	v47 =	vadd.s32 $0xA, v47;
	s2 =	smul.u32 $0x1E, s17;
	v48 =	vadd.s32 v48, v13;
	v14 =	vmul.u32 $0x3FFFFFEC, v51  }
0xfd: {  	v47 =	vshll.u32 v47, $0x2;
	s21 =	rddreg [dreg:$0x5];
	v48 =	vadd.s32 v52, v48;
	v56 =	vmul.u32 $0x1E, v51  }
0xfe: {  	s30 =	rddreg [dreg:$0x19];
	v57 =	vmov s2;
	s0 =	sand.u32 $0x3, s15;
	v48 =	vshll.u32 v48, $0x2;
	v49 =	vadd.s32 v49, v14  }
0xff: {  	s19 =	rddreg [dreg:$0x3];
	v60 =	vshll.u32 v57, $0x2;
	s16 =	sshrl.u32 s0, $0x1;
	v48 =	vadd.s32 $0x28, v48;
	v49 =	vadd.s32 v56, v49  }
0x100: {  	s18 =	sshra.s32 s8, $0x2;
	s20 =	rddreg [dreg:$0x4];
	v47 =	vor.u32 s16, v47;
	v48 =	vor.u32 s16, v48;
	v49 =	vshll.u32 v49, $0x2  }
0x101: {  	s25 =	rddreg [dreg:$0x16];
	v62 =	vadd.s32 v4, v60;
	[tilespmem:s18+$0x0] =	vst v47;
	v58 =	vor.u32 v3, v48;
	v49 =	vadd.s32 $0x28, v49  }
0x102: {  	s7 =	sadd.s32 $0x2, s10;
	p1 =	sne.s32 s8, $0x600;
	s26 =	rddreg [dreg:$0x16];
	[tilespmem:s18+$0x10] =	vst v58;
	v63 =	vor.u32 s0, v62;
	v59 =	vor.u32 s16, v49  }
.Ltmp1:
0x103: {  	s22 =	sadd.s32 $0xFFFFFFFF, s10;
	s29 =	rddreg [dreg:$0x19];
	[tilespmem:s18+$0x30] =	vst v63;
	v61 =	vor.u32 $0x2, v59;
	(pc) =	sbr.rel @p1 .LBB2_3-.Ltmp1, $4  }
0x104: {  	s8 =	sadd.s32 $0x100, s8;
	s28 =	sadd.s32 $0x30, s18;
	s31 =	rddreg [dreg:$0x18];
	[tilespmem:s18+$0x20] =	vst v61  }
0x105: {  	[tilespmem:s25], [sflag:s22] =	stream.indirect.gather [hbm4b:s19+s20], $0x40, s18, s20, $0xb8;
	[tilespmem:$0x77C0] =	vst v63  }
0x106: {  	s4 =	sadd.s32 $0x1, s31;
	s2 =	sadd.s32 $0xC00, s26;
	s0 =	sadd.s32 $0x400, s30  }
0x107: {  	[tilespmem:s29], [sflag:s10] =	stream.indirect.gather [hbm4b:s21+s24], $0x40, s28, s24, $0xb8;
	[tilespmem:$0x77C0] =	vst v63  }
0x108: {  	s14 =	simm.s32 $0x1;
	s4 =	rddreg [dreg:$0x15];
	p1 =	por p0, p0  }
0x109: {  	s5 =	simm.s32 $0x71C0;
	s6 =	simm.s32 $0x7440;
	s7 =	simm.s32 $0x76C0  }
0x10a: {  	s8 =	simm.s32 $0x40;
	s9 =	simm.s32 $0x80;
	s10 =	simm.s32 $0xF  }
0x10b: {  	v1 =	vld [tilespmem:$0x1FF40];
	s11 =	simm.s32 $0x700;
	s12 =	simm.s32 $0x0;
	s15 =	smov.u32 s4  }
.LBB2_5:
0x10c: {  	s0 =	rddreg [dreg:$0x9];
	_ =	swait.ge [sflag:s14], $0xC00  }
0x10d: {  	[sflag:s14] =	ssyncset.done $0x0  }
0x10e: {  	s1 =	sadd.s32 $0x1, s14;
	[sflag:s14] =	ssyncadd.s32 $0xFFFFF400  }
0x10f: {  	s0 =	simm.s32 @!p1 $0x0;
	_ =	swait.ge [sflag:s1], $0x400  }
0x110: {  	s2 =	sshra.s32 s12, $0x2;
	s0 =	sshll.u32 s0, $0x5;
	[sflag:s1] =	ssyncset.done $0x0  }
0x111: {  	s18 =	sadd.s32 s2, s0;
	[sflag:s1] =	ssyncadd.s32 $0xFFFFFC00  }
0x112: {  	v47 =	vld [tilespmem:s18+$0x1C0]  }
0x113: {  	s17 =	sshrl.u32 s15, $0x2;
	v48 =	vld [tilespmem:s18+$0x200]  }
0x114: {  	s16 =	smulhi.u32 $0x24924925, s17;
	v49 =	vld [tilespmem:s18+$0x240]  }
0x115: {  	v50 =	vld.idx.msk [tilespmem:v2+s23+$0x0], $0xffff  }
0x116: {  	s19 =	smul.u32 $0x7, s16;
	v52 =	vld.idx.msk [tilespmem:v8+s23+$0x0], $0xffff  }
0x117: {  	v53 =	vld [tilespmem:s18+$0x280]  }
0x118: {  	s17 =	ssub.s32 s17, s19;
	v51 =	vld.idx.msk [tilespmem:v7+s23+$0x0], $0xffff  }
0x119: {  	s19 =	scvt.s32.f32 s17;
	v54 =	vld.idx.msk [tilespmem:v9+s23+$0x0], $0xffff  }
0x11a: {  	s20 =	scvt.s32.f32 s16  }
0x11b: {  	v55 =	vadd.f32 s19, v47;
	v50 =	vadd.f32 s19, v50;
	v56 =	vmul.f32 $5.000000000e-01, v49  }
0x11c: {  	v57 =	vadd.f32 s20, v48;
	v58 =	vmul.f32 $5.000000000e-01, v52;
	v12 =	vmul.f32 $5.000000000e-01, v53  }
0x11d: {  	v51 =	vadd.f32 s20, v51;
	v55 =	vmul.f32 $1.428571490e-01, v55;
	v50 =	vmul.f32 $1.428571490e-01, v50  }
0x11e: {  	v13 =	vmul.f32 $5.000000000e-01, v54;
	v52 =	vmax.f32 v52, $0.0e+00;
	v63 =	vmul.f32 $1.428571490e-01, v57  }
0x11f: {  	v51 =	vmul.f32 $1.428571490e-01, v51;
	v55 =	vsub.f32 v55, v56;
	v50 =	vsub.f32 v50, v58  }
0x120: {  	v59 =	vld [tilespmem:s18+$0x300];
	v54 =	vmax.f32 v54, $0.0e+00;
	v57 =	vmax.f32 v49, $0.0e+00;
	v56 =	vsub.f32 v63, v12  }
0x121: {  	v4 =	vld.idx.msk [tilespmem:v23+s23+$0x0], $0xffff;
	v51 =	vsub.f32 v51, v13;
	v55 =	vmax.f32 v55, $0.0e+00;
	v50 =	vmax.f32 v50, $0.0e+00  }
0x122: {  	v58 =	vld [tilespmem:s18+$0x340];
	v63 =	vmax.f32 v53, $0.0e+00;
	v60 =	vadd.f32 v55, v57;
	v61 =	vadd.f32 v50, v52  }
0x123: {  	v14 =	vld.idx.msk [tilespmem:v21+s23+$0x0], $0xffff;
	v12 =	vadd.f32 v52, v57;
	v56 =	vmax.f32 v56, $0.0e+00;
	v51 =	vmax.f32 v51, $0.0e+00  }
0x124: {  	v62 =	vld [tilespmem:s18+$0x380];
	v50 =	vmin.f32 v55, v50;
	v0 =	vadd.f32 v56, v63;
	v60 =	vmax.f32 v60, v61  }
0x125: {  	v3 =	vadd.f32 v51, v54;
	v50 =	vsub.f32 v60, v50;
	v60 =	vld.idx.msk [tilespmem:v22+s23+$0x0], $0xffff  }
0x126: {  	v5 =	vld [tilespmem:s18+$0x3C0];
	v10 =	vmul.f32 $5.000000000e-01, v4;
	v13 =	vadd.f32 s19, v59;
	v61 =	vadd.f32 v54, v63  }
0x127: {  	v0 =	vmax.f32 v0, v3;
	v3 =	vmin.f32 v56, v51;
	v51 =	vld.idx.msk [tilespmem:v24+s23+$0x0], $0xffff;
	v6 =	vadd.f32 s20, v58  }
0x128: {  	v4 =	vmax.f32 v4, $0.0e+00;
	v0 =	vsub.f32 v0, v3;
	v3 =	vadd.f32 s19, v14  }
0x129: {  	v14 =	vmul.f32 $1.428571490e-01, v13;
	v50 =	vsub.f32 v12, v50;
	v12 =	vmul.f32 $5.000000000e-01, v62  }
0x12a: {  	v56 =	vmax.f32 v62, $0.0e+00;
	v3 =	vmul.f32 $1.428571490e-01, v3;
	v60 =	vadd.f32 s20, v60  }
0x12b: {  	v13 =	vmul.f32 $5.000000000e-01, v5;
	v6 =	vmul.f32 $1.428571490e-01, v6;
	v55 =	vsub.f32 v14, v12  }
0x12c: {  	v3 =	vsub.f32 v3, v10;
	v14 =	vmul.f32 $5.000000000e-01, v51;
	v10 =	vmul.f32 $1.428571490e-01, v60  }
0x12d: {  	v0 =	vsub.f32 v61, v0;
	v61 =	vmax.f32 v5, $0.0e+00;
	v6 =	vsub.f32 v6, v13  }
0x12e: {  	v55 =	vmax.f32 v55, $0.0e+00;
	v3 =	vmax.f32 v3, $0.0e+00;
	v10 =	vsub.f32 v10, v14  }
0x12f: {  	v51 =	vmax.f32 v51, $0.0e+00;
	v60 =	vadd.f32 v55, v56;
	v11 =	vadd.f32 v3, v4  }
0x130: {  	v13 =	vld [tilespmem:s18+$0x400];
	v6 =	vmax.f32 v6, $0.0e+00;
	v3 =	vmin.f32 v55, v3;
	v10 =	vmax.f32 v10, $0.0e+00  }
0x131: {  	v12 =	vld [tilespmem:s18+$0x2C0];
	v55 =	vadd.f32 v6, v61;
	v11 =	vmax.f32 v60, v11;
	v60 =	vadd.f32 v10, v51  }
0x132: {  	v15 =	vadd.f32 v4, v56;
	v50 =	vmax.f32 v50, $0.0e+00;
	v14 =	vld.idx.msk [tilespmem:v25+s23+$0x0], $0xffff;
	v3 =	vsub.f32 v11, v3  }
0x133: {  	v11 =	vld.idx.msk [tilespmem:v26+s23+$0x0], $0xffff;
	[tilespmem:v2+s5+$0x0] =	vst.idx.msk $0xffff, v47;
	v6 =	vmin.f32 v6, v10;
	v55 =	vmax.f32 v55, v60  }
0x134: {  	v0 =	vmax.f32 v0, $0.0e+00;
	v47 =	vld [tilespmem:s18+$0x6C0];
	v10 =	vadd.f32 v51, v61;
	v6 =	vsub.f32 v55, v6  }
0x135: {  	v52 =	vmul.f32 v54, v52;
	v0 =	vmul.f32 v0, v50  }
0x136: {  	v3 =	vsub.f32 v15, v3;
	v60 =	vmul.f32 v63, v57;
	v6 =	vsub.f32 v10, v6  }
0x137: {  	v4 =	vmul.f32 v51, v4;
	v10 =	vmul.f32 v61, v56  }
0x138: {  	v3 =	vmax.f32 v3, $0.0e+00;
	v15 =	vadd.f32 v52, v60;
	v6 =	vmax.f32 v6, $0.0e+00  }
0x139: {  	[tilespmem:v2+s6+$0x0] =	vst.idx.msk $0xffff, v47;
	v4 =	vadd.f32 v4, v10;
	v3 =	vmul.f32 v6, v3  }
0x13a: {  	[tilespmem:v8+s5+$0x0] =	vst.idx.msk $0xffff, v48;
	v6 =	vsub.f32 v15, v0  }
0x13b: {  	v10 =	vld [tilespmem:s18+$0x700];
	v4 =	vsub.f32 v4, v3  }
0x13c: {  	(erf) = vrcp.f32 v6  }
0x13d: {  	(erf) = vrcp.f32 v4;
	_ =	sdelay $0x2  }
0x13e: {  	[tilespmem:v8+s6+$0x0] =	vst.idx.msk $0xffff, v10  }
0x13f: {  	[tilespmem:v25+s5+$0x0] =	vst.idx.msk $0xffff, v49  }
0x140: {  	v4 =	vld [tilespmem:s18+$0x740];
	_ =	sdelay $0x2  }
0x141: {  	v6 =	vpop (erf)  }
0x142: {  	v10 =	vpop (erf)  }
0x143: {  	[tilespmem:v25+s6+$0x0] =	vst.idx.msk $0xffff, v4;
	v0 =	vmul.f32 v6, v0;
	v3 =	vmul.f32 v10, v3  }
0x144: {  	[tilespmem:v22+s5+$0x0] =	vst.idx.msk $0xffff, v53  }
0x145: {  	v4 =	vand.u32 $0x7FFFFFFF, v0;
	v10 =	vld [tilespmem:s18+$0x780];
	v6 =	vand.u32 $0x7FFFFFFF, v3  }
0x146: {  	vm1 =	vlt.u32 v4, $0x7F800001;
	vm3 =	vgt.u32 v6, $0x7F800000  }
0x147: {  	vm11 =	vgt.f32 v3, v0;
	vm1 =	vmand vm1, vm3  }
0x148: {  	vm1 =	vmor vm11, vm1  }
0x149: {  	vm3 =	vgt.f32 v11, $4.000000000e+00;
	v0 =	vsel vm1, $0x0, v0  }
0x14a: {  	[tilespmem:v22+s6+$0x0] =	vst.idx.msk $0xffff, v10;
	v0 =	vsel vm3, v0, v12  }
0x14b: {  	[tilespmem:v24+s5+$0x0] =	vst.idx.msk $0xffff, v0  }
0x14c: {  	v0 =	vld [tilespmem:s18+$0x7C0];
	_ =	sdelay $0x4  }
0x14d: {  	[tilespmem:v24+s6+$0x0] =	vst.idx.msk $0xffff, v0  }
0x14e: {  	[tilespmem:v7+s5+$0x0] =	vst.idx.msk $0xffff, v59  }
0x14f: {  	v0 =	vld [tilespmem:s18+$0x800];
	_ =	sdelay $0x4  }
0x150: {  	[tilespmem:v7+s6+$0x0] =	vst.idx.msk $0xffff, v0  }
0x151: {  	[tilespmem:v9+s5+$0x0] =	vst.idx.msk $0xffff, v58  }
0x152: {  	v0 =	vld [tilespmem:s18+$0x840];
	_ =	sdelay $0x4  }
0x153: {  	[tilespmem:v9+s6+$0x0] =	vst.idx.msk $0xffff, v0  }
0x154: {  	[tilespmem:v21+s5+$0x0] =	vst.idx.msk $0xffff, v62  }
0x155: {  	v0 =	vld [tilespmem:s18+$0x880];
	_ =	sdelay $0x4  }
0x156: {  	[tilespmem:v21+s6+$0x0] =	vst.idx.msk $0xffff, v0  }
0x157: {  	[tilespmem:v23+s5+$0x0] =	vst.idx.msk $0xffff, v5  }
0x158: {  	v0 =	vld [tilespmem:s18+$0x8C0];
	_ =	sdelay $0x3  }
0x159: {  	v3 =	vnsel vm1, $0x0, v3  }
0x15a: {  	v3 =	vsel vm3, v3, v13;
	[tilespmem:v23+s6+$0x0] =	vst.idx.msk $0xffff, v0  }
0x15b: {  	[tilespmem:v26+s5+$0x0] =	vst.idx.msk $0xffff, v3  }
0x15c: {  	v0 =	vld [tilespmem:s18+$0x900];
	_ =	sdelay $0x1  }
0x15d: {  	vm1 =	vmand vm3, vm1  }
0x15e: {  	vm3 =	vgt.f32 v14, $4.000000000e+00;
	vm11 =	vmneg vm1  }
0x15f: {  	vm3 =	vmand vm11, vm3  }
0x160: {  	[tilespmem:v26+s6+$0x0] =	vst.idx.msk $0xffff, v0;
	v0 =	vsel vm3, $0x1, v16  }
0x161: {  	v3 =	vsel vm1, $0x1, v16;
	vm1 =	vmneg vm3;
	[tilespmem:v2+s7+$0x0] =	vst.idx.msk $0xffff, v0  }
0x162: {  	v0 =	vsel vm1, $0x1, v16;
	[tilespmem:v7+s7+$0x0] =	vst.idx.msk $0xffff, v3  }
0x163: {  	[tilespmem:v8+s7+$0x0] =	vst.idx.msk $0xffff, v0;
	v0 =	vsel vm11, $0x1, v16  }
0x164: {  	[tilespmem:v9+s7+$0x0] =	vst.idx.msk $0xffff, v0  }
0x165: {  	v0 =	vld [tilespmem:s18+$0x1D0]  }
0x166: {  	v3 =	vld [tilespmem:s18+$0x210]  }
0x167: {  	v4 =	vld [tilespmem:s18+$0x250]  }
0x168: {  	v5 =	vld.idx.msk [tilespmem:v17+s23+$0x0], $0xffff  }
0x169: {  	v10 =	vld.idx.msk [tilespmem:v19+s23+$0x0], $0xffff  }
0x16a: {  	v63 =	vld.idx.msk [tilespmem:v20+s23+$0x0], $0xffff  }
0x16b: {  	v6 =	vld.idx.msk [tilespmem:v18+s23+$0x0], $0xffff  }
0x16c: {  	v11 =	vld [tilespmem:s18+$0x290];
	_ =	sdelay $0x1  }
0x16d: {  	v54 =	vadd.f32 s19, v0;
	v5 =	vadd.f32 s19, v5;
	v55 =	vmul.f32 $5.000000000e-01, v4  }
0x16e: {  	v15 =	vadd.f32 s20, v3;
	v56 =	vmul.f32 $5.000000000e-01, v10;
	v58 =	vmul.f32 $5.000000000e-01, v63  }
0x16f: {  	v6 =	vadd.f32 s20, v6;
	v13 =	vmul.f32 $1.428571490e-01, v54;
	v5 =	vmul.f32 $1.428571490e-01, v5  }
0x170: {  	v10 =	vmax.f32 v10, $0.0e+00;
	v57 =	vmul.f32 $1.428571490e-01, v15;
	v15 =	vmul.f32 $5.000000000e-01, v11  }
0x171: {  	v6 =	vmul.f32 $1.428571490e-01, v6;
	v13 =	vsub.f32 v13, v55;
	v5 =	vsub.f32 v5, v56  }
0x172: {  	v48 =	vld [tilespmem:s18+$0x310];
	v52 =	vmax.f32 v11, $0.0e+00;
	v14 =	vsub.f32 v57, v15;
	v15 =	vmax.f32 v4, $0.0e+00  }
0x173: {  	v51 =	vld [tilespmem:s18+$0x390];
	v6 =	vsub.f32 v6, v58;
	v13 =	vmax.f32 v13, $0.0e+00;
	v5 =	vmax.f32 v5, $0.0e+00  }
0x174: {  	v47 =	vld [tilespmem:s18+$0x350];
	v12 =	vmax.f32 v63, $0.0e+00;
	v59 =	vadd.f32 v13, v15;
	v60 =	vadd.f32 v5, v10  }
0x175: {  	v50 =	vadd.f32 v12, v52;
	v14 =	vmax.f32 v14, $0.0e+00;
	v5 =	vmin.f32 v13, v5;
	v13 =	vld.idx.msk [tilespmem:v31+s23+$0x0], $0xffff  }
0x176: {  	v55 =	vld.idx.msk [tilespmem:v33+s23+$0x0], $0xffff;
	v6 =	vmax.f32 v6, $0.0e+00;
	v62 =	vadd.f32 v14, v52;
	v49 =	vmax.f32 v59, v60  }
0x177: {  	v63 =	vadd.f32 v6, v12;
	v5 =	vsub.f32 v49, v5;
	v49 =	vld.idx.msk [tilespmem:v32+s23+$0x0], $0xffff  }
0x178: {  	v56 =	vld [tilespmem:s18+$0x3D0];
	v57 =	vmax.f32 v51, $0.0e+00;
	v61 =	vadd.f32 v10, v15;
	v6 =	vmin.f32 v14, v6  }
0x179: {  	v14 =	vld.idx.msk [tilespmem:v34+s23+$0x0], $0xffff;
	v53 =	vmax.f32 v62, v63;
	v60 =	vadd.f32 s19, v48;
	v63 =	vadd.f32 s20, v47  }
0x17a: {  	v62 =	vmul.f32 $5.000000000e-01, v51;
	v6 =	vsub.f32 v53, v6;
	v13 =	vadd.f32 s19, v13  }
0x17b: {  	v5 =	vsub.f32 v61, v5;
	v61 =	vmul.f32 $1.428571490e-01, v60;
	v60 =	vmul.f32 $5.000000000e-01, v55  }
0x17c: {  	v55 =	vmax.f32 v55, $0.0e+00;
	v13 =	vmul.f32 $1.428571490e-01, v13;
	v49 =	vadd.f32 s20, v49  }
0x17d: {  	v53 =	vsub.f32 v61, v62;
	v61 =	vmul.f32 $1.428571490e-01, v63;
	v62 =	vmul.f32 $5.000000000e-01, v56  }
0x17e: {  	v63 =	vmul.f32 $5.000000000e-01, v14;
	v13 =	vsub.f32 v13, v60;
	v49 =	vmul.f32 $1.428571490e-01, v49  }
0x17f: {  	v6 =	vsub.f32 v50, v6;
	v14 =	vmax.f32 v14, $0.0e+00;
	v54 =	vsub.f32 v61, v62  }
0x180: {  	v53 =	vmax.f32 v53, $0.0e+00;
	v13 =	vmax.f32 v13, $0.0e+00;
	v49 =	vsub.f32 v49, v63  }
0x181: {  	v58 =	vadd.f32 v53, v57;
	v50 =	vmax.f32 v54, $0.0e+00;
	v59 =	vadd.f32 v13, v55  }
0x182: {  	v60 =	vld [tilespmem:s18+$0x2D0];
	v54 =	vmax.f32 v56, $0.0e+00;
	v13 =	vmin.f32 v53, v13;
	v49 =	vmax.f32 v49, $0.0e+00  }
0x183: {  	v61 =	vld [tilespmem:s18+$0x410];
	v53 =	vadd.f32 v50, v54;
	v58 =	vmax.f32 v58, v59;
	v59 =	vadd.f32 v49, v14  }
0x184: {  	v5 =	vmax.f32 v5, $0.0e+00;
	v62 =	vld.idx.msk [tilespmem:v35+s23+$0x0], $0xffff;
	v63 =	vadd.f32 v55, v57;
	v13 =	vsub.f32 v58, v13  }
0x185: {  	v58 =	vld.idx.msk [tilespmem:v36+s23+$0x0], $0xffff;
	v49 =	vmin.f32 v50, v49;
	[tilespmem:v17+s5+$0x0] =	vst.idx.msk $0xffff, v0;
	v53 =	vmax.f32 v53, v59  }
0x186: {  	v0 =	vmax.f32 v6, $0.0e+00;
	v6 =	vadd.f32 v14, v54;
	v50 =	vld [tilespmem:s18+$0x6D0];
	v49 =	vsub.f32 v53, v49  }
0x187: {  	v10 =	vmul.f32 v12, v10;
	v0 =	vmul.f32 v0, v5  }
0x188: {  	v5 =	vmul.f32 v52, v15;
	v53 =	vsub.f32 v63, v13;
	v6 =	vsub.f32 v6, v49  }
0x189: {  	v14 =	vmul.f32 v14, v55;
	v59 =	vmul.f32 v54, v57  }
0x18a: {  	v5 =	vadd.f32 v10, v5;
	v10 =	vmax.f32 v53, $0.0e+00;
	v6 =	vmax.f32 v6, $0.0e+00  }
0x18b: {  	[tilespmem:v17+s6+$0x0] =	vst.idx.msk $0xffff, v50;
	v6 =	vmul.f32 v6, v10;
	v10 =	vadd.f32 v14, v59  }
0x18c: {  	v5 =	vsub.f32 v5, v0;
	[tilespmem:v19+s5+$0x0] =	vst.idx.msk $0xffff, v3  }
0x18d: {  	v3 =	vsub.f32 v10, v6;
	v10 =	vld [tilespmem:s18+$0x710]  }
0x18e: {  	(erf) = vrcp.f32 v5  }
0x18f: {  	(erf) = vrcp.f32 v3;
	_ =	sdelay $0x2  }
0x190: {  	[tilespmem:v19+s6+$0x0] =	vst.idx.msk $0xffff, v10  }
0x191: {  	[tilespmem:v35+s5+$0x0] =	vst.idx.msk $0xffff, v4  }
0x192: {  	v3 =	vld [tilespmem:s18+$0x750];
	_ =	sdelay $0x2  }
0x193: {  	v4 =	vpop (erf)  }
0x194: {  	v5 =	vpop (erf)  }
0x195: {  	v0 =	vmul.f32 v4, v0;
	v4 =	vmul.f32 v5, v6;
	[tilespmem:v35+s6+$0x0] =	vst.idx.msk $0xffff, v3  }
0x196: {  	[tilespmem:v32+s5+$0x0] =	vst.idx.msk $0xffff, v11  }
0x197: {  	v3 =	vand.u32 $0x7FFFFFFF, v0;
	v5 =	vand.u32 $0x7FFFFFFF, v4;
	v6 =	vld [tilespmem:s18+$0x790]  }
0x198: {  	vm1 =	vlt.u32 v3, $0x7F800001;
	vm3 =	vgt.u32 v5, $0x7F800000  }
0x199: {  	vm11 =	vgt.f32 v4, v0;
	vm1 =	vmand vm1, vm3  }
0x19a: {  	vm1 =	vmor vm11, vm1  }
0x19b: {  	vm3 =	vgt.f32 v58, $4.000000000e+00;
	v0 =	vsel vm1, $0x0, v0  }
0x19c: {  	v0 =	vsel vm3, v0, v60;
	[tilespmem:v32+s6+$0x0] =	vst.idx.msk $0xffff, v6  }
0x19d: {  	[tilespmem:v34+s5+$0x0] =	vst.idx.msk $0xffff, v0  }
0x19e: {  	v0 =	vld [tilespmem:s18+$0x7D0];
	_ =	sdelay $0x4  }
0x19f: {  	[tilespmem:v34+s6+$0x0] =	vst.idx.msk $0xffff, v0  }
0x1a0: {  	[tilespmem:v18+s5+$0x0] =	vst.idx.msk $0xffff, v48  }
0x1a1: {  	v0 =	vld [tilespmem:s18+$0x810];
	_ =	sdelay $0x4  }
0x1a2: {  	[tilespmem:v18+s6+$0x0] =	vst.idx.msk $0xffff, v0  }
0x1a3: {  	[tilespmem:v20+s5+$0x0] =	vst.idx.msk $0xffff, v47  }
0x1a4: {  	v0 =	vld [tilespmem:s18+$0x850];
	_ =	sdelay $0x4  }
0x1a5: {  	[tilespmem:v20+s6+$0x0] =	vst.idx.msk $0xffff, v0  }
0x1a6: {  	[tilespmem:v31+s5+$0x0] =	vst.idx.msk $0xffff, v51  }
0x1a7: {  	v0 =	vld [tilespmem:s18+$0x890];
	_ =	sdelay $0x4  }
0x1a8: {  	[tilespmem:v31+s6+$0x0] =	vst.idx.msk $0xffff, v0  }
0x1a9: {  	[tilespmem:v33+s5+$0x0] =	vst.idx.msk $0xffff, v56  }
0x1aa: {  	v0 =	vld [tilespmem:s18+$0x8D0];
	_ =	sdelay $0x3  }
0x1ab: {  	v3 =	vnsel vm1, $0x0, v4  }
0x1ac: {  	v3 =	vsel vm3, v3, v61;
	[tilespmem:v33+s6+$0x0] =	vst.idx.msk $0xffff, v0  }
0x1ad: {  	[tilespmem:v36+s5+$0x0] =	vst.idx.msk $0xffff, v3  }
0x1ae: {  	v0 =	vld [tilespmem:s18+$0x910];
	_ =	sdelay $0x1  }
0x1af: {  	vm1 =	vmand vm3, vm1  }
0x1b0: {  	vm3 =	vgt.f32 v62, $4.000000000e+00;
	vm11 =	vmneg vm1  }
0x1b1: {  	vm3 =	vmand vm11, vm3  }
0x1b2: {  	[tilespmem:v36+s6+$0x0] =	vst.idx.msk $0xffff, v0;
	v0 =	vsel vm3, $0x1, v16  }
0x1b3: {  	v3 =	vsel vm1, $0x1, v16;
	vm1 =	vmneg vm3;
	[tilespmem:v17+s7+$0x0] =	vst.idx.msk $0xffff, v0  }
0x1b4: {  	v0 =	vsel vm1, $0x1, v16;
	[tilespmem:v18+s7+$0x0] =	vst.idx.msk $0xffff, v3  }
0x1b5: {  	[tilespmem:v19+s7+$0x0] =	vst.idx.msk $0xffff, v0;
	v0 =	vsel vm11, $0x1, v16  }
0x1b6: {  	[tilespmem:v20+s7+$0x0] =	vst.idx.msk $0xffff, v0  }
0x1b7: {  	v0 =	vld [tilespmem:s18+$0x440]  }
0x1b8: {  	v3 =	vld [tilespmem:s18+$0x480]  }
0x1b9: {  	v4 =	vld [tilespmem:s18+$0x4C0]  }
0x1ba: {  	v5 =	vld.idx.msk [tilespmem:v27+s23+$0x0], $0xffff  }
0x1bb: {  	v10 =	vld.idx.msk [tilespmem:v29+s23+$0x0], $0xffff  }
0x1bc: {  	v63 =	vld.idx.msk [tilespmem:v30+s23+$0x0], $0xffff  }
0x1bd: {  	v6 =	vld.idx.msk [tilespmem:v28+s23+$0x0], $0xffff  }
0x1be: {  	v11 =	vld [tilespmem:s18+$0x500];
	_ =	sdelay $0x1  }
0x1bf: {  	v54 =	vadd.f32 s19, v0;
	v5 =	vadd.f32 s19, v5;
	v55 =	vmul.f32 $5.000000000e-01, v4  }
0x1c0: {  	v15 =	vadd.f32 s20, v3;
	v56 =	vmul.f32 $5.000000000e-01, v10;
	v58 =	vmul.f32 $5.000000000e-01, v63  }
0x1c1: {  	v6 =	vadd.f32 s20, v6;
	v13 =	vmul.f32 $1.428571490e-01, v54;
	v5 =	vmul.f32 $1.428571490e-01, v5  }
0x1c2: {  	v10 =	vmax.f32 v10, $0.0e+00;
	v57 =	vmul.f32 $1.428571490e-01, v15;
	v15 =	vmul.f32 $5.000000000e-01, v11  }
0x1c3: {  	v6 =	vmul.f32 $1.428571490e-01, v6;
	v13 =	vsub.f32 v13, v55;
	v5 =	vsub.f32 v5, v56  }
0x1c4: {  	v48 =	vld [tilespmem:s18+$0x580];
	v52 =	vmax.f32 v11, $0.0e+00;
	v14 =	vsub.f32 v57, v15;
	v15 =	vmax.f32 v4, $0.0e+00  }
0x1c5: {  	v51 =	vld [tilespmem:s18+$0x600];
	v6 =	vsub.f32 v6, v58;
	v13 =	vmax.f32 v13, $0.0e+00;
	v5 =	vmax.f32 v5, $0.0e+00  }
0x1c6: {  	v47 =	vld [tilespmem:s18+$0x5C0];
	v12 =	vmax.f32 v63, $0.0e+00;
	v59 =	vadd.f32 v13, v15;
	v60 =	vadd.f32 v5, v10  }
0x1c7: {  	v50 =	vadd.f32 v12, v52;
	v14 =	vmax.f32 v14, $0.0e+00;
	v5 =	vmin.f32 v13, v5;
	v13 =	vld.idx.msk [tilespmem:v41+s23+$0x0], $0xffff  }
0x1c8: {  	v55 =	vld.idx.msk [tilespmem:v43+s23+$0x0], $0xffff;
	v6 =	vmax.f32 v6, $0.0e+00;
	v62 =	vadd.f32 v14, v52;
	v49 =	vmax.f32 v59, v60  }
0x1c9: {  	v63 =	vadd.f32 v6, v12;
	v5 =	vsub.f32 v49, v5;
	v49 =	vld.idx.msk [tilespmem:v42+s23+$0x0], $0xffff  }
0x1ca: {  	v56 =	vld [tilespmem:s18+$0x640];
	v57 =	vmax.f32 v51, $0.0e+00;
	v61 =	vadd.f32 v10, v15;
	v6 =	vmin.f32 v14, v6  }
0x1cb: {  	v14 =	vld.idx.msk [tilespmem:v44+s23+$0x0], $0xffff;
	v53 =	vmax.f32 v62, v63;
	v60 =	vadd.f32 s19, v48;
	v63 =	vadd.f32 s20, v47  }
0x1cc: {  	v62 =	vmul.f32 $5.000000000e-01, v51;
	v6 =	vsub.f32 v53, v6;
	v13 =	vadd.f32 s19, v13  }
0x1cd: {  	v5 =	vsub.f32 v61, v5;
	v61 =	vmul.f32 $1.428571490e-01, v60;
	v60 =	vmul.f32 $5.000000000e-01, v55  }
0x1ce: {  	v55 =	vmax.f32 v55, $0.0e+00;
	v13 =	vmul.f32 $1.428571490e-01, v13;
	v49 =	vadd.f32 s20, v49  }
0x1cf: {  	v53 =	vsub.f32 v61, v62;
	v61 =	vmul.f32 $1.428571490e-01, v63;
	v62 =	vmul.f32 $5.000000000e-01, v56  }
0x1d0: {  	v63 =	vmul.f32 $5.000000000e-01, v14;
	v13 =	vsub.f32 v13, v60;
	v49 =	vmul.f32 $1.428571490e-01, v49  }
0x1d1: {  	v6 =	vsub.f32 v50, v6;
	v14 =	vmax.f32 v14, $0.0e+00;
	v54 =	vsub.f32 v61, v62  }
0x1d2: {  	v53 =	vmax.f32 v53, $0.0e+00;
	v13 =	vmax.f32 v13, $0.0e+00;
	v49 =	vsub.f32 v49, v63  }
0x1d3: {  	v58 =	vadd.f32 v53, v57;
	v50 =	vmax.f32 v54, $0.0e+00;
	v59 =	vadd.f32 v13, v55  }
0x1d4: {  	v60 =	vld [tilespmem:s18+$0x540];
	v54 =	vmax.f32 v56, $0.0e+00;
	v13 =	vmin.f32 v53, v13;
	v49 =	vmax.f32 v49, $0.0e+00  }
0x1d5: {  	v61 =	vld [tilespmem:s18+$0x680];
	v53 =	vadd.f32 v50, v54;
	v58 =	vmax.f32 v58, v59;
	v59 =	vadd.f32 v49, v14  }
0x1d6: {  	v5 =	vmax.f32 v5, $0.0e+00;
	v62 =	vld.idx.msk [tilespmem:v45+s23+$0x0], $0xffff;
	v63 =	vadd.f32 v55, v57;
	v13 =	vsub.f32 v58, v13  }
0x1d7: {  	v58 =	vld.idx.msk [tilespmem:v37+s23+$0x0], $0xffff;
	v49 =	vmin.f32 v50, v49;
	[tilespmem:v27+s5+$0x0] =	vst.idx.msk $0xffff, v0;
	v53 =	vmax.f32 v53, v59  }
0x1d8: {  	v0 =	vmax.f32 v6, $0.0e+00;
	v6 =	vadd.f32 v14, v54;
	v50 =	vld [tilespmem:s18+$0x940];
	v49 =	vsub.f32 v53, v49  }
0x1d9: {  	v10 =	vmul.f32 v12, v10;
	v0 =	vmul.f32 v0, v5  }
0x1da: {  	v5 =	vmul.f32 v52, v15;
	v53 =	vsub.f32 v63, v13;
	v6 =	vsub.f32 v6, v49  }
0x1db: {  	v14 =	vmul.f32 v14, v55;
	v59 =	vmul.f32 v54, v57  }
0x1dc: {  	v5 =	vadd.f32 v10, v5;
	v10 =	vmax.f32 v53, $0.0e+00;
	v6 =	vmax.f32 v6, $0.0e+00  }
0x1dd: {  	[tilespmem:v27+s6+$0x0] =	vst.idx.msk $0xffff, v50;
	v6 =	vmul.f32 v6, v10;
	v10 =	vadd.f32 v14, v59  }
0x1de: {  	v5 =	vsub.f32 v5, v0;
	[tilespmem:v29+s5+$0x0] =	vst.idx.msk $0xffff, v3  }
0x1df: {  	v3 =	vsub.f32 v10, v6;
	v10 =	vld [tilespmem:s18+$0x980]  }
0x1e0: {  	(erf) = vrcp.f32 v5  }
0x1e1: {  	(erf) = vrcp.f32 v3;
	_ =	sdelay $0x2  }
0x1e2: {  	[tilespmem:v29+s6+$0x0] =	vst.idx.msk $0xffff, v10  }
0x1e3: {  	[tilespmem:v45+s5+$0x0] =	vst.idx.msk $0xffff, v4  }
0x1e4: {  	v3 =	vld [tilespmem:s18+$0x9C0];
	_ =	sdelay $0x2  }
0x1e5: {  	v4 =	vpop (erf)  }
0x1e6: {  	v5 =	vpop (erf)  }
0x1e7: {  	v0 =	vmul.f32 v4, v0;
	v4 =	vmul.f32 v5, v6;
	[tilespmem:v45+s6+$0x0] =	vst.idx.msk $0xffff, v3  }
0x1e8: {  	[tilespmem:v42+s5+$0x0] =	vst.idx.msk $0xffff, v11  }
0x1e9: {  	v3 =	vand.u32 $0x7FFFFFFF, v0;
	v5 =	vand.u32 $0x7FFFFFFF, v4;
	v6 =	vld [tilespmem:s18+$0xA00]  }
0x1ea: {  	vm1 =	vlt.u32 v3, $0x7F800001;
	vm3 =	vgt.u32 v5, $0x7F800000  }
0x1eb: {  	vm11 =	vgt.f32 v4, v0;
	vm1 =	vmand vm1, vm3  }
0x1ec: {  	vm1 =	vmor vm11, vm1  }
0x1ed: {  	vm3 =	vgt.f32 v58, $4.000000000e+00;
	v0 =	vsel vm1, $0x0, v0  }
0x1ee: {  	v0 =	vsel vm3, v0, v60;
	[tilespmem:v42+s6+$0x0] =	vst.idx.msk $0xffff, v6  }
0x1ef: {  	[tilespmem:v44+s5+$0x0] =	vst.idx.msk $0xffff, v0  }
0x1f0: {  	v0 =	vld [tilespmem:s18+$0xA40];
	_ =	sdelay $0x4  }
0x1f1: {  	[tilespmem:v44+s6+$0x0] =	vst.idx.msk $0xffff, v0  }
0x1f2: {  	[tilespmem:v28+s5+$0x0] =	vst.idx.msk $0xffff, v48  }
0x1f3: {  	v0 =	vld [tilespmem:s18+$0xA80];
	_ =	sdelay $0x4  }
0x1f4: {  	[tilespmem:v28+s6+$0x0] =	vst.idx.msk $0xffff, v0  }
0x1f5: {  	[tilespmem:v30+s5+$0x0] =	vst.idx.msk $0xffff, v47  }
0x1f6: {  	v0 =	vld [tilespmem:s18+$0xAC0];
	_ =	sdelay $0x4  }
0x1f7: {  	[tilespmem:v30+s6+$0x0] =	vst.idx.msk $0xffff, v0  }
0x1f8: {  	[tilespmem:v41+s5+$0x0] =	vst.idx.msk $0xffff, v51  }
0x1f9: {  	v0 =	vld [tilespmem:s18+$0xB00];
	_ =	sdelay $0x4  }
0x1fa: {  	[tilespmem:v41+s6+$0x0] =	vst.idx.msk $0xffff, v0  }
0x1fb: {  	[tilespmem:v43+s5+$0x0] =	vst.idx.msk $0xffff, v56  }
0x1fc: {  	v0 =	vld [tilespmem:s18+$0xB40];
	_ =	sdelay $0x3  }
0x1fd: {  	v3 =	vnsel vm1, $0x0, v4  }
0x1fe: {  	v3 =	vsel vm3, v3, v61;
	[tilespmem:v43+s6+$0x0] =	vst.idx.msk $0xffff, v0  }
0x1ff: {  	[tilespmem:v37+s5+$0x0] =	vst.idx.msk $0xffff, v3  }
0x200: {  	v0 =	vld [tilespmem:s18+$0xB80];
	_ =	sdelay $0x1  }
0x201: {  	vm1 =	vmand vm3, vm1  }
0x202: {  	vm3 =	vgt.f32 v62, $4.000000000e+00;
	vm11 =	vmneg vm1  }
0x203: {  	vm3 =	vmand vm11, vm3  }
0x204: {  	[tilespmem:v37+s6+$0x0] =	vst.idx.msk $0xffff, v0;
	v0 =	vsel vm3, $0x1, v16  }
0x205: {  	v3 =	vsel vm1, $0x1, v16;
	vm1 =	vmneg vm3;
	[tilespmem:v27+s7+$0x0] =	vst.idx.msk $0xffff, v0  }
0x206: {  	v0 =	vsel vm1, $0x1, v16;
	[tilespmem:v28+s7+$0x0] =	vst.idx.msk $0xffff, v3  }
0x207: {  	[tilespmem:v29+s7+$0x0] =	vst.idx.msk $0xffff, v0;
	v0 =	vsel vm11, $0x1, v16  }
0x208: {  	[tilespmem:v30+s7+$0x0] =	vst.idx.msk $0xffff, v0  }
0x209: {  	v54 =	vld.idx.msk [tilespmem:v1+s23+$0x0], $0xffff  }
0x20a: {  	v1 =	vld [tilespmem:$0x1FFB0];
	_ =	sdelay $0x1  }
0x20b: {  	v0 =	vld [tilespmem:s18+$0x450]  }
0x20c: {  	v3 =	vld [tilespmem:s18+$0x490]  }
0x20d: {  	v4 =	vld [tilespmem:s18+$0x4D0]  }
0x20e: {  	v5 =	vld.idx.msk [tilespmem:v38+s23+$0x0], $0xffff  }
0x20f: {  	v6 =	vld.idx.msk [tilespmem:v39+s23+$0x0], $0xffff  }
0x210: {  	v10 =	vld.idx.msk [tilespmem:v40+s23+$0x0], $0xffff  }
0x211: {  	v52 =	vld.idx.msk [tilespmem:v1+s23+$0x0], $0xffff  }
0x212: {  	v1 =	vld [tilespmem:$0x1FFC0]  }
0x213: {  	v63 =	vld.idx.msk [tilespmem:v46+s23+$0x0], $0xffff  }
0x214: {  	v11 =	vld [tilespmem:s18+$0x510];
	_ =	sdelay $0x1  }
0x215: {  	v55 =	vadd.f32 s19, v0;
	v5 =	vadd.f32 s19, v5;
	v56 =	vmul.f32 $5.000000000e-01, v4  }
0x216: {  	v15 =	vadd.f32 s20, v3;
	v57 =	vmul.f32 $5.000000000e-01, v10;
	v6 =	vadd.f32 s20, v6  }
0x217: {  	v49 =	vld [tilespmem:s18+$0x5D0];
	v59 =	vmul.f32 $5.000000000e-01, v63;
	v10 =	vmax.f32 v10, $0.0e+00;
	v5 =	vmul.f32 $1.428571490e-01, v5  }
0x218: {  	v48 =	vld [tilespmem:s18+$0x590];
	v53 =	vmax.f32 v11, $0.0e+00;
	v13 =	vmul.f32 $1.428571490e-01, v55;
	v58 =	vmul.f32 $1.428571490e-01, v15  }
0x219: {  	v15 =	vmul.f32 $5.000000000e-01, v11;
	v6 =	vmul.f32 $1.428571490e-01, v6;
	v5 =	vsub.f32 v5, v57;
	v57 =	vld.idx.msk [tilespmem:v1+s23+$0x0], $0xffff  }
0x21a: {  	v12 =	vmax.f32 v63, $0.0e+00;
	v54 =	vadd.f32 s19, v54;
	v13 =	vsub.f32 v13, v56;
	v1 =	vld [tilespmem:$0x1FFD0]  }
0x21b: {  	v47 =	vld [tilespmem:s18+$0x650];
	v14 =	vsub.f32 v58, v15;
	v15 =	vmax.f32 v4, $0.0e+00;
	v6 =	vsub.f32 v6, v59  }
0x21c: {  	v50 =	vld [tilespmem:s18+$0x610];
	v56 =	vadd.f32 s20, v49;
	v13 =	vmax.f32 v13, $0.0e+00;
	v5 =	vmax.f32 v5, $0.0e+00  }
0x21d: {  	v14 =	vmax.f32 v14, $0.0e+00;
	v60 =	vadd.f32 v13, v15;
	v61 =	vadd.f32 v5, v10  }
0x21e: {  	v6 =	vmax.f32 v6, $0.0e+00;
	v56 =	vmul.f32 $1.428571490e-01, v56;
	v5 =	vmin.f32 v13, v5  }
0x21f: {  	v62 =	vadd.f32 v14, v53;
	v51 =	vmax.f32 v60, v61;
	v60 =	vadd.f32 s19, v48  }
0x220: {  	v63 =	vadd.f32 v6, v12;
	v6 =	vmin.f32 v14, v6;
	v61 =	vmul.f32 $5.000000000e-01, v47  }
0x221: {  	v52 =	vadd.f32 s20, v52;
	v58 =	vmul.f32 $1.428571490e-01, v60;
	v60 =	vmul.f32 $5.000000000e-01, v50  }
0x222: {  	v14 =	vmul.f32 $1.428571490e-01, v54;
	v5 =	vsub.f32 v51, v5;
	v61 =	vsub.f32 v56, v61;
	v51 =	vld.idx.msk [tilespmem:v1+s23+$0x0], $0xffff  }
0x223: {  	v13 =	vmax.f32 v62, v63;
	v58 =	vsub.f32 v58, v60;
	v54 =	vmul.f32 $5.000000000e-01, v57  }
0x224: {  	v52 =	vmul.f32 $1.428571490e-01, v52;
	v6 =	vsub.f32 v13, v6;
	v13 =	vmax.f32 v61, $0.0e+00  }
0x225: {  	v16 =	vmovc v24;
	v56 =	vmax.f32 v58, $0.0e+00;
	v14 =	vsub.f32 v14, v54;
	v54 =	vmax.f32 v50, $0.0e+00  }
0x226: {  	v24 =	vmovc v22;
	v58 =	vmax.f32 v47, $0.0e+00;
	v57 =	vmax.f32 v57, $0.0e+00;
	v61 =	vadd.f32 v56, v54;
	v1 =	vmovc v40  }
0x227: {  	v40 =	vmovc v39;
	v39 =	vmovc v37;
	v37 =	vmov v30;
	v30 =	vmov v29;
	v60 =	vmul.f32 $5.000000000e-01, v51  }
0x228: {  	v29 =	vmovc v28;
	v28 =	vmovc v27;
	v27 =	vmov v20;
	v20 =	vmov v19;
	v19 =	vmov v18  }
0x229: {  	v18 =	vmovc v17;
	v17 =	vmovc v9;
	v9 =	vmov v8;
	v8 =	vmov v7;
	v52 =	vsub.f32 v52, v60  }
0x22a: {  	v7 =	vmovc v45;
	v45 =	vmovc v43;
	v43 =	vmov v41;
	v41 =	vmov v35;
	v14 =	vmax.f32 v14, $0.0e+00  }
0x22b: {  	v35 =	vmovc v33;
	v33 =	vmovc v31;
	v62 =	vadd.f32 v14, v57;
	v51 =	vmax.f32 v51, $0.0e+00;
	v52 =	vmax.f32 v52, $0.0e+00  }
0x22c: {  	v31 =	vmovc v25;
	v25 =	vmovc v23;
	v23 =	vmov v21;
	v21 =	vadd.f32 v13, v58;
	v22 =	vadd.f32 v52, v51  }
0x22d: {  	v62 =	vmax.f32 v61, v62;
	v61 =	vld [tilespmem:$0x1FFE0]  }
0x22e: {  	v21 =	vmax.f32 v21, v22;
	v22 =	vld [tilespmem:$0x1FFF0];
	_ =	sdelay $0x4  }
0x22f: {  	v63 =	vld [tilespmem:s18+$0x690]  }
0x230: {  	v60 =	vld [tilespmem:s18+$0x550]  }
0x231: {  	v14 =	vmin.f32 v56, v14;
	v56 =	vld.idx.msk [tilespmem:v61+s23+$0x0], $0xffff  }
0x232: {  	v55 =	vadd.f32 v10, v15;
	v13 =	vmin.f32 v13, v52;
	v22 =	vld.idx.msk [tilespmem:v22+s23+$0x0], $0xffff;
	[tilespmem:v38+s5+$0x0] =	vst.idx.msk $0xffff, v0  }
0x233: {  	v59 =	vadd.f32 v12, v53;
	v13 =	vsub.f32 v21, v13;
	v21 =	vld [tilespmem:s18+$0x950]  }
0x234: {  	v5 =	vsub.f32 v55, v5  }
0x235: {  	v6 =	vsub.f32 v59, v6  }
0x236: {  	v10 =	vmul.f32 v12, v10;
	v5 =	vmax.f32 v5, $0.0e+00;
	v14 =	vsub.f32 v62, v14  }
0x237: {  	v62 =	vadd.f32 v57, v54;
	v0 =	vmax.f32 v6, $0.0e+00;
	v6 =	vadd.f32 v51, v58  }
0x238: {  	v0 =	vmul.f32 v0, v5;
	[tilespmem:v38+s6+$0x0] =	vst.idx.msk $0xffff, v21;
	v21 =	vmovc v23;
	v23 =	vmov v25;
	v25 =	vmov v31  }
0x239: {  	v31 =	vmovc v33;
	v33 =	vmovc v35;
	v35 =	vmov v41;
	v41 =	vmov v43;
	v43 =	vmov v45  }
0x23a: {  	v45 =	vmovc v7;
	v7 =	vmovc v8;
	v8 =	vmov v9;
	v9 =	vmov v17;
	v17 =	vmov v18  }
0x23b: {  	v18 =	vmovc v19;
	v19 =	vmovc v20;
	v20 =	vmov v27;
	v27 =	vmov v28;
	v28 =	vmov v29  }
0x23c: {  	v29 =	vmovc v30;
	v30 =	vmovc v37;
	v37 =	vmov v39;
	v39 =	vmov v40;
	v40 =	vmov v1  }
0x23d: {  	v5 =	vmul.f32 v53, v15;
	v53 =	vsub.f32 v62, v14;
	v6 =	vsub.f32 v6, v13  }
0x23e: {  	v55 =	vmul.f32 v58, v54;
	v58 =	vmul.f32 v51, v57  }
0x23f: {  	v5 =	vadd.f32 v10, v5;
	v10 =	vmax.f32 v53, $0.0e+00;
	v6 =	vmax.f32 v6, $0.0e+00  }
0x240: {  	v62 =	vld [tilespmem:$0x1FFE0];
	v6 =	vmul.f32 v6, v10;
	v10 =	vadd.f32 v58, v55  }
0x241: {  	v5 =	vsub.f32 v5, v0;
	[tilespmem:v40+s5+$0x0] =	vst.idx.msk $0xffff, v3  }
0x242: {  	v3 =	vsub.f32 v10, v6;
	v10 =	vld [tilespmem:s18+$0x990]  }
0x243: {  	(erf) = vrcp.f32 v5  }
0x244: {  	(erf) = vrcp.f32 v3;
	_ =	sdelay $0x2  }
0x245: {  	[tilespmem:v40+s6+$0x0] =	vst.idx.msk $0xffff, v10;
	v10 =	vld [tilespmem:$0x1FFB0]  }
0x246: {  	[tilespmem:v62+s5+$0x0] =	vst.idx.msk $0xffff, v4  }
0x247: {  	v3 =	vld [tilespmem:s18+$0x9D0];
	_ =	sdelay $0x2  }
0x248: {  	v4 =	vpop (erf)  }
0x249: {  	v5 =	vpop (erf)  }
0x24a: {  	v59 =	vld [tilespmem:$0x1FFD0];
	v0 =	vmul.f32 v4, v0;
	v4 =	vmul.f32 v5, v6;
	[tilespmem:v62+s6+$0x0] =	vst.idx.msk $0xffff, v3  }
0x24b: {  	[tilespmem:v10+s5+$0x0] =	vst.idx.msk $0xffff, v11  }
0x24c: {  	v3 =	vand.u32 $0x7FFFFFFF, v0;
	v5 =	vand.u32 $0x7FFFFFFF, v4;
	v6 =	vld [tilespmem:s18+$0xA10]  }
0x24d: {  	vm1 =	vlt.u32 v3, $0x7F800001;
	vm3 =	vgt.u32 v5, $0x7F800000  }
0x24e: {  	vm11 =	vgt.f32 v4, v0;
	vm1 =	vmand vm1, vm3  }
0x24f: {  	vm1 =	vmor vm11, vm1  }
0x250: {  	vm3 =	vgt.f32 v22, $4.000000000e+00;
	v0 =	vsel vm1, $0x0, v0  }
0x251: {  	v0 =	vsel vm3, v0, v60;
	[tilespmem:v10+s6+$0x0] =	vst.idx.msk $0xffff, v6  }
0x252: {  	[tilespmem:v59+s5+$0x0] =	vst.idx.msk $0xffff, v0  }
0x253: {  	v0 =	vld [tilespmem:s18+$0xA50];
	_ =	sdelay $0x4  }
0x254: {  	[tilespmem:v59+s6+$0x0] =	vst.idx.msk $0xffff, v0  }
0x255: {  	[tilespmem:v39+s5+$0x0] =	vst.idx.msk $0xffff, v48  }
0x256: {  	v0 =	vld [tilespmem:s18+$0xA90];
	_ =	sdelay $0x4  }
0x257: {  	v1 =	vld [tilespmem:$0x1FF40];
	[tilespmem:v39+s6+$0x0] =	vst.idx.msk $0xffff, v0  }
0x258: {  	[tilespmem:v46+s5+$0x0] =	vst.idx.msk $0xffff, v49  }
0x259: {  	v0 =	vld [tilespmem:s18+$0xAD0];
	_ =	sdelay $0x4  }
0x25a: {  	v11 =	vld [tilespmem:$0x1FFC0];
	[tilespmem:v46+s6+$0x0] =	vst.idx.msk $0xffff, v0  }
0x25b: {  	[tilespmem:v1+s5+$0x0] =	vst.idx.msk $0xffff, v50  }
0x25c: {  	v0 =	vld [tilespmem:s18+$0xB10];
	_ =	sdelay $0x4  }
0x25d: {  	v61 =	vld [tilespmem:$0x1FFF0];
	[tilespmem:v1+s6+$0x0] =	vst.idx.msk $0xffff, v0  }
0x25e: {  	[tilespmem:v11+s5+$0x0] =	vst.idx.msk $0xffff, v47  }
0x25f: {  	v0 =	vld [tilespmem:s18+$0xB50];
	_ =	sdelay $0x3  }
0x260: {  	v3 =	vnsel vm1, $0x0, v4  }
0x261: {  	v3 =	vsel vm3, v3, v63;
	[tilespmem:v11+s6+$0x0] =	vst.idx.msk $0xffff, v0  }
0x262: {  	[tilespmem:v61+s5+$0x0] =	vst.idx.msk $0xffff, v3  }
0x263: {  	v0 =	vld [tilespmem:s18+$0xB90];
	_ =	sdelay $0x1  }
0x264: {  	vm1 =	vmand vm3, vm1  }
0x265: {  	s22 =	smul.u32 $0x1400, s17;
	vm3 =	vgt.f32 v56, $4.000000000e+00;
	vm11 =	vmneg vm1  }
0x266: {  	s21 =	sand.u32 $0x1, s15;
	s3 =	sshll.u32 s15, $0x7;
	s20 =	smul.u32 $0x8C00, s16;
	v22 =	vmovc v24;
	v24 =	vmov v16;
	v16 =	vimm.s32 $0x0;
	vm3 =	vmand vm11, vm3  }
0x267: {  	s3 =	sand.u32 $0x100, s3;
	s1 =	sshll.u32 s21, $0x6;
	[tilespmem:v61+s6+$0x0] =	vst.idx.msk $0xffff, v0;
	v0 =	vsel vm3, $0x1, v16  }
0x268: {  	s1 =	sor.u32 s1, s3;
	s0 =	sadd.s32 s20, s22;
	v3 =	vsel vm1, $0x1, v16;
	vm1 =	vmneg vm3;
	[tilespmem:v38+s7+$0x0] =	vst.idx.msk $0xffff, v0  }
0x269: {  	s0 =	sor.u32 s0, s1;
	v0 =	vsel vm1, $0x1, v16;
	[tilespmem:v39+s7+$0x0] =	vst.idx.msk $0xffff, v3  }
0x26a: {  	s24 =	rddreg [dreg:$0x7];
	s0 =	sshrl.u32 s0, $0x3;
	[tilespmem:v40+s7+$0x0] =	vst.idx.msk $0xffff, v0;
	v0 =	vsel vm11, $0x1, v16  }
0x26b: {  	s0 =	sadd.s32 s24, s0;
	[tilespmem:v46+s7+$0x0] =	vst.idx.msk $0xffff, v0  }
0x26c: {  	[hbm4b:s0+s8] =	stream.strided.scatter [tilespmem:s5], [sflag:$0xF], $0x80, s9, s8, $0x38;
	[tilespmem:$0x77C0] =	vst v63  }
0x26d: {  	s25 =	rddreg [dreg:$0xa];
	s2 =	sadd.s32 $0x80, s0  }
0x26e: {  	[hbm4b:s2+s8] =	stream.strided.scatter [tilespmem:s25], [sflag:$0xF], $0x80, s9, s8, $0x38;
	[tilespmem:$0x77C0] =	vst v63  }
0x26f: {  	s26 =	rddreg [dreg:$0xb];
	s28 =	sadd.s32 $0x100, s0  }
0x270: {  	[hbm4b:s28+s8] =	stream.strided.scatter [tilespmem:s26], [sflag:$0xF], $0x80, s9, s8, $0x38;
	[tilespmem:$0x77C0] =	vst v63  }
0x271: {  	s29 =	rddreg [dreg:$0xc];
	s30 =	sadd.s32 $0x180, s0  }
0x272: {  	[hbm4b:s30+s8] =	stream.strided.scatter [tilespmem:s29], [sflag:$0xF], $0x80, s9, s8, $0x38;
	[tilespmem:$0x77C0] =	vst v63  }
0x273: {  	s31 =	rddreg [dreg:$0xd];
	s2 =	sadd.s32 $0x200, s0  }
0x274: {  	[hbm4b:s2+s8] =	stream.strided.scatter [tilespmem:s31], [sflag:$0xF], $0x80, s9, s8, $0x38;
	[tilespmem:$0x77C0] =	vst v63  }
0x275: {  	_ =	swait.ge [sflag:s10], $0x280  }
0x276: {  	[sflag:s10] =	ssyncset.done $0x0  }
0x277: {  	s13 =	sadd.s32 $0x40, s0;
	[sflag:s10] =	ssyncadd.s32 $0xFFFFFD80  }
0x278: {  	[hbm4b:s13+s8] =	stream.strided.scatter [tilespmem:s6], [sflag:$0xF], $0x80, s9, s8, $0x38;
	[tilespmem:$0x77C0] =	vst v63  }
0x279: {  	s19 =	sadd.s32 $0xC0, s0;
	s18 =	rddreg [dreg:$0xe]  }
0x27a: {  	[hbm4b:s19+s8] =	stream.strided.scatter [tilespmem:s18], [sflag:$0xF], $0x80, s9, s8, $0x38;
	[tilespmem:$0x77C0] =	vst v63  }
0x27b: {  	s21 =	sadd.s32 $0x140, s0;
	s24 =	sadd.s32 $0x1C0, s0;
	s20 =	rddreg [dreg:$0xf]  }
0x27c: {  	[hbm4b:s21+s8] =	stream.strided.scatter [tilespmem:s20], [sflag:$0xF], $0x80, s9, s8, $0x38;
	[tilespmem:$0x77C0] =	vst v63  }
0x27d: {  	s0 =	sadd.s32 $0x240, s0;
	s26 =	smul.u32 $0xE00, s16;
	s22 =	rddreg [dreg:$0x10]  }
0x27e: {  	[hbm4b:s24+s8] =	stream.strided.scatter [tilespmem:s22], [sflag:$0xF], $0x80, s9, s8, $0x38;
	[tilespmem:$0x77C0] =	vst v63  }
0x27f: {  	s28 =	sand.u32 $0x3, s15;
	s29 =	sshll.u32 s17, $0x8;
	s25 =	rddreg [dreg:$0x11]  }
0x280: {  	[hbm4b:s0+s8] =	stream.strided.scatter [tilespmem:s25], [sflag:$0xF], $0x80, s9, s8, $0x38;
	[tilespmem:$0x77C0] =	vst v63  }
0x281: {  	s1 =	sshll.u32 s28, $0x6;
	s0 =	sadd.s32 s26, s29  }
0x282: {  	_ =	swait.ge [sflag:s10], $0x280;
	s0 =	sor.u32 s1, s0  }
0x283: {  	s30 =	rddreg [dreg:$0x8];
	[sflag:s10] =	ssyncset.done $0x0;
	s0 =	sshrl.u32 s0, $0x3  }
0x284: {  	p2 =	sne.s32 s12, $0x12000;
	[sflag:s10] =	ssyncadd.s32 $0xFFFFFD80;
	s0 =	sadd.s32 s30, s0  }
0x285: {  	[hbm4b:s0+s8] =	stream.strided.scatter [tilespmem:s7], [sflag:$0xF], $0x80, s11, s8, $0x38;
	[tilespmem:$0x77C0] =	vst v63  }
.Ltmp2:
0x286: {  	s31 =	rddreg [dreg:$0x12];
	s0 =	sadd.s32 $0xC40, s0;
	(pc) =	sbr.rel @p2 .LBB2_5-.Ltmp2, $4  }
0x287: {  	[hbm4b:s0+s8] =	stream.strided.scatter [tilespmem:s31], [sflag:$0xF], $0x80, s11, s8, $0x38;
	[tilespmem:$0x77C0] =	vst v63  }
0x288: {  	s12 =	sadd.s32 $0x3000, s12;
	_ =	swait.ge [sflag:s10], $0x100  }
0x289: {  	p1 =	por !p1, !p1;
	s14 =	sadd.s32 $0x2, s14;
	[sflag:s10] =	ssyncset.done $0x0  }
0x28a: {  	s23 =	sadd.s32 $0x400, s23;
	s15 =	sadd.s32 $0x1, s15;
	[sflag:s10] =	ssyncadd.s32 $0xFFFFFF00  }
0x28b: {  	s5 =	rddreg [dreg:$0x13]  }
0x28c: {  	s0 =	rddreg [dreg:$0x14];
	s5 =	sadd.s32 $0x1, s5  }
0x28d: {  	v0 =	vld [tilespmem:$0x1FF50];
	p1 =	sne.s32 s5, s0  }
.Ltmp3:
0x28e: {  	v3 =	vld [tilespmem:$0x1FF60];
	(pc) =	sbr.rel @p1 .LBB2_2-.Ltmp3, $4  }
0x28f: {  	v4 =	vld [tilespmem:$0x1FF70]  }
0x290: {  	v5 =	vld [tilespmem:$0x1FF80]  }
0x291: {  	v6 =	vld [tilespmem:$0x1FF90]  }
0x292: {  	vm1 =	vcmask $0x2F2C;
	vm3 =	vcmask $0x3734;
	vm11 =	vcmask $0x704;
	v1 =	vld [tilespmem:$0x1FFA0]  }
.LBB2_7:
0x293: {  	_ =	sfence.sel $0x180000  }
0x294: {  	[bflag:$0x0] =	sbarrier.arrive $0xFFFF  }
0x295: {  	_ =	strace $0x90000047  }
0x296: {  	s0 =	stileid.u32;
	[bflag:$0x2] =	sbarrier.arrive $0xFFFF  }
0x297: {  	p0 =	sne.s32 s0, $0x0;
	s0 =	rddreg [dreg:$0x2]  }
0x298: {  	s0 =	sadd.s32 @!p0 $0x100000, s0  }
0x299: {  	[sflag:s0] =	ssyncadd.tile.s32 @!p0 $0x1;
	_ =	shalt  }
.Lfunc_end2:
_tile_overlayer_lowered:
.L_overlay_start_2:
0x29a: {  	(tag) =	ssettag $0x2  }
0x29b: {  	s0 =	rddreg [dreg:$0x0];
	s2 =	stileid.u32  }
0x29c: {  	s1 =	rddreg [dreg:$0x1];
	p0 =	sne.s32 s2, $0x0  }
0x29d: {  	s3 =	rddreg [dreg:$0x2];
	[bflag:$0x3] =	sbarrier.arrive $0xFFFF;
	s2 =	simm.s32 @!p0 $0x1C0F  }
0x29e: {  	[timem:s3], [sflag:s2] =	dma.local @!p0 [hbm:s0], s1  }
0x29f: {  	s0 =	simm.s32 @!p0 $0xF  }
0x2a0: {  	_ =	swait.ge @!p0 [sflag:s0], s1  }
0x2a1: {  	s1 =	ssub.s32 @!p0 $0x0, s1;
	[sflag:s0] =	ssyncset.done @!p0 $0x0  }
0x2a2: {  	[sflag:s0] =	ssyncadd.s32 @!p0 s1  }
0x2a3: {  	[bflag:$0x3] =	sbarrier.arrive $0xFFFF  }
0x2a4: {  	_ =	shalt  }

</sc_bundles>
